<compile_context>
chip_gen: v7x
topology: tpu7x:2x2x1
jax: 0.10.2.dev20260603
libtpu: 0.0.44.dev20260713+nightly
codegen_flags: <defaults>
</compile_context>

<pallas_src>
import functools

import jax
import jax.numpy as jnp
from jax import lax
from jax.experimental import pallas as pl
from jax.experimental.pallas import tpu as pltpu
from jax.experimental.pallas import tpu_sc as plsc

N = 50000
E = 800000
VOCAB = 100000
EMB = 32
HID = 64
NCLS = 2
G = 128

NCORE = 2
NSUB = 16
NW = NCORE * NSUB
C = 128
NBUF = 4

NPT = 1664
NCH_N = NPT // C
N_PAD = NW * NPT
EPT1 = 25088
NCH_E1 = EPT1 // C
E_PAD = NW * EPT1
NPH = 1
GRP = 7
NGP = NCH_E1 // NPH // GRP
RPT = N_PAD // NSUB
ZROWS = 64
GP = G + 16
PW = 80
BLK = 2048
NBLK = N_PAD // BLK

_mesh = plsc.VectorSubcoreMesh(
    core_axis_name="c", subcore_axis_name="s", num_cores=NCORE,
    num_subcores=NSUB)

def _seg_scratch(width):
    return [
        pltpu.VMEM((GRP, C), jnp.int32),
        pltpu.VMEM((GRP, C), jnp.int32),
        pltpu.VMEM((NBUF, C, width), jnp.bfloat16),
        pltpu.VMEM((ZROWS, width), jnp.bfloat16),
        pltpu.VMEM_SHARED((N_PAD, width), jnp.bfloat16),
    ] + [pltpu.SemaphoreType.DMA] * (2 * NBUF)


def _zero_vmem(buf):
    rows, width = buf.shape
    lanes = 32 if buf.dtype == jnp.bfloat16 else 16
    zv = jnp.zeros((lanes,), buf.dtype)

    def body(i, carry):
        for k in range(width // lanes):
            buf[i, pl.ds(k * lanes, lanes)] = zv
        return carry

    lax.fori_loop(0, rows, body, 0)


def _zero_shared(acc, zbuf, row0, nrows):
    zrows = zbuf.shape[0]

    def body(k, carry):
        pltpu.sync_copy(zbuf, acc.at[pl.ds(row0 + k * zrows, zrows)])
        return carry

    lax.fori_loop(0, nrows // zrows, body, 0)


def _edge_pipeline(hsrc, src_hbm, dst_hbm, srcbuf, dstbuf, rows, gsems,
                   ssems, acc, n_groups, grp=GRP, base=0):

    def group(g, carry):
        pltpu.sync_copy(src_hbm.at[pl.ds(base + g * grp, grp)], srcbuf)
        pltpu.sync_copy(dst_hbm.at[pl.ds(base + g * grp, grp)], dstbuf)
        gd = [None] * grp
        sd = [None] * grp
        for j in range(2):
            gd[j] = pltpu.async_copy(
                hsrc.at[srcbuf.at[j]], rows.at[j % NBUF], gsems[j % NBUF])
        for j in range(grp):
            jn = j + 2
            if jn < grp:
                if jn >= NBUF:
                    sd[jn - NBUF].wait()
                gd[jn] = pltpu.async_copy(
                    hsrc.at[srcbuf.at[jn]], rows.at[jn % NBUF],
                    gsems[jn % NBUF])
            gd[j].wait()
            sd[j] = pltpu.async_copy(
                rows.at[j % NBUF], acc.at[dstbuf.at[j]], ssems[j % NBUF],
                add=True)
        for j in range(grp - NBUF, grp):
            sd[j].wait()
        return carry

    lax.fori_loop(0, n_groups, group, 0)


@functools.partial(
    pl.kernel,
    out_type=jax.ShapeDtypeStruct((N_PAD, EMB), jnp.bfloat16),
    mesh=_mesh,
    compiler_params=pltpu.CompilerParams(use_tc_tiling_on_sc=False),
    scratch_types=[
        pltpu.VMEM((NCH_N, C), jnp.int32),
        pltpu.VMEM((NPT, EMB), jnp.bfloat16),
        pltpu.SemaphoreType.DMA,
    ],
)
def _emb_gather(table, x_r, out, idxbuf, rows, sem):
    c = lax.axis_index("c")
    s = lax.axis_index("s")
    wid = s * NCORE + c
    pltpu.sync_copy(x_r.at[wid], idxbuf)
    gd = []
    for j in range(NCH_N):
        gd.append(pltpu.async_copy(
            table.at[idxbuf.at[j]], rows.at[pl.ds(j * C, C)], sem))
    for d in gd:
        d.wait()
    pltpu.sync_copy(rows, out.at[pl.ds(wid * NPT, NPT)])


@functools.partial(
    pl.kernel,
    out_type=jax.ShapeDtypeStruct((NPH * NCORE, N_PAD, EMB), jnp.bfloat16),
    mesh=_mesh,
    compiler_params=pltpu.CompilerParams(use_tc_tiling_on_sc=False),
    scratch_types=_seg_scratch(EMB),
)
def _seg1(h0b, src_r, dst_r, out, srcbuf, dstbuf, rows, zbuf, acc, *sems):
    c = lax.axis_index("c")
    s = lax.axis_index("s")
    wid = s * NCORE + c
    _zero_vmem(zbuf)
    _zero_shared(acc, zbuf, s * RPT, RPT)
    for p in range(NPH):
        plsc.subcore_barrier()
        _edge_pipeline(h0b, src_r.at[wid], dst_r.at[wid], srcbuf, dstbuf,
                       rows, sems[:NBUF], sems[NBUF:], acc, NGP,
                       base=p * NGP * GRP)
        plsc.subcore_barrier()
        pltpu.sync_copy(acc.at[pl.ds(s * RPT, RPT)],
                        out.at[p * NCORE + c].at[pl.ds(s * RPT, RPT)])
        if p + 1 < NPH:
            _zero_shared(acc, zbuf, s * RPT, RPT)


@functools.partial(
    pl.kernel,
    out_type=jax.ShapeDtypeStruct((NPH * NCORE, N_PAD, HID), jnp.bfloat16),
    mesh=_mesh,
    compiler_params=pltpu.CompilerParams(use_tc_tiling_on_sc=False),
    scratch_types=_seg_scratch(HID),
)
def _seg2(h1b, src_r, dst_r, out, srcbuf, dstbuf, rows, zbuf, acc, *sems):
    c = lax.axis_index("c")
    s = lax.axis_index("s")
    wid = s * NCORE + c
    _zero_vmem(zbuf)
    _zero_shared(acc, zbuf, s * RPT, RPT)
    for p in range(NPH):
        plsc.subcore_barrier()
        _edge_pipeline(h1b, src_r.at[wid], dst_r.at[wid], srcbuf, dstbuf,
                       rows, sems[:NBUF], sems[NBUF:], acc, NGP,
                       base=p * NGP * GRP)
        plsc.subcore_barrier()
        pltpu.sync_copy(acc.at[pl.ds(s * RPT, RPT)],
                        out.at[p * NCORE + c].at[pl.ds(s * RPT, RPT)])
        if p + 1 < NPH:
            _zero_shared(acc, zbuf, s * RPT, RPT)


def _mm1_body(aref, h0ref, wrel, wroot, bref, oref, orefb):
    a = sum(aref[q].astype(jnp.float32) for q in range(1, NPH * NCORE))
    a = a + aref[0].astype(jnp.float32)
    h0 = h0ref[...].astype(jnp.float32)
    r = (jnp.dot(a, wrel[...], preferred_element_type=jnp.float32)
         + jnp.dot(h0, wroot[...], preferred_element_type=jnp.float32)
         + bref[...])
    h1 = jnp.maximum(r, 0.0)
    oref[...] = h1
    orefb[...] = h1.astype(jnp.bfloat16)


def _mm1(agg1, h0b, W1_rel, W1_root, b1):
    return pl.pallas_call(
        _mm1_body,
        grid=(NBLK,),
        in_specs=[
            pl.BlockSpec((NPH * NCORE, BLK, EMB), lambda i: (0, i, 0)),
            pl.BlockSpec((BLK, EMB), lambda i: (i, 0)),
            pl.BlockSpec((EMB, HID), lambda i: (0, 0)),
            pl.BlockSpec((EMB, HID), lambda i: (0, 0)),
            pl.BlockSpec((1, HID), lambda i: (0, 0)),
        ],
        out_specs=[
            pl.BlockSpec((BLK, HID), lambda i: (i, 0)),
            pl.BlockSpec((BLK, HID), lambda i: (i, 0)),
        ],
        out_shape=[
            jax.ShapeDtypeStruct((N_PAD, HID), jnp.float32),
            jax.ShapeDtypeStruct((N_PAD, HID), jnp.bfloat16),
        ],
    )(agg1, h0b, W1_rel, W1_root, b1)


def _mm2_pool_body(a2ref, h1ref, bat, wrel, wroot, bref, wl, bl, oref, acc):
    i = pl.program_id(0)

    @pl.when(i == 0)
    def _():
        acc[...] = jnp.zeros((G, HID + 1), jnp.float32)

    a = sum(a2ref[q].astype(jnp.float32) for q in range(1, NPH * NCORE))
    a = a + a2ref[0].astype(jnp.float32)
    r = (jnp.dot(a, wrel[...], preferred_element_type=jnp.float32)
         + jnp.dot(h1ref[...], wroot[...], preferred_element_type=jnp.float32)
         + bref[...])
    h2 = jnp.maximum(r, 0.0)
    sel = (bat[...] == lax.broadcasted_iota(jnp.int32, (BLK, G), 1))
    sel = sel.astype(jnp.float32)
    h2o = jnp.concatenate([h2, jnp.ones((BLK, 1), jnp.float32)], axis=1)
    acc[...] += lax.dot_general(sel, h2o, (((0,), (0,)), ((), ())),
                                preferred_element_type=jnp.float32)

    @pl.when(i == NBLK - 1)
    def _():
        su = acc[...]
        pooled = su[:, :HID] / jnp.maximum(su[:, HID:HID + 1], 1.0)
        oref[...] = (jnp.dot(pooled, wl[...],
                             preferred_element_type=jnp.float32) + bl[...])


def _mm2_pool(agg2, h1, batch_p, W2_rel, W2_root, b2, W_lin, b_lin):
    return pl.pallas_call(
        _mm2_pool_body,
        grid=(NBLK,),
        in_specs=[
            pl.BlockSpec((NPH * NCORE, BLK, HID), lambda i: (0, i, 0)),
            pl.BlockSpec((BLK, HID), lambda i: (i, 0)),
            pl.BlockSpec((BLK, 1), lambda i: (i, 0)),
            pl.BlockSpec((HID, HID), lambda i: (0, 0)),
            pl.BlockSpec((HID, HID), lambda i: (0, 0)),
            pl.BlockSpec((1, HID), lambda i: (0, 0)),
            pl.BlockSpec((HID, NCLS), lambda i: (0, 0)),
            pl.BlockSpec((1, NCLS), lambda i: (0, 0)),
        ],
        out_specs=pl.BlockSpec((G, NCLS), lambda i: (0, 0)),
        out_shape=jax.ShapeDtypeStruct((G, NCLS), jnp.float32),
        scratch_shapes=[pltpu.VMEM((G, HID + 1), jnp.float32)],
    )(agg2, h1, batch_p, W2_rel, W2_root, b2, W_lin, b_lin)


def kernel(x, edge_index, batch, emb_table, W1_rel, W1_root, b1,
           W2_rel, W2_root, b2, W_lin, b_lin):
    i32 = jnp.int32
    table_b = emb_table.at[0].set(0.0).astype(jnp.bfloat16)
    x_r = jnp.concatenate(
        [x.astype(i32), jnp.zeros((N_PAD - N,), i32)]).reshape(NW, NCH_N, C)
    src = edge_index[0].astype(i32)
    dst = edge_index[1].astype(i32)
    src_p = jnp.concatenate([src, jnp.zeros((E_PAD - E,), i32)])
    dst_p = jnp.concatenate([dst, jnp.full((E_PAD - E,), N, i32)])
    src1_r = src_p.reshape(NW, NCH_E1, C)
    dst1_r = dst_p.reshape(NW, NCH_E1, C)
    batch_p = jnp.concatenate(
        [batch.astype(i32), jnp.full((N_PAD - N,), G, i32)]
    ).reshape(N_PAD, 1)

    h0b = _emb_gather(table_b, x_r)
    agg1 = _seg1(h0b, src1_r, dst1_r)
    h1, h1b = _mm1(agg1, h0b, W1_rel, W1_root, b1.reshape(1, HID))
    agg2 = _seg2(h1b, src1_r, dst1_r)
    return _mm2_pool(agg2, h1, batch_p, W2_rel, W2_root, b2.reshape(1, HID),
                     W_lin, b_lin.reshape(1, NCLS))

# --- scband reference (transcript-rebuilt; emitter-appended) ---
"""Pipeline reference for scband-gnn-88648124990323 (READ-ONLY COPY).

The authoritative reference and input builder live on the scoring server;
editing this copy changes nothing except your own understanding.
"""

import jax, jax.numpy as jnp
import numpy as np

N = 50000
E = 800000
VOCAB = 100000
EMB = 32
HID = 64
NC = 2
G = 128  # number of graphs in the batch


def setup_inputs(seed: int = 0) -> dict:
    key = jax.random.key(seed)
    ks = jax.random.split(key, 12)
    x = jax.random.randint(ks[0], (N,), 0, VOCAB, dtype=jnp.int64) if jax.config.read('jax_enable_x64') else jax.random.randint(ks[0], (N,), 0, VOCAB, dtype=jnp.int32)
    edge_index = jax.random.randint(ks[1], (2, E), 0, N, dtype=jnp.int32)
    batch = jnp.sort(jax.random.randint(ks[2], (N,), 0, G, dtype=jnp.int32))
    emb_table = jax.random.normal(ks[3], (VOCAB, EMB), dtype=jnp.float32) * 0.05
    W1_rel = jax.random.normal(ks[4], (EMB, HID), dtype=jnp.float32) * (1.0 / np.sqrt(EMB))
    W1_root = jax.random.normal(ks[5], (EMB, HID), dtype=jnp.float32) * (1.0 / np.sqrt(EMB))
    b1 = jnp.zeros((HID,), dtype=jnp.float32)
    W2_rel = jax.random.normal(ks[6], (HID, HID), dtype=jnp.float32) * (1.0 / np.sqrt(HID))
    W2_root = jax.random.normal(ks[7], (HID, HID), dtype=jnp.float32) * (1.0 / np.sqrt(HID))
    b2 = jnp.zeros((HID,), dtype=jnp.float32)
    W_lin = jax.random.normal(ks[8], (HID, NC), dtype=jnp.float32) * (1.0 / np.sqrt(HID))
    b_lin = jnp.zeros((NC,), dtype=jnp.float32)
    return {"x": x, "edge_index": edge_index, "batch": batch,
            "emb_table": emb_table,
            "W1_rel": W1_rel, "W1_root": W1_root, "b1": b1,
            "W2_rel": W2_rel, "W2_root": W2_root, "b2": b2,
            "W_lin": W_lin, "b_lin": b_lin}


def reference(x, edge_index, batch, emb_table, W1_rel, W1_root, b1, W2_rel, W2_root, b2, W_lin, b_lin):
    # nn.Embedding with padding_idx=0 -> row 0 is zero
    table = emb_table.at[0].set(0.0)
    h = jnp.take(table, x, axis=0)  # [N, EMB]
    src = edge_index[0]
    dst = edge_index[1]

    def graph_conv(h, W_rel, W_root, b):
        # PyG GraphConv (aggr='add'): out = lin_rel(sum_{j in N(i)} x_j) + lin_root(x_i)
        msgs = jnp.take(h, src, axis=0)                      # gather [E, d]
        agg = jax.ops.segment_sum(msgs, dst, num_segments=N) # scatter-add [N, d]
        return agg @ W_rel + h @ W_root + b

    h = jax.nn.relu(graph_conv(h, W1_rel, W1_root, b1))
    h = jax.nn.relu(graph_conv(h, W2_rel, W2_root, b2))

    # global_mean_pool over batch vector
    counts = jax.ops.segment_sum(jnp.ones((N,), dtype=h.dtype), batch, num_segments=G)
    sums = jax.ops.segment_sum(h, batch, num_segments=G)
    pooled = sums / jnp.clip(counts, 1.0)[:, None]
    return pooled @ W_lin + b_lin

if __name__ == "__main__":
    import jax
    _d = setup_inputs()
    print(jax.jit(kernel)(*tuple(_d.values())))

</pallas_src>

<mosaic_0001>
#map = affine_map<(d0, d1) -> (0, 0)>
#map1 = affine_map<(d0, d1) -> (0, 0, 0)>
module attributes {stable_mosaic.version = 14 : i64} {
  func.func @_seg1(%arg0: i32, %arg1: i32, %arg2: memref<53248x32xbf16, #tpu.memory_space<hbm>>, %arg3: memref<32x196x128xi32, #tpu.memory_space<hbm>>, %arg4: memref<32x196x128xi32, #tpu.memory_space<hbm>>, %arg5: memref<2x53248x32xbf16, #tpu.memory_space<hbm>>, %arg6: memref<7x128xi32, #tpu.memory_space<vmem>>, %arg7: memref<7x128xi32, #tpu.memory_space<vmem>>, %arg8: memref<4x128x32xbf16, #tpu.memory_space<vmem>>, %arg9: memref<64x32xbf16, #tpu.memory_space<vmem>>, %arg10: memref<53248x32xbf16, #tpu.memory_space<vmem_shared>>, %arg11: memref<!tpu.dma_semaphore, #tpu.memory_space<semaphore_mem>>, %arg12: memref<!tpu.dma_semaphore, #tpu.memory_space<semaphore_mem>>, %arg13: memref<!tpu.dma_semaphore, #tpu.memory_space<semaphore_mem>>, %arg14: memref<!tpu.dma_semaphore, #tpu.memory_space<semaphore_mem>>, %arg15: memref<!tpu.dma_semaphore, #tpu.memory_space<semaphore_mem>>, %arg16: memref<!tpu.dma_semaphore, #tpu.memory_space<semaphore_mem>>, %arg17: memref<!tpu.dma_semaphore, #tpu.memory_space<semaphore_mem>>, %arg18: memref<!tpu.dma_semaphore, #tpu.memory_space<semaphore_mem>>) attributes {dimension_semantics = [#tpu.dimension_semantics<core_parallel>, #tpu.dimension_semantics<subcore_parallel>], iteration_bounds = array<i64: 2, 16>, scalar_prefetch = 0 : i64, scratch_operands = 13 : i64, tpu.core_type = #tpu.core_type<sc_vector_subcore>, window_params = [{transform_indices = #map}, {transform_indices = #map1}, {transform_indices = #map1}, {transform_indices = #map1}]} {
    %mul3A = arith.constant 2 : i32
    %mul3A_0 = arith.muli %arg1, %mul3A : i32
    %add3A = arith.addi %mul3A_0, %arg0 : i32
    %broadcast_in_dim3A = arith.constant 0.000000e+00 : bf16
    %broadcast_in_dim3A_1 = vector.broadcast %broadcast_in_dim3A : bf16 to vector<32xbf16>
    %scan3A = arith.constant 0 : i32
    %scan3A_2 = arith.constant 0 : i32
    %scan3A_3 = arith.constant 64 : i32
    %scan3A_4 = arith.addi %scan3A_2, %scan3A_3 : i32
    %scan3A_5 = arith.constant 1 : i32
    scf.for %scan3A_28 = %scan3A_2 to %scan3A_4 step %scan3A_5  : i32 {
      %swap3A = arith.index_cast %scan3A_28 : i32 to index
      %swap3A_29 = arith.constant 0 : index
      %swap3A_30 = tpu.vector_load %arg9[%swap3A, %swap3A_29] {strides = array<i32>} : memref<64x32xbf16, #tpu.memory_space<vmem>>, vector<1x32xbf16>,
      %swap3A_31 = vector.shape_cast %swap3A_30 : vector<1x32xbf16> to vector<32xbf16>
      %swap3A_32 = vector.shape_cast %broadcast_in_dim3A_1 : vector<32xbf16> to vector<1x32xbf16>
      tpu.vector_store %arg9[%swap3A, %swap3A_29], %swap3A_32 {strides = array<i32>} : memref<64x32xbf16, #tpu.memory_space<vmem>>, vector<1x32xbf16>,
    }
    %scan3A_6 = arith.constant 64 : i32
    %mul3A_7 = arith.constant 3328 : i32
    %mul3A_8 = arith.muli %arg1, %mul3A_7 : i32
    %scan3A_9 = arith.constant 0 : i32
    %scan3A_10 = arith.constant 0 : i32
    %scan3A_11 = arith.constant 52 : i32
    %scan3A_12 = arith.addi %scan3A_10, %scan3A_11 : i32
    %scan3A_13 = arith.constant 1 : i32
    scf.for %scan3A_28 = %scan3A_10 to %scan3A_12 step %scan3A_13  : i32 {
      %mul3A_29 = arith.constant 64 : i32
      %mul3A_30 = arith.muli %scan3A_28, %mul3A_29 : i32
      %add3A_31 = arith.addi %mul3A_8, %mul3A_30 : i32
      "tpu.region"() ({
        %run_scoped3A = tpu.sem_alloc : memref<!tpu.dma_semaphore, #tpu.memory_space<semaphore_mem>>
        %dma_start3A = arith.constant 0 : i32
        %dma_start3A_32 = tpu.memref_slice %arg10[%add3A_31, %dma_start3A] : memref<53248x32xbf16, #tpu.memory_space<vmem_shared>> -> memref<64x32xbf16, #tpu.memory_space<vmem_shared>>
        %dma_start3A_33 = arith.constant 0 : i32
        %dma_start3A_34 = tpu.memref_slice %arg10[%add3A_31, %dma_start3A_33] : memref<53248x32xbf16, #tpu.memory_space<vmem_shared>> -> memref<64x32xbf16, #tpu.memory_space<vmem_shared>>
        tpu.enqueue_dma source(%arg9 : memref<64x32xbf16, #tpu.memory_space<vmem>>) target(%dma_start3A_34 : memref<64x32xbf16, #tpu.memory_space<vmem_shared>>) target_semaphore(%run_scoped3A : memref<!tpu.dma_semaphore, #tpu.memory_space<semaphore_mem>>)
        %dma_wait3A = arith.constant 0 : i32
        %dma_wait3A_35 = tpu.memref_slice %arg10[%add3A_31, %dma_wait3A] : memref<53248x32xbf16, #tpu.memory_space<vmem_shared>> -> memref<64x32xbf16, #tpu.memory_space<vmem_shared>>
        %dma_wait3A_36 = arith.constant 0 : i32
        %dma_wait3A_37 = tpu.memref_slice %arg10[%add3A_31, %dma_wait3A_36] : memref<53248x32xbf16, #tpu.memory_space<vmem_shared>> -> memref<64x32xbf16, #tpu.memory_space<vmem_shared>>
        tpu.wait_dma2 semaphore(%run_scoped3A : memref<!tpu.dma_semaphore, #tpu.memory_space<semaphore_mem>>) src(%arg9 : memref<64x32xbf16, #tpu.memory_space<vmem>>) dst(%dma_wait3A_37 : memref<64x32xbf16, #tpu.memory_space<vmem_shared>>)
        tpu.yield
      }) : () -> ()
    }
    %scan3A_14 = arith.constant 52 : i32
    %barrier3A = arith.constant 0 : index
    tpu.barrier barrier_id(%barrier3A)
    %scan3A_15 = arith.constant 0 : i32
    %scan3A_16 = arith.constant 0 : i32
    %scan3A_17 = arith.constant 28 : i32
    %scan3A_18 = arith.addi %scan3A_16, %scan3A_17 : i32
    %scan3A_19 = arith.constant 1 : i32
    scf.for %scan3A_28 = %scan3A_16 to %scan3A_18 step %scan3A_19  : i32 {
      %mul3A_29 = arith.constant 7 : i32
      %mul3A_30 = arith.muli %scan3A_28, %mul3A_29 : i32
      %add3A_31 = arith.constant 0 : i32
      %add3A_32 = arith.addi %add3A_31, %mul3A_30 : i32
      "tpu.region"() ({
        %run_scoped3A = tpu.sem_alloc : memref<!tpu.dma_semaphore, #tpu.memory_space<semaphore_mem>>
        %dma_start3A_371 = arith.constant 0 : i32
        %dma_start3A_372 = arith.constant 0 : i32
        %dma_start3A_373 = tpu.memref_slice %arg3[%add3A, %dma_start3A_371, %dma_start3A_372] : memref<32x196x128xi32, #tpu.memory_space<hbm>> -> memref<1x196x128xi32, #tpu.memory_space<hbm>>
        %dma_start3A_374 = tpu.memref_squeeze %dma_start3A_373 : memref<1x196x128xi32, #tpu.memory_space<hbm>> -> memref<196x128xi32, #tpu.memory_space<hbm>>
        %dma_start3A_375 = arith.constant 0 : i32
        %dma_start3A_376 = tpu.memref_slice %dma_start3A_374[%add3A_32, %dma_start3A_375] : memref<196x128xi32, #tpu.memory_space<hbm>> -> memref<7x128xi32, #tpu.memory_space<hbm>>
        %dma_start3A_377 = arith.constant 0 : i32
        %dma_start3A_378 = arith.constant 0 : i32
        %dma_start3A_379 = tpu.memref_slice %arg3[%add3A, %dma_start3A_377, %dma_start3A_378] : memref<32x196x128xi32, #tpu.memory_space<hbm>> -> memref<1x196x128xi32, #tpu.memory_space<hbm>>
        %dma_start3A_380 = tpu.memref_squeeze %dma_start3A_379 : memref<1x196x128xi32, #tpu.memory_space<hbm>> -> memref<196x128xi32, #tpu.memory_space<hbm>>
        %dma_start3A_381 = arith.constant 0 : i32
        %dma_start3A_382 = tpu.memref_slice %dma_start3A_380[%add3A_32, %dma_start3A_381] : memref<196x128xi32, #tpu.memory_space<hbm>> -> memref<7x128xi32, #tpu.memory_space<hbm>>
        tpu.enqueue_dma source(%dma_start3A_382 : memref<7x128xi32, #tpu.memory_space<hbm>>) target(%arg6 : memref<7x128xi32, #tpu.memory_space<vmem>>) target_semaphore(%run_scoped3A : memref<!tpu.dma_semaphore, #tpu.memory_space<semaphore_mem>>)
        %dma_wait3A_383 = arith.constant 0 : i32
        %dma_wait3A_384 = arith.constant 0 : i32
        %dma_wait3A_385 = tpu.memref_slice %arg3[%add3A, %dma_wait3A_383, %dma_wait3A_384] : memref<32x196x128xi32, #tpu.memory_space<hbm>> -> memref<1x196x128xi32, #tpu.memory_space<hbm>>
        %dma_wait3A_386 = tpu.memref_squeeze %dma_wait3A_385 : memref<1x196x128xi32, #tpu.memory_space<hbm>> -> memref<196x128xi32, #tpu.memory_space<hbm>>
        %dma_wait3A_387 = arith.constant 0 : i32
        %dma_wait3A_388 = tpu.memref_slice %dma_wait3A_386[%add3A_32, %dma_wait3A_387] : memref<196x128xi32, #tpu.memory_space<hbm>> -> memref<7x128xi32, #tpu.memory_space<hbm>>
        %dma_wait3A_389 = arith.constant 0 : i32
        %dma_wait3A_390 = arith.constant 0 : i32
        %dma_wait3A_391 = tpu.memref_slice %arg3[%add3A, %dma_wait3A_389, %dma_wait3A_390] : memref<32x196x128xi32, #tpu.memory_space<hbm>> -> memref<1x196x128xi32, #tpu.memory_space<hbm>>
        %dma_wait3A_392 = tpu.memref_squeeze %dma_wait3A_391 : memref<1x196x128xi32, #tpu.memory_space<hbm>> -> memref<196x128xi32, #tpu.memory_space<hbm>>
        %dma_wait3A_393 = arith.constant 0 : i32
        %dma_wait3A_394 = tpu.memref_slice %dma_wait3A_392[%add3A_32, %dma_wait3A_393] : memref<196x128xi32, #tpu.memory_space<hbm>> -> memref<7x128xi32, #tpu.memory_space<hbm>>
        tpu.wait_dma2 semaphore(%run_scoped3A : memref<!tpu.dma_semaphore, #tpu.memory_space<semaphore_mem>>) src(%dma_wait3A_394 : memref<7x128xi32, #tpu.memory_space<hbm>>) dst(%arg6 : memref<7x128xi32, #tpu.memory_space<vmem>>)
        tpu.yield
      }) : () -> ()
      %mul3A_33 = arith.constant 7 : i32
      %mul3A_34 = arith.muli %scan3A_28, %mul3A_33 : i32
      %add3A_35 = arith.constant 0 : i32
      %add3A_36 = arith.addi %add3A_35, %mul3A_34 : i32
      "tpu.region"() ({
        %run_scoped3A = tpu.sem_alloc : memref<!tpu.dma_semaphore, #tpu.memory_space<semaphore_mem>>
        %dma_start3A_371 = arith.constant 0 : i32
        %dma_start3A_372 = arith.constant 0 : i32
        %dma_start3A_373 = tpu.memref_slice %arg4[%add3A, %dma_start3A_371, %dma_start3A_372] : memref<32x196x128xi32, #tpu.memory_space<hbm>> -> memref<1x196x128xi32, #tpu.memory_space<hbm>>
        %dma_start3A_374 = tpu.memref_squeeze %dma_start3A_373 : memref<1x196x128xi32, #tpu.memory_space<hbm>> -> memref<196x128xi32, #tpu.memory_space<hbm>>
        %dma_start3A_375 = arith.constant 0 : i32
        %dma_start3A_376 = tpu.memref_slice %dma_start3A_374[%add3A_36, %dma_start3A_375] : memref<196x128xi32, #tpu.memory_space<hbm>> -> memref<7x128xi32, #tpu.memory_space<hbm>>
        %dma_start3A_377 = arith.constant 0 : i32
        %dma_start3A_378 = arith.constant 0 : i32
        %dma_start3A_379 = tpu.memref_slice %arg4[%add3A, %dma_start3A_377, %dma_start3A_378] : memref<32x196x128xi32, #tpu.memory_space<hbm>> -> memref<1x196x128xi32, #tpu.memory_space<hbm>>
        %dma_start3A_380 = tpu.memref_squeeze %dma_start3A_379 : memref<1x196x128xi32, #tpu.memory_space<hbm>> -> memref<196x128xi32, #tpu.memory_space<hbm>>
        %dma_start3A_381 = arith.constant 0 : i32
        %dma_start3A_382 = tpu.memref_slice %dma_start3A_380[%add3A_36, %dma_start3A_381] : memref<196x128xi32, #tpu.memory_space<hbm>> -> memref<7x128xi32, #tpu.memory_space<hbm>>
        tpu.enqueue_dma source(%dma_start3A_382 : memref<7x128xi32, #tpu.memory_space<hbm>>) target(%arg7 : memref<7x128xi32, #tpu.memory_space<vmem>>) target_semaphore(%run_scoped3A : memref<!tpu.dma_semaphore, #tpu.memory_space<semaphore_mem>>)
        %dma_wait3A_383 = arith.constant 0 : i32
        %dma_wait3A_384 = arith.constant 0 : i32
        %dma_wait3A_385 = tpu.memref_slice %arg4[%add3A, %dma_wait3A_383, %dma_wait3A_384] : memref<32x196x128xi32, #tpu.memory_space<hbm>> -> memref<1x196x128xi32, #tpu.memory_space<hbm>>
        %dma_wait3A_386 = tpu.memref_squeeze %dma_wait3A_385 : memref<1x196x128xi32, #tpu.memory_space<hbm>> -> memref<196x128xi32, #tpu.memory_space<hbm>>
        %dma_wait3A_387 = arith.constant 0 : i32
        %dma_wait3A_388 = tpu.memref_slice %dma_wait3A_386[%add3A_36, %dma_wait3A_387] : memref<196x128xi32, #tpu.memory_space<hbm>> -> memref<7x128xi32, #tpu.memory_space<hbm>>
        %dma_wait3A_389 = arith.constant 0 : i32
        %dma_wait3A_390 = arith.constant 0 : i32
        %dma_wait3A_391 = tpu.memref_slice %arg4[%add3A, %dma_wait3A_389, %dma_wait3A_390] : memref<32x196x128xi32, #tpu.memory_space<hbm>> -> memref<1x196x128xi32, #tpu.memory_space<hbm>>
        %dma_wait3A_392 = tpu.memref_squeeze %dma_wait3A_391 : memref<1x196x128xi32, #tpu.memory_space<hbm>> -> memref<196x128xi32, #tpu.memory_space<hbm>>
        %dma_wait3A_393 = arith.constant 0 : i32
        %dma_wait3A_394 = tpu.memref_slice %dma_wait3A_392[%add3A_36, %dma_wait3A_393] : memref<196x128xi32, #tpu.memory_space<hbm>> -> memref<7x128xi32, #tpu.memory_space<hbm>>
        tpu.wait_dma2 semaphore(%run_scoped3A : memref<!tpu.dma_semaphore, #tpu.memory_space<semaphore_mem>>) src(%dma_wait3A_394 : memref<7x128xi32, #tpu.memory_space<hbm>>) dst(%arg7 : memref<7x128xi32, #tpu.memory_space<vmem>>)
        tpu.yield
      }) : () -> ()
      %dma_start3A = arith.constant 0 : i32
      %dma_start3A_37 = arith.constant 0 : i32
      %dma_start3A_38 = arith.constant 0 : i32
      %dma_start3A_39 = arith.constant 0 : i32
      %dma_start3A_40 = tpu.memref_slice %arg8[%dma_start3A_37, %dma_start3A_38, %dma_start3A_39] : memref<4x128x32xbf16, #tpu.memory_space<vmem>> -> memref<1x128x32xbf16, #tpu.memory_space<vmem>>
      %dma_start3A_41 = tpu.memref_squeeze %dma_start3A_40 : memref<1x128x32xbf16, #tpu.memory_space<vmem>> -> memref<128x32xbf16, #tpu.memory_space<vmem>>
      %dma_start3A_42 = arith.constant 0 : i32
      %dma_start3A_43 = tpu.memref_slice %arg6[%dma_start3A, %dma_start3A_42] : memref<7x128xi32, #tpu.memory_space<vmem>> -> memref<1x128xi32, #tpu.memory_space<vmem>>
      %dma_start3A_44 = tpu.memref_squeeze %dma_start3A_43 : memref<1x128xi32, #tpu.memory_space<vmem>> -> memref<128xi32, #tpu.memory_space<vmem>>
      %dma_start3A_45 = arith.constant 0 : i32
      %dma_start3A_46 = arith.constant 0 : i32
      %dma_start3A_47 = tpu.memref_slice %arg2[%dma_start3A_45, %dma_start3A_46] : memref<53248x32xbf16, #tpu.memory_space<hbm>> -> memref<53248x32xbf16, #tpu.memory_space<hbm>>
      tpu.enqueue_indirect_dma source(%dma_start3A_47 : memref<53248x32xbf16, #tpu.memory_space<hbm>>) target(%dma_start3A_41 : memref<128x32xbf16, #tpu.memory_space<vmem>>) offsets(%dma_start3A_44 : memref<128xi32, #tpu.memory_space<vmem>>) semaphore(%arg11 : memref<!tpu.dma_semaphore, #tpu.memory_space<semaphore_mem>>)
      %dma_start3A_48 = arith.constant 1 : i32
      %dma_start3A_49 = arith.constant 1 : i32
      %dma_start3A_50 = arith.constant 0 : i32
      %dma_start3A_51 = arith.constant 0 : i32
      %dma_start3A_52 = tpu.memref_slice %arg8[%dma_start3A_49, %dma_start3A_50, %dma_start3A_51] : memref<4x128x32xbf16, #tpu.memory_space<vmem>> -> memref<1x128x32xbf16, #tpu.memory_space<vmem>>
      %dma_start3A_53 = tpu.memref_squeeze %dma_start3A_52 : memref<1x128x32xbf16, #tpu.memory_space<vmem>> -> memref<128x32xbf16, #tpu.memory_space<vmem>>
      %dma_start3A_54 = arith.constant 0 : i32
      %dma_start3A_55 = tpu.memref_slice %arg6[%dma_start3A_48, %dma_start3A_54] : memref<7x128xi32, #tpu.memory_space<vmem>> -> memref<1x128xi32, #tpu.memory_space<vmem>>
      %dma_start3A_56 = tpu.memref_squeeze %dma_start3A_55 : memref<1x128xi32, #tpu.memory_space<vmem>> -> memref<128xi32, #tpu.memory_space<vmem>>
      %dma_start3A_57 = arith.constant 0 : i32
      %dma_start3A_58 = arith.constant 0 : i32
      %dma_start3A_59 = tpu.memref_slice %arg2[%dma_start3A_57, %dma_start3A_58] : memref<53248x32xbf16, #tpu.memory_space<hbm>> -> memref<53248x32xbf16, #tpu.memory_space<hbm>>
      tpu.enqueue_indirect_dma source(%dma_start3A_59 : memref<53248x32xbf16, #tpu.memory_space<hbm>>) target(%dma_start3A_53 : memref<128x32xbf16, #tpu.memory_space<vmem>>) offsets(%dma_start3A_56 : memref<128xi32, #tpu.memory_space<vmem>>) semaphore(%arg12 : memref<!tpu.dma_semaphore, #tpu.memory_space<semaphore_mem>>)
      %dma_start3A_60 = arith.constant 2 : i32
      %dma_start3A_61 = arith.constant 2 : i32
      %dma_start3A_62 = arith.constant 0 : i32
      %dma_start3A_63 = arith.constant 0 : i32
      %dma_start3A_64 = tpu.memref_slice %arg8[%dma_start3A_61, %dma_start3A_62, %dma_start3A_63] : memref<4x128x32xbf16, #tpu.memory_space<vmem>> -> memref<1x128x32xbf16, #tpu.memory_space<vmem>>
      %dma_start3A_65 = tpu.memref_squeeze %dma_start3A_64 : memref<1x128x32xbf16, #tpu.memory_space<vmem>> -> memref<128x32xbf16, #tpu.memory_space<vmem>>
      %dma_start3A_66 = arith.constant 0 : i32
      %dma_start3A_67 = tpu.memref_slice %arg6[%dma_start3A_60, %dma_start3A_66] : memref<7x128xi32, #tpu.memory_space<vmem>> -> memref<1x128xi32, #tpu.memory_space<vmem>>
      %dma_start3A_68 = tpu.memref_squeeze %dma_start3A_67 : memref<1x128xi32, #tpu.memory_space<vmem>> -> memref<128xi32, #tpu.memory_space<vmem>>
      %dma_start3A_69 = arith.constant 0 : i32
      %dma_start3A_70 = arith.constant 0 : i32
      %dma_start3A_71 = tpu.memref_slice %arg2[%dma_start3A_69, %dma_start3A_70] : memref<53248x32xbf16, #tpu.memory_space<hbm>> -> memref<53248x32xbf16, #tpu.memory_space<hbm>>
      tpu.enqueue_indirect_dma source(%dma_start3A_71 : memref<53248x32xbf16, #tpu.memory_space<hbm>>) target(%dma_start3A_65 : memref<128x32xbf16, #tpu.memory_space<vmem>>) offsets(%dma_start3A_68 : memref<128xi32, #tpu.memory_space<vmem>>) semaphore(%arg13 : memref<!tpu.dma_semaphore, #tpu.memory_space<semaphore_mem>>)
      %dma_wait3A = arith.constant 0 : i32
      %dma_wait3A_72 = arith.constant 0 : i32
      %dma_wait3A_73 = arith.constant 0 : i32
      %dma_wait3A_74 = arith.constant 0 : i32
      %dma_wait3A_75 = tpu.memref_slice %arg8[%dma_wait3A_72, %dma_wait3A_73, %dma_wait3A_74] : memref<4x128x32xbf16, #tpu.memory_space<vmem>> -> memref<1x128x32xbf16, #tpu.memory_space<vmem>>
      %dma_wait3A_76 = tpu.memref_squeeze %dma_wait3A_75 : memref<1x128x32xbf16, #tpu.memory_space<vmem>> -> memref<128x32xbf16, #tpu.memory_space<vmem>>
      %dma_wait3A_77 = arith.constant 0 : i32
      %dma_wait3A_78 = tpu.memref_slice %arg6[%dma_wait3A, %dma_wait3A_77] : memref<7x128xi32, #tpu.memory_space<vmem>> -> memref<1x128xi32, #tpu.memory_space<vmem>>
      %dma_wait3A_79 = tpu.memref_squeeze %dma_wait3A_78 : memref<1x128xi32, #tpu.memory_space<vmem>> -> memref<128xi32, #tpu.memory_space<vmem>>
      %dma_wait3A_80 = arith.constant 0 : i32
      %dma_wait3A_81 = arith.constant 0 : i32
      %dma_wait3A_82 = tpu.memref_slice %arg2[%dma_wait3A_80, %dma_wait3A_81] : memref<53248x32xbf16, #tpu.memory_space<hbm>> -> memref<53248x32xbf16, #tpu.memory_space<hbm>>
      tpu.wait_indirect_dma semaphore(%arg11 : memref<!tpu.dma_semaphore, #tpu.memory_space<semaphore_mem>>) src(%dma_wait3A_82 : memref<53248x32xbf16, #tpu.memory_space<hbm>>) dst(%dma_wait3A_76 : memref<128x32xbf16, #tpu.memory_space<vmem>>)
      %dma_start3A_83 = arith.constant 0 : i32
      %dma_start3A_84 = arith.constant 0 : i32
      %dma_start3A_85 = arith.constant 0 : i32
      %dma_start3A_86 = arith.constant 0 : i32
      %dma_start3A_87 = tpu.memref_slice %arg8[%dma_start3A_83, %dma_start3A_85, %dma_start3A_86] : memref<4x128x32xbf16, #tpu.memory_space<vmem>> -> memref<1x128x32xbf16, #tpu.memory_space<vmem>>
      %dma_start3A_88 = tpu.memref_squeeze %dma_start3A_87 : memref<1x128x32xbf16, #tpu.memory_space<vmem>> -> memref<128x32xbf16, #tpu.memory_space<vmem>>
      %dma_start3A_89 = arith.constant 0 : i32
      %dma_start3A_90 = tpu.memref_slice %arg7[%dma_start3A_84, %dma_start3A_89] : memref<7x128xi32, #tpu.memory_space<vmem>> -> memref<1x128xi32, #tpu.memory_space<vmem>>
      %dma_start3A_91 = tpu.memref_squeeze %dma_start3A_90 : memref<1x128xi32, #tpu.memory_space<vmem>> -> memref<128xi32, #tpu.memory_space<vmem>>
      %dma_start3A_92 = arith.constant 0 : i32
      %dma_start3A_93 = arith.constant 0 : i32
      %dma_start3A_94 = tpu.memref_slice %arg10[%dma_start3A_92, %dma_start3A_93] : memref<53248x32xbf16, #tpu.memory_space<vmem_shared>> -> memref<53248x32xbf16, #tpu.memory_space<vmem_shared>>
      tpu.enqueue_indirect_dma source(%dma_start3A_88 : memref<128x32xbf16, #tpu.memory_space<vmem>>) target(%dma_start3A_94 : memref<53248x32xbf16, #tpu.memory_space<vmem_shared>>) offsets(%dma_start3A_91 : memref<128xi32, #tpu.memory_space<vmem>>) semaphore(%arg15 : memref<!tpu.dma_semaphore, #tpu.memory_space<semaphore_mem>>) {add = true}
      %dma_start3A_95 = arith.constant 3 : i32
      %dma_start3A_96 = arith.constant 3 : i32
      %dma_start3A_97 = arith.constant 0 : i32
      %dma_start3A_98 = arith.constant 0 : i32
      %dma_start3A_99 = tpu.memref_slice %arg8[%dma_start3A_96, %dma_start3A_97, %dma_start3A_98] : memref<4x128x32xbf16, #tpu.memory_space<vmem>> -> memref<1x128x32xbf16, #tpu.memory_space<vmem>>
      %dma_start3A_100 = tpu.memref_squeeze %dma_start3A_99 : memref<1x128x32xbf16, #tpu.memory_space<vmem>> -> memref<128x32xbf16, #tpu.memory_space<vmem>>
      %dma_start3A_101 = arith.constant 0 : i32
      %dma_start3A_102 = tpu.memref_slice %arg6[%dma_start3A_95, %dma_start3A_101] : memref<7x128xi32, #tpu.memory_space<vmem>> -> memref<1x128xi32, #tpu.memory_space<vmem>>
      %dma_start3A_103 = tpu.memref_squeeze %dma_start3A_102 : memref<1x128xi32, #tpu.memory_space<vmem>> -> memref<128xi32, #tpu.memory_space<vmem>>
      %dma_start3A_104 = arith.constant 0 : i32
      %dma_start3A_105 = arith.constant 0 : i32
      %dma_start3A_106 = tpu.memref_slice %arg2[%dma_start3A_104, %dma_start3A_105] : memref<53248x32xbf16, #tpu.memory_space<hbm>> -> memref<53248x32xbf16, #tpu.memory_space<hbm>>
      tpu.enqueue_indirect_dma source(%dma_start3A_106 : memref<53248x32xbf16, #tpu.memory_space<hbm>>) target(%dma_start3A_100 : memref<128x32xbf16, #tpu.memory_space<vmem>>) offsets(%dma_start3A_103 : memref<128xi32, #tpu.memory_space<vmem>>) semaphore(%arg14 : memref<!tpu.dma_semaphore, #tpu.memory_space<semaphore_mem>>)
      %dma_wait3A_107 = arith.constant 1 : i32
      %dma_wait3A_108 = arith.constant 1 : i32
      %dma_wait3A_109 = arith.constant 0 : i32
      %dma_wait3A_110 = arith.constant 0 : i32
      %dma_wait3A_111 = tpu.memref_slice %arg8[%dma_wait3A_108, %dma_wait3A_109, %dma_wait3A_110] : memref<4x128x32xbf16, #tpu.memory_space<vmem>> -> memref<1x128x32xbf16, #tpu.memory_space<vmem>>
      %dma_wait3A_112 = tpu.memref_squeeze %dma_wait3A_111 : memref<1x128x32xbf16, #tpu.memory_space<vmem>> -> memref<128x32xbf16, #tpu.memory_space<vmem>>
      %dma_wait3A_113 = arith.constant 0 : i32
      %dma_wait3A_114 = tpu.memref_slice %arg6[%dma_wait3A_107, %dma_wait3A_113] : memref<7x128xi32, #tpu.memory_space<vmem>> -> memref<1x128xi32, #tpu.memory_space<vmem>>
      %dma_wait3A_115 = tpu.memref_squeeze %dma_wait3A_114 : memref<1x128xi32, #tpu.memory_space<vmem>> -> memref<128xi32, #tpu.memory_space<vmem>>
      %dma_wait3A_116 = arith.constant 0 : i32
      %dma_wait3A_117 = arith.constant 0 : i32
      %dma_wait3A_118 = tpu.memref_slice %arg2[%dma_wait3A_116, %dma_wait3A_117] : memref<53248x32xbf16, #tpu.memory_space<hbm>> -> memref<53248x32xbf16, #tpu.memory_space<hbm>>
      tpu.wait_indirect_dma semaphore(%arg12 : memref<!tpu.dma_semaphore, #tpu.memory_space<semaphore_mem>>) src(%dma_wait3A_118 : memref<53248x32xbf16, #tpu.memory_space<hbm>>) dst(%dma_wait3A_112 : memref<128x32xbf16, #tpu.memory_space<vmem>>)
      %dma_start3A_119 = arith.constant 1 : i32
      %dma_start3A_120 = arith.constant 1 : i32
      %dma_start3A_121 = arith.constant 0 : i32
      %dma_start3A_122 = arith.constant 0 : i32
      %dma_start3A_123 = tpu.memref_slice %arg8[%dma_start3A_119, %dma_start3A_121, %dma_start3A_122] : memref<4x128x32xbf16, #tpu.memory_space<vmem>> -> memref<1x128x32xbf16, #tpu.memory_space<vmem>>
      %dma_start3A_124 = tpu.memref_squeeze %dma_start3A_123 : memref<1x128x32xbf16, #tpu.memory_space<vmem>> -> memref<128x32xbf16, #tpu.memory_space<vmem>>
      %dma_start3A_125 = arith.constant 0 : i32
      %dma_start3A_126 = tpu.memref_slice %arg7[%dma_start3A_120, %dma_start3A_125] : memref<7x128xi32, #tpu.memory_space<vmem>> -> memref<1x128xi32, #tpu.memory_space<vmem>>
      %dma_start3A_127 = tpu.memref_squeeze %dma_start3A_126 : memref<1x128xi32, #tpu.memory_space<vmem>> -> memref<128xi32, #tpu.memory_space<vmem>>
      %dma_start3A_128 = arith.constant 0 : i32
      %dma_start3A_129 = arith.constant 0 : i32
      %dma_start3A_130 = tpu.memref_slice %arg10[%dma_start3A_128, %dma_start3A_129] : memref<53248x32xbf16, #tpu.memory_space<vmem_shared>> -> memref<53248x32xbf16, #tpu.memory_space<vmem_shared>>
      tpu.enqueue_indirect_dma source(%dma_start3A_124 : memref<128x32xbf16, #tpu.memory_space<vmem>>) target(%dma_start3A_130 : memref<53248x32xbf16, #tpu.memory_space<vmem_shared>>) offsets(%dma_start3A_127 : memref<128xi32, #tpu.memory_space<vmem>>) semaphore(%arg16 : memref<!tpu.dma_semaphore, #tpu.memory_space<semaphore_mem>>) {add = true}
      %dma_wait3A_131 = arith.constant 0 : i32
      %dma_wait3A_132 = arith.constant 0 : i32
      %dma_wait3A_133 = arith.constant 0 : i32
      %dma_wait3A_134 = arith.constant 0 : i32
      %dma_wait3A_135 = tpu.memref_slice %arg8[%dma_wait3A_131, %dma_wait3A_133, %dma_wait3A_134] : memref<4x128x32xbf16, #tpu.memory_space<vmem>> -> memref<1x128x32xbf16, #tpu.memory_space<vmem>>
      %dma_wait3A_136 = tpu.memref_squeeze %dma_wait3A_135 : memref<1x128x32xbf16, #tpu.memory_space<vmem>> -> memref<128x32xbf16, #tpu.memory_space<vmem>>
      %dma_wait3A_137 = arith.constant 0 : i32
      %dma_wait3A_138 = tpu.memref_slice %arg7[%dma_wait3A_132, %dma_wait3A_137] : memref<7x128xi32, #tpu.memory_space<vmem>> -> memref<1x128xi32, #tpu.memory_space<vmem>>
      %dma_wait3A_139 = tpu.memref_squeeze %dma_wait3A_138 : memref<1x128xi32, #tpu.memory_space<vmem>> -> memref<128xi32, #tpu.memory_space<vmem>>
      %dma_wait3A_140 = arith.constant 0 : i32
      %dma_wait3A_141 = arith.constant 0 : i32
      %dma_wait3A_142 = tpu.memref_slice %arg10[%dma_wait3A_140, %dma_wait3A_141] : memref<53248x32xbf16, #tpu.memory_space<vmem_shared>> -> memref<53248x32xbf16, #tpu.memory_space<vmem_shared>>
      tpu.wait_indirect_dma semaphore(%arg15 : memref<!tpu.dma_semaphore, #tpu.memory_space<semaphore_mem>>) src(%dma_wait3A_136 : memref<128x32xbf16, #tpu.memory_space<vmem>>) dst(%dma_wait3A_142 : memref<53248x32xbf16, #tpu.memory_space<vmem_shared>>)
      %dma_start3A_143 = arith.constant 4 : i32
      %dma_start3A_144 = arith.constant 0 : i32
      %dma_start3A_145 = arith.constant 0 : i32
      %dma_start3A_146 = arith.constant 0 : i32
      %dma_start3A_147 = tpu.memref_slice %arg8[%dma_start3A_144, %dma_start3A_145, %dma_start3A_146] : memref<4x128x32xbf16, #tpu.memory_space<vmem>> -> memref<1x128x32xbf16, #tpu.memory_space<vmem>>
      %dma_start3A_148 = tpu.memref_squeeze %dma_start3A_147 : memref<1x128x32xbf16, #tpu.memory_space<vmem>> -> memref<128x32xbf16, #tpu.memory_space<vmem>>
      %dma_start3A_149 = arith.constant 0 : i32
      %dma_start3A_150 = tpu.memref_slice %arg6[%dma_start3A_143, %dma_start3A_149] : memref<7x128xi32, #tpu.memory_space<vmem>> -> memref<1x128xi32, #tpu.memory_space<vmem>>
      %dma_start3A_151 = tpu.memref_squeeze %dma_start3A_150 : memref<1x128xi32, #tpu.memory_space<vmem>> -> memref<128xi32, #tpu.memory_space<vmem>>
      %dma_start3A_152 = arith.constant 0 : i32
      %dma_start3A_153 = arith.constant 0 : i32
      %dma_start3A_154 = tpu.memref_slice %arg2[%dma_start3A_152, %dma_start3A_153] : memref<53248x32xbf16, #tpu.memory_space<hbm>> -> memref<53248x32xbf16, #tpu.memory_space<hbm>>
      tpu.enqueue_indirect_dma source(%dma_start3A_154 : memref<53248x32xbf16, #tpu.memory_space<hbm>>) target(%dma_start3A_148 : memref<128x32xbf16, #tpu.memory_space<vmem>>) offsets(%dma_start3A_151 : memref<128xi32, #tpu.memory_space<vmem>>) semaphore(%arg11 : memref<!tpu.dma_semaphore, #tpu.memory_space<semaphore_mem>>)
      %dma_wait3A_155 = arith.constant 2 : i32
      %dma_wait3A_156 = arith.constant 2 : i32
      %dma_wait3A_157 = arith.constant 0 : i32
      %dma_wait3A_158 = arith.constant 0 : i32
      %dma_wait3A_159 = tpu.memref_slice %arg8[%dma_wait3A_156, %dma_wait3A_157, %dma_wait3A_158] : memref<4x128x32xbf16, #tpu.memory_space<vmem>> -> memref<1x128x32xbf16, #tpu.memory_space<vmem>>
      %dma_wait3A_160 = tpu.memref_squeeze %dma_wait3A_159 : memref<1x128x32xbf16, #tpu.memory_space<vmem>> -> memref<128x32xbf16, #tpu.memory_space<vmem>>
      %dma_wait3A_161 = arith.constant 0 : i32
      %dma_wait3A_162 = tpu.memref_slice %arg6[%dma_wait3A_155, %dma_wait3A_161] : memref<7x128xi32, #tpu.memory_space<vmem>> -> memref<1x128xi32, #tpu.memory_space<vmem>>
      %dma_wait3A_163 = tpu.memref_squeeze %dma_wait3A_162 : memref<1x128xi32, #tpu.memory_space<vmem>> -> memref<128xi32, #tpu.memory_space<vmem>>
      %dma_wait3A_164 = arith.constant 0 : i32
      %dma_wait3A_165 = arith.constant 0 : i32
      %dma_wait3A_166 = tpu.memref_slice %arg2[%dma_wait3A_164, %dma_wait3A_165] : memref<53248x32xbf16, #tpu.memory_space<hbm>> -> memref<53248x32xbf16, #tpu.memory_space<hbm>>
      tpu.wait_indirect_dma semaphore(%arg13 : memref<!tpu.dma_semaphore, #tpu.memory_space<semaphore_mem>>) src(%dma_wait3A_166 : memref<53248x32xbf16, #tpu.memory_space<hbm>>) dst(%dma_wait3A_160 : memref<128x32xbf16, #tpu.memory_space<vmem>>)
      %dma_start3A_167 = arith.constant 2 : i32
      %dma_start3A_168 = arith.constant 2 : i32
      %dma_start3A_169 = arith.constant 0 : i32
      %dma_start3A_170 = arith.constant 0 : i32
      %dma_start3A_171 = tpu.memref_slice %arg8[%dma_start3A_167, %dma_start3A_169, %dma_start3A_170] : memref<4x128x32xbf16, #tpu.memory_space<vmem>> -> memref<1x128x32xbf16, #tpu.memory_space<vmem>>
      %dma_start3A_172 = tpu.memref_squeeze %dma_start3A_171 : memref<1x128x32xbf16, #tpu.memory_space<vmem>> -> memref<128x32xbf16, #tpu.memory_space<vmem>>
      %dma_start3A_173 = arith.constant 0 : i32
      %dma_start3A_174 = tpu.memref_slice %arg7[%dma_start3A_168, %dma_start3A_173] : memref<7x128xi32, #tpu.memory_space<vmem>> -> memref<1x128xi32, #tpu.memory_space<vmem>>
      %dma_start3A_175 = tpu.memref_squeeze %dma_start3A_174 : memref<1x128xi32, #tpu.memory_space<vmem>> -> memref<128xi32, #tpu.memory_space<vmem>>
      %dma_start3A_176 = arith.constant 0 : i32
      %dma_start3A_177 = arith.constant 0 : i32
      %dma_start3A_178 = tpu.memref_slice %arg10[%dma_start3A_176, %dma_start3A_177] : memref<53248x32xbf16, #tpu.memory_space<vmem_shared>> -> memref<53248x32xbf16, #tpu.memory_space<vmem_shared>>
      tpu.enqueue_indirect_dma source(%dma_start3A_172 : memref<128x32xbf16, #tpu.memory_space<vmem>>) target(%dma_start3A_178 : memref<53248x32xbf16, #tpu.memory_space<vmem_shared>>) offsets(%dma_start3A_175 : memref<128xi32, #tpu.memory_space<vmem>>) semaphore(%arg17 : memref<!tpu.dma_semaphore, #tpu.memory_space<semaphore_mem>>) {add = true}
      %dma_wait3A_179 = arith.constant 1 : i32
      %dma_wait3A_180 = arith.constant 1 : i32
      %dma_wait3A_181 = arith.constant 0 : i32
      %dma_wait3A_182 = arith.constant 0 : i32
      %dma_wait3A_183 = tpu.memref_slice %arg8[%dma_wait3A_179, %dma_wait3A_181, %dma_wait3A_182] : memref<4x128x32xbf16, #tpu.memory_space<vmem>> -> memref<1x128x32xbf16, #tpu.memory_space<vmem>>
      %dma_wait3A_184 = tpu.memref_squeeze %dma_wait3A_183 : memref<1x128x32xbf16, #tpu.memory_space<vmem>> -> memref<128x32xbf16, #tpu.memory_space<vmem>>
      %dma_wait3A_185 = arith.constant 0 : i32
      %dma_wait3A_186 = tpu.memref_slice %arg7[%dma_wait3A_180, %dma_wait3A_185] : memref<7x128xi32, #tpu.memory_space<vmem>> -> memref<1x128xi32, #tpu.memory_space<vmem>>
      %dma_wait3A_187 = tpu.memref_squeeze %dma_wait3A_186 : memref<1x128xi32, #tpu.memory_space<vmem>> -> memref<128xi32, #tpu.memory_space<vmem>>
      %dma_wait3A_188 = arith.constant 0 : i32
      %dma_wait3A_189 = arith.constant 0 : i32
      %dma_wait3A_190 = tpu.memref_slice %arg10[%dma_wait3A_188, %dma_wait3A_189] : memref<53248x32xbf16, #tpu.memory_space<vmem_shared>> -> memref<53248x32xbf16, #tpu.memory_space<vmem_shared>>
      tpu.wait_indirect_dma semaphore(%arg16 : memref<!tpu.dma_semaphore, #tpu.memory_space<semaphore_mem>>) src(%dma_wait3A_184 : memref<128x32xbf16, #tpu.memory_space<vmem>>) dst(%dma_wait3A_190 : memref<53248x32xbf16, #tpu.memory_space<vmem_shared>>)
      %dma_start3A_191 = arith.constant 5 : i32
      %dma_start3A_192 = arith.constant 1 : i32
      %dma_start3A_193 = arith.constant 0 : i32
      %dma_start3A_194 = arith.constant 0 : i32
      %dma_start3A_195 = tpu.memref_slice %arg8[%dma_start3A_192, %dma_start3A_193, %dma_start3A_194] : memref<4x128x32xbf16, #tpu.memory_space<vmem>> -> memref<1x128x32xbf16, #tpu.memory_space<vmem>>
      %dma_start3A_196 = tpu.memref_squeeze %dma_start3A_195 : memref<1x128x32xbf16, #tpu.memory_space<vmem>> -> memref<128x32xbf16, #tpu.memory_space<vmem>>
      %dma_start3A_197 = arith.constant 0 : i32
      %dma_start3A_198 = tpu.memref_slice %arg6[%dma_start3A_191, %dma_start3A_197] : memref<7x128xi32, #tpu.memory_space<vmem>> -> memref<1x128xi32, #tpu.memory_space<vmem>>
      %dma_start3A_199 = tpu.memref_squeeze %dma_start3A_198 : memref<1x128xi32, #tpu.memory_space<vmem>> -> memref<128xi32, #tpu.memory_space<vmem>>
      %dma_start3A_200 = arith.constant 0 : i32
      %dma_start3A_201 = arith.constant 0 : i32
      %dma_start3A_202 = tpu.memref_slice %arg2[%dma_start3A_200, %dma_start3A_201] : memref<53248x32xbf16, #tpu.memory_space<hbm>> -> memref<53248x32xbf16, #tpu.memory_space<hbm>>
      tpu.enqueue_indirect_dma source(%dma_start3A_202 : memref<53248x32xbf16, #tpu.memory_space<hbm>>) target(%dma_start3A_196 : memref<128x32xbf16, #tpu.memory_space<vmem>>) offsets(%dma_start3A_199 : memref<128xi32, #tpu.memory_space<vmem>>) semaphore(%arg12 : memref<!tpu.dma_semaphore, #tpu.memory_space<semaphore_mem>>)
      %dma_wait3A_203 = arith.constant 3 : i32
      %dma_wait3A_204 = arith.constant 3 : i32
      %dma_wait3A_205 = arith.constant 0 : i32
      %dma_wait3A_206 = arith.constant 0 : i32
      %dma_wait3A_207 = tpu.memref_slice %arg8[%dma_wait3A_204, %dma_wait3A_205, %dma_wait3A_206] : memref<4x128x32xbf16, #tpu.memory_space<vmem>> -> memref<1x128x32xbf16, #tpu.memory_space<vmem>>
      %dma_wait3A_208 = tpu.memref_squeeze %dma_wait3A_207 : memref<1x128x32xbf16, #tpu.memory_space<vmem>> -> memref<128x32xbf16, #tpu.memory_space<vmem>>
      %dma_wait3A_209 = arith.constant 0 : i32
      %dma_wait3A_210 = tpu.memref_slice %arg6[%dma_wait3A_203, %dma_wait3A_209] : memref<7x128xi32, #tpu.memory_space<vmem>> -> memref<1x128xi32, #tpu.memory_space<vmem>>
      %dma_wait3A_211 = tpu.memref_squeeze %dma_wait3A_210 : memref<1x128xi32, #tpu.memory_space<vmem>> -> memref<128xi32, #tpu.memory_space<vmem>>
      %dma_wait3A_212 = arith.constant 0 : i32
      %dma_wait3A_213 = arith.constant 0 : i32
      %dma_wait3A_214 = tpu.memref_slice %arg2[%dma_wait3A_212, %dma_wait3A_213] : memref<53248x32xbf16, #tpu.memory_space<hbm>> -> memref<53248x32xbf16, #tpu.memory_space<hbm>>
      tpu.wait_indirect_dma semaphore(%arg14 : memref<!tpu.dma_semaphore, #tpu.memory_space<semaphore_mem>>) src(%dma_wait3A_214 : memref<53248x32xbf16, #tpu.memory_space<hbm>>) dst(%dma_wait3A_208 : memref<128x32xbf16, #tpu.memory_space<vmem>>)
      %dma_start3A_215 = arith.constant 3 : i32
      %dma_start3A_216 = arith.constant 3 : i32
      %dma_start3A_217 = arith.constant 0 : i32
      %dma_start3A_218 = arith.constant 0 : i32
      %dma_start3A_219 = tpu.memref_slice %arg8[%dma_start3A_215, %dma_start3A_217, %dma_start3A_218] : memref<4x128x32xbf16, #tpu.memory_space<vmem>> -> memref<1x128x32xbf16, #tpu.memory_space<vmem>>
      %dma_start3A_220 = tpu.memref_squeeze %dma_start3A_219 : memref<1x128x32xbf16, #tpu.memory_space<vmem>> -> memref<128x32xbf16, #tpu.memory_space<vmem>>
      %dma_start3A_221 = arith.constant 0 : i32
      %dma_start3A_222 = tpu.memref_slice %arg7[%dma_start3A_216, %dma_start3A_221] : memref<7x128xi32, #tpu.memory_space<vmem>> -> memref<1x128xi32, #tpu.memory_space<vmem>>
      %dma_start3A_223 = tpu.memref_squeeze %dma_start3A_222 : memref<1x128xi32, #tpu.memory_space<vmem>> -> memref<128xi32, #tpu.memory_space<vmem>>
      %dma_start3A_224 = arith.constant 0 : i32
      %dma_start3A_225 = arith.constant 0 : i32
      %dma_start3A_226 = tpu.memref_slice %arg10[%dma_start3A_224, %dma_start3A_225] : memref<53248x32xbf16, #tpu.memory_space<vmem_shared>> -> memref<53248x32xbf16, #tpu.memory_space<vmem_shared>>
      tpu.enqueue_indirect_dma source(%dma_start3A_220 : memref<128x32xbf16, #tpu.memory_space<vmem>>) target(%dma_start3A_226 : memref<53248x32xbf16, #tpu.memory_space<vmem_shared>>) offsets(%dma_start3A_223 : memref<128xi32, #tpu.memory_space<vmem>>) semaphore(%arg18 : memref<!tpu.dma_semaphore, #tpu.memory_space<semaphore_mem>>) {add = true}
      %dma_wait3A_227 = arith.constant 2 : i32
      %dma_wait3A_228 = arith.constant 2 : i32
      %dma_wait3A_229 = arith.constant 0 : i32
      %dma_wait3A_230 = arith.constant 0 : i32
      %dma_wait3A_231 = tpu.memref_slice %arg8[%dma_wait3A_227, %dma_wait3A_229, %dma_wait3A_230] : memref<4x128x32xbf16, #tpu.memory_space<vmem>> -> memref<1x128x32xbf16, #tpu.memory_space<vmem>>
      %dma_wait3A_232 = tpu.memref_squeeze %dma_wait3A_231 : memref<1x128x32xbf16, #tpu.memory_space<vmem>> -> memref<128x32xbf16, #tpu.memory_space<vmem>>
      %dma_wait3A_233 = arith.constant 0 : i32
      %dma_wait3A_234 = tpu.memref_slice %arg7[%dma_wait3A_228, %dma_wait3A_233] : memref<7x128xi32, #tpu.memory_space<vmem>> -> memref<1x128xi32, #tpu.memory_space<vmem>>
      %dma_wait3A_235 = tpu.memref_squeeze %dma_wait3A_234 : memref<1x128xi32, #tpu.memory_space<vmem>> -> memref<128xi32, #tpu.memory_space<vmem>>
      %dma_wait3A_236 = arith.constant 0 : i32
      %dma_wait3A_237 = arith.constant 0 : i32
      %dma_wait3A_238 = tpu.memref_slice %arg10[%dma_wait3A_236, %dma_wait3A_237] : memref<53248x32xbf16, #tpu.memory_space<vmem_shared>> -> memref<53248x32xbf16, #tpu.memory_space<vmem_shared>>
      tpu.wait_indirect_dma semaphore(%arg17 : memref<!tpu.dma_semaphore, #tpu.memory_space<semaphore_mem>>) src(%dma_wait3A_232 : memref<128x32xbf16, #tpu.memory_space<vmem>>) dst(%dma_wait3A_238 : memref<53248x32xbf16, #tpu.memory_space<vmem_shared>>)
      %dma_start3A_239 = arith.constant 6 : i32
      %dma_start3A_240 = arith.constant 2 : i32
      %dma_start3A_241 = arith.constant 0 : i32
      %dma_start3A_242 = arith.constant 0 : i32
      %dma_start3A_243 = tpu.memref_slice %arg8[%dma_start3A_240, %dma_start3A_241, %dma_start3A_242] : memref<4x128x32xbf16, #tpu.memory_space<vmem>> -> memref<1x128x32xbf16, #tpu.memory_space<vmem>>
      %dma_start3A_244 = tpu.memref_squeeze %dma_start3A_243 : memref<1x128x32xbf16, #tpu.memory_space<vmem>> -> memref<128x32xbf16, #tpu.memory_space<vmem>>
      %dma_start3A_245 = arith.constant 0 : i32
      %dma_start3A_246 = tpu.memref_slice %arg6[%dma_start3A_239, %dma_start3A_245] : memref<7x128xi32, #tpu.memory_space<vmem>> -> memref<1x128xi32, #tpu.memory_space<vmem>>
      %dma_start3A_247 = tpu.memref_squeeze %dma_start3A_246 : memref<1x128xi32, #tpu.memory_space<vmem>> -> memref<128xi32, #tpu.memory_space<vmem>>
      %dma_start3A_248 = arith.constant 0 : i32
      %dma_start3A_249 = arith.constant 0 : i32
      %dma_start3A_250 = tpu.memref_slice %arg2[%dma_start3A_248, %dma_start3A_249] : memref<53248x32xbf16, #tpu.memory_space<hbm>> -> memref<53248x32xbf16, #tpu.memory_space<hbm>>
      tpu.enqueue_indirect_dma source(%dma_start3A_250 : memref<53248x32xbf16, #tpu.memory_space<hbm>>) target(%dma_start3A_244 : memref<128x32xbf16, #tpu.memory_space<vmem>>) offsets(%dma_start3A_247 : memref<128xi32, #tpu.memory_space<vmem>>) semaphore(%arg13 : memref<!tpu.dma_semaphore, #tpu.memory_space<semaphore_mem>>)
      %dma_wait3A_251 = arith.constant 4 : i32
      %dma_wait3A_252 = arith.constant 0 : i32
      %dma_wait3A_253 = arith.constant 0 : i32
      %dma_wait3A_254 = arith.constant 0 : i32
      %dma_wait3A_255 = tpu.memref_slice %arg8[%dma_wait3A_252, %dma_wait3A_253, %dma_wait3A_254] : memref<4x128x32xbf16, #tpu.memory_space<vmem>> -> memref<1x128x32xbf16, #tpu.memory_space<vmem>>
      %dma_wait3A_256 = tpu.memref_squeeze %dma_wait3A_255 : memref<1x128x32xbf16, #tpu.memory_space<vmem>> -> memref<128x32xbf16, #tpu.memory_space<vmem>>
      %dma_wait3A_257 = arith.constant 0 : i32
      %dma_wait3A_258 = tpu.memref_slice %arg6[%dma_wait3A_251, %dma_wait3A_257] : memref<7x128xi32, #tpu.memory_space<vmem>> -> memref<1x128xi32, #tpu.memory_space<vmem>>
      %dma_wait3A_259 = tpu.memref_squeeze %dma_wait3A_258 : memref<1x128xi32, #tpu.memory_space<vmem>> -> memref<128xi32, #tpu.memory_space<vmem>>
      %dma_wait3A_260 = arith.constant 0 : i32
      %dma_wait3A_261 = arith.constant 0 : i32
      %dma_wait3A_262 = tpu.memref_slice %arg2[%dma_wait3A_260, %dma_wait3A_261] : memref<53248x32xbf16, #tpu.memory_space<hbm>> -> memref<53248x32xbf16, #tpu.memory_space<hbm>>
      tpu.wait_indirect_dma semaphore(%arg11 : memref<!tpu.dma_semaphore, #tpu.memory_space<semaphore_mem>>) src(%dma_wait3A_262 : memref<53248x32xbf16, #tpu.memory_space<hbm>>) dst(%dma_wait3A_256 : memref<128x32xbf16, #tpu.memory_space<vmem>>)
      %dma_start3A_263 = arith.constant 0 : i32
      %dma_start3A_264 = arith.constant 4 : i32
      %dma_start3A_265 = arith.constant 0 : i32
      %dma_start3A_266 = arith.constant 0 : i32
      %dma_start3A_267 = tpu.memref_slice %arg8[%dma_start3A_263, %dma_start3A_265, %dma_start3A_266] : memref<4x128x32xbf16, #tpu.memory_space<vmem>> -> memref<1x128x32xbf16, #tpu.memory_space<vmem>>
      %dma_start3A_268 = tpu.memref_squeeze %dma_start3A_267 : memref<1x128x32xbf16, #tpu.memory_space<vmem>> -> memref<128x32xbf16, #tpu.memory_space<vmem>>
      %dma_start3A_269 = arith.constant 0 : i32
      %dma_start3A_270 = tpu.memref_slice %arg7[%dma_start3A_264, %dma_start3A_269] : memref<7x128xi32, #tpu.memory_space<vmem>> -> memref<1x128xi32, #tpu.memory_space<vmem>>
      %dma_start3A_271 = tpu.memref_squeeze %dma_start3A_270 : memref<1x128xi32, #tpu.memory_space<vmem>> -> memref<128xi32, #tpu.memory_space<vmem>>
      %dma_start3A_272 = arith.constant 0 : i32
      %dma_start3A_273 = arith.constant 0 : i32
      %dma_start3A_274 = tpu.memref_slice %arg10[%dma_start3A_272, %dma_start3A_273] : memref<53248x32xbf16, #tpu.memory_space<vmem_shared>> -> memref<53248x32xbf16, #tpu.memory_space<vmem_shared>>
      tpu.enqueue_indirect_dma source(%dma_start3A_268 : memref<128x32xbf16, #tpu.memory_space<vmem>>) target(%dma_start3A_274 : memref<53248x32xbf16, #tpu.memory_space<vmem_shared>>) offsets(%dma_start3A_271 : memref<128xi32, #tpu.memory_space<vmem>>) semaphore(%arg15 : memref<!tpu.dma_semaphore, #tpu.memory_space<semaphore_mem>>) {add = true}
      %dma_wait3A_275 = arith.constant 5 : i32
      %dma_wait3A_276 = arith.constant 1 : i32
      %dma_wait3A_277 = arith.constant 0 : i32
      %dma_wait3A_278 = arith.constant 0 : i32
      %dma_wait3A_279 = tpu.memref_slice %arg8[%dma_wait3A_276, %dma_wait3A_277, %dma_wait3A_278] : memref<4x128x32xbf16, #tpu.memory_space<vmem>> -> memref<1x128x32xbf16, #tpu.memory_space<vmem>>
      %dma_wait3A_280 = tpu.memref_squeeze %dma_wait3A_279 : memref<1x128x32xbf16, #tpu.memory_space<vmem>> -> memref<128x32xbf16, #tpu.memory_space<vmem>>
      %dma_wait3A_281 = arith.constant 0 : i32
      %dma_wait3A_282 = tpu.memref_slice %arg6[%dma_wait3A_275, %dma_wait3A_281] : memref<7x128xi32, #tpu.memory_space<vmem>> -> memref<1x128xi32, #tpu.memory_space<vmem>>
      %dma_wait3A_283 = tpu.memref_squeeze %dma_wait3A_282 : memref<1x128xi32, #tpu.memory_space<vmem>> -> memref<128xi32, #tpu.memory_space<vmem>>
      %dma_wait3A_284 = arith.constant 0 : i32
      %dma_wait3A_285 = arith.constant 0 : i32
      %dma_wait3A_286 = tpu.memref_slice %arg2[%dma_wait3A_284, %dma_wait3A_285] : memref<53248x32xbf16, #tpu.memory_space<hbm>> -> memref<53248x32xbf16, #tpu.memory_space<hbm>>
      tpu.wait_indirect_dma semaphore(%arg12 : memref<!tpu.dma_semaphore, #tpu.memory_space<semaphore_mem>>) src(%dma_wait3A_286 : memref<53248x32xbf16, #tpu.memory_space<hbm>>) dst(%dma_wait3A_280 : memref<128x32xbf16, #tpu.memory_space<vmem>>)
      %dma_start3A_287 = arith.constant 1 : i32
      %dma_start3A_288 = arith.constant 5 : i32
      %dma_start3A_289 = arith.constant 0 : i32
      %dma_start3A_290 = arith.constant 0 : i32
      %dma_start3A_291 = tpu.memref_slice %arg8[%dma_start3A_287, %dma_start3A_289, %dma_start3A_290] : memref<4x128x32xbf16, #tpu.memory_space<vmem>> -> memref<1x128x32xbf16, #tpu.memory_space<vmem>>
      %dma_start3A_292 = tpu.memref_squeeze %dma_start3A_291 : memref<1x128x32xbf16, #tpu.memory_space<vmem>> -> memref<128x32xbf16, #tpu.memory_space<vmem>>
      %dma_start3A_293 = arith.constant 0 : i32
      %dma_start3A_294 = tpu.memref_slice %arg7[%dma_start3A_288, %dma_start3A_293] : memref<7x128xi32, #tpu.memory_space<vmem>> -> memref<1x128xi32, #tpu.memory_space<vmem>>
      %dma_start3A_295 = tpu.memref_squeeze %dma_start3A_294 : memref<1x128xi32, #tpu.memory_space<vmem>> -> memref<128xi32, #tpu.memory_space<vmem>>
      %dma_start3A_296 = arith.constant 0 : i32
      %dma_start3A_297 = arith.constant 0 : i32
      %dma_start3A_298 = tpu.memref_slice %arg10[%dma_start3A_296, %dma_start3A_297] : memref<53248x32xbf16, #tpu.memory_space<vmem_shared>> -> memref<53248x32xbf16, #tpu.memory_space<vmem_shared>>
      tpu.enqueue_indirect_dma source(%dma_start3A_292 : memref<128x32xbf16, #tpu.memory_space<vmem>>) target(%dma_start3A_298 : memref<53248x32xbf16, #tpu.memory_space<vmem_shared>>) offsets(%dma_start3A_295 : memref<128xi32, #tpu.memory_space<vmem>>) semaphore(%arg16 : memref<!tpu.dma_semaphore, #tpu.memory_space<semaphore_mem>>) {add = true}
      %dma_wait3A_299 = arith.constant 6 : i32
      %dma_wait3A_300 = arith.constant 2 : i32
      %dma_wait3A_301 = arith.constant 0 : i32
      %dma_wait3A_302 = arith.constant 0 : i32
      %dma_wait3A_303 = tpu.memref_slice %arg8[%dma_wait3A_300, %dma_wait3A_301, %dma_wait3A_302] : memref<4x128x32xbf16, #tpu.memory_space<vmem>> -> memref<1x128x32xbf16, #tpu.memory_space<vmem>>
      %dma_wait3A_304 = tpu.memref_squeeze %dma_wait3A_303 : memref<1x128x32xbf16, #tpu.memory_space<vmem>> -> memref<128x32xbf16, #tpu.memory_space<vmem>>
      %dma_wait3A_305 = arith.constant 0 : i32
      %dma_wait3A_306 = tpu.memref_slice %arg6[%dma_wait3A_299, %dma_wait3A_305] : memref<7x128xi32, #tpu.memory_space<vmem>> -> memref<1x128xi32, #tpu.memory_space<vmem>>
      %dma_wait3A_307 = tpu.memref_squeeze %dma_wait3A_306 : memref<1x128xi32, #tpu.memory_space<vmem>> -> memref<128xi32, #tpu.memory_space<vmem>>
      %dma_wait3A_308 = arith.constant 0 : i32
      %dma_wait3A_309 = arith.constant 0 : i32
      %dma_wait3A_310 = tpu.memref_slice %arg2[%dma_wait3A_308, %dma_wait3A_309] : memref<53248x32xbf16, #tpu.memory_space<hbm>> -> memref<53248x32xbf16, #tpu.memory_space<hbm>>
      tpu.wait_indirect_dma semaphore(%arg13 : memref<!tpu.dma_semaphore, #tpu.memory_space<semaphore_mem>>) src(%dma_wait3A_310 : memref<53248x32xbf16, #tpu.memory_space<hbm>>) dst(%dma_wait3A_304 : memref<128x32xbf16, #tpu.memory_space<vmem>>)
      %dma_start3A_311 = arith.constant 2 : i32
      %dma_start3A_312 = arith.constant 6 : i32
      %dma_start3A_313 = arith.constant 0 : i32
      %dma_start3A_314 = arith.constant 0 : i32
      %dma_start3A_315 = tpu.memref_slice %arg8[%dma_start3A_311, %dma_start3A_313, %dma_start3A_314] : memref<4x128x32xbf16, #tpu.memory_space<vmem>> -> memref<1x128x32xbf16, #tpu.memory_space<vmem>>
      %dma_start3A_316 = tpu.memref_squeeze %dma_start3A_315 : memref<1x128x32xbf16, #tpu.memory_space<vmem>> -> memref<128x32xbf16, #tpu.memory_space<vmem>>
      %dma_start3A_317 = arith.constant 0 : i32
      %dma_start3A_318 = tpu.memref_slice %arg7[%dma_start3A_312, %dma_start3A_317] : memref<7x128xi32, #tpu.memory_space<vmem>> -> memref<1x128xi32, #tpu.memory_space<vmem>>
      %dma_start3A_319 = tpu.memref_squeeze %dma_start3A_318 : memref<1x128xi32, #tpu.memory_space<vmem>> -> memref<128xi32, #tpu.memory_space<vmem>>
      %dma_start3A_320 = arith.constant 0 : i32
      %dma_start3A_321 = arith.constant 0 : i32
      %dma_start3A_322 = tpu.memref_slice %arg10[%dma_start3A_320, %dma_start3A_321] : memref<53248x32xbf16, #tpu.memory_space<vmem_shared>> -> memref<53248x32xbf16, #tpu.memory_space<vmem_shared>>
      tpu.enqueue_indirect_dma source(%dma_start3A_316 : memref<128x32xbf16, #tpu.memory_space<vmem>>) target(%dma_start3A_322 : memref<53248x32xbf16, #tpu.memory_space<vmem_shared>>) offsets(%dma_start3A_319 : memref<128xi32, #tpu.memory_space<vmem>>) semaphore(%arg17 : memref<!tpu.dma_semaphore, #tpu.memory_space<semaphore_mem>>) {add = true}
      %dma_wait3A_323 = arith.constant 3 : i32
      %dma_wait3A_324 = arith.constant 3 : i32
      %dma_wait3A_325 = arith.constant 0 : i32
      %dma_wait3A_326 = arith.constant 0 : i32
      %dma_wait3A_327 = tpu.memref_slice %arg8[%dma_wait3A_323, %dma_wait3A_325, %dma_wait3A_326] : memref<4x128x32xbf16, #tpu.memory_space<vmem>> -> memref<1x128x32xbf16, #tpu.memory_space<vmem>>
      %dma_wait3A_328 = tpu.memref_squeeze %dma_wait3A_327 : memref<1x128x32xbf16, #tpu.memory_space<vmem>> -> memref<128x32xbf16, #tpu.memory_space<vmem>>
      %dma_wait3A_329 = arith.constant 0 : i32
      %dma_wait3A_330 = tpu.memref_slice %arg7[%dma_wait3A_324, %dma_wait3A_329] : memref<7x128xi32, #tpu.memory_space<vmem>> -> memref<1x128xi32, #tpu.memory_space<vmem>>
      %dma_wait3A_331 = tpu.memref_squeeze %dma_wait3A_330 : memref<1x128xi32, #tpu.memory_space<vmem>> -> memref<128xi32, #tpu.memory_space<vmem>>
      %dma_wait3A_332 = arith.constant 0 : i32
      %dma_wait3A_333 = arith.constant 0 : i32
      %dma_wait3A_334 = tpu.memref_slice %arg10[%dma_wait3A_332, %dma_wait3A_333] : memref<53248x32xbf16, #tpu.memory_space<vmem_shared>> -> memref<53248x32xbf16, #tpu.memory_space<vmem_shared>>
      tpu.wait_indirect_dma semaphore(%arg18 : memref<!tpu.dma_semaphore, #tpu.memory_space<semaphore_mem>>) src(%dma_wait3A_328 : memref<128x32xbf16, #tpu.memory_space<vmem>>) dst(%dma_wait3A_334 : memref<53248x32xbf16, #tpu.memory_space<vmem_shared>>)
      %dma_wait3A_335 = arith.constant 0 : i32
      %dma_wait3A_336 = arith.constant 4 : i32
      %dma_wait3A_337 = arith.constant 0 : i32
      %dma_wait3A_338 = arith.constant 0 : i32
      %dma_wait3A_339 = tpu.memref_slice %arg8[%dma_wait3A_335, %dma_wait3A_337, %dma_wait3A_338] : memref<4x128x32xbf16, #tpu.memory_space<vmem>> -> memref<1x128x32xbf16, #tpu.memory_space<vmem>>
      %dma_wait3A_340 = tpu.memref_squeeze %dma_wait3A_339 : memref<1x128x32xbf16, #tpu.memory_space<vmem>> -> memref<128x32xbf16, #tpu.memory_space<vmem>>
      %dma_wait3A_341 = arith.constant 0 : i32
      %dma_wait3A_342 = tpu.memref_slice %arg7[%dma_wait3A_336, %dma_wait3A_341] : memref<7x128xi32, #tpu.memory_space<vmem>> -> memref<1x128xi32, #tpu.memory_space<vmem>>
      %dma_wait3A_343 = tpu.memref_squeeze %dma_wait3A_342 : memref<1x128xi32, #tpu.memory_space<vmem>> -> memref<128xi32, #tpu.memory_space<vmem>>
      %dma_wait3A_344 = arith.constant 0 : i32
      %dma_wait3A_345 = arith.constant 0 : i32
      %dma_wait3A_346 = tpu.memref_slice %arg10[%dma_wait3A_344, %dma_wait3A_345] : memref<53248x32xbf16, #tpu.memory_space<vmem_shared>> -> memref<53248x32xbf16, #tpu.memory_space<vmem_shared>>
      tpu.wait_indirect_dma semaphore(%arg15 : memref<!tpu.dma_semaphore, #tpu.memory_space<semaphore_mem>>) src(%dma_wait3A_340 : memref<128x32xbf16, #tpu.memory_space<vmem>>) dst(%dma_wait3A_346 : memref<53248x32xbf16, #tpu.memory_space<vmem_shared>>)
      %dma_wait3A_347 = arith.constant 1 : i32
      %dma_wait3A_348 = arith.constant 5 : i32
      %dma_wait3A_349 = arith.constant 0 : i32
      %dma_wait3A_350 = arith.constant 0 : i32
      %dma_wait3A_351 = tpu.memref_slice %arg8[%dma_wait3A_347, %dma_wait3A_349, %dma_wait3A_350] : memref<4x128x32xbf16, #tpu.memory_space<vmem>> -> memref<1x128x32xbf16, #tpu.memory_space<vmem>>
      %dma_wait3A_352 = tpu.memref_squeeze %dma_wait3A_351 : memref<1x128x32xbf16, #tpu.memory_space<vmem>> -> memref<128x32xbf16, #tpu.memory_space<vmem>>
      %dma_wait3A_353 = arith.constant 0 : i32
      %dma_wait3A_354 = tpu.memref_slice %arg7[%dma_wait3A_348, %dma_wait3A_353] : memref<7x128xi32, #tpu.memory_space<vmem>> -> memref<1x128xi32, #tpu.memory_space<vmem>>
      %dma_wait3A_355 = tpu.memref_squeeze %dma_wait3A_354 : memref<1x128xi32, #tpu.memory_space<vmem>> -> memref<128xi32, #tpu.memory_space<vmem>>
      %dma_wait3A_356 = arith.constant 0 : i32
      %dma_wait3A_357 = arith.constant 0 : i32
      %dma_wait3A_358 = tpu.memref_slice %arg10[%dma_wait3A_356, %dma_wait3A_357] : memref<53248x32xbf16, #tpu.memory_space<vmem_shared>> -> memref<53248x32xbf16, #tpu.memory_space<vmem_shared>>
      tpu.wait_indirect_dma semaphore(%arg16 : memref<!tpu.dma_semaphore, #tpu.memory_space<semaphore_mem>>) src(%dma_wait3A_352 : memref<128x32xbf16, #tpu.memory_space<vmem>>) dst(%dma_wait3A_358 : memref<53248x32xbf16, #tpu.memory_space<vmem_shared>>)
      %dma_wait3A_359 = arith.constant 2 : i32
      %dma_wait3A_360 = arith.constant 6 : i32
      %dma_wait3A_361 = arith.constant 0 : i32
      %dma_wait3A_362 = arith.constant 0 : i32
      %dma_wait3A_363 = tpu.memref_slice %arg8[%dma_wait3A_359, %dma_wait3A_361, %dma_wait3A_362] : memref<4x128x32xbf16, #tpu.memory_space<vmem>> -> memref<1x128x32xbf16, #tpu.memory_space<vmem>>
      %dma_wait3A_364 = tpu.memref_squeeze %dma_wait3A_363 : memref<1x128x32xbf16, #tpu.memory_space<vmem>> -> memref<128x32xbf16, #tpu.memory_space<vmem>>
      %dma_wait3A_365 = arith.constant 0 : i32
      %dma_wait3A_366 = tpu.memref_slice %arg7[%dma_wait3A_360, %dma_wait3A_365] : memref<7x128xi32, #tpu.memory_space<vmem>> -> memref<1x128xi32, #tpu.memory_space<vmem>>
      %dma_wait3A_367 = tpu.memref_squeeze %dma_wait3A_366 : memref<1x128xi32, #tpu.memory_space<vmem>> -> memref<128xi32, #tpu.memory_space<vmem>>
      %dma_wait3A_368 = arith.constant 0 : i32
      %dma_wait3A_369 = arith.constant 0 : i32
      %dma_wait3A_370 = tpu.memref_slice %arg10[%dma_wait3A_368, %dma_wait3A_369] : memref<53248x32xbf16, #tpu.memory_space<vmem_shared>> -> memref<53248x32xbf16, #tpu.memory_space<vmem_shared>>
      tpu.wait_indirect_dma semaphore(%arg17 : memref<!tpu.dma_semaphore, #tpu.memory_space<semaphore_mem>>) src(%dma_wait3A_364 : memref<128x32xbf16, #tpu.memory_space<vmem>>) dst(%dma_wait3A_370 : memref<53248x32xbf16, #tpu.memory_space<vmem_shared>>)
    }
    %scan3A_20 = arith.constant 28 : i32
    %barrier3A_21 = arith.constant 0 : index
    tpu.barrier barrier_id(%barrier3A_21)
    %mul3A_22 = arith.constant 3328 : i32
    %mul3A_23 = arith.muli %arg1, %mul3A_22 : i32
    %add3A_24 = arith.constant 0 : i32
    %add3A_25 = arith.addi %add3A_24, %arg0 : i32
    %mul3A_26 = arith.constant 3328 : i32
    %mul3A_27 = arith.muli %arg1, %mul3A_26 : i32
    "tpu.region"() ({
      %run_scoped3A = tpu.sem_alloc : memref<!tpu.dma_semaphore, #tpu.memory_space<semaphore_mem>>
      %dma_start3A = arith.constant 0 : i32
      %dma_start3A_28 = arith.constant 0 : i32
      %dma_start3A_29 = tpu.memref_slice %arg5[%add3A_25, %dma_start3A, %dma_start3A_28] : memref<2x53248x32xbf16, #tpu.memory_space<hbm>> -> memref<1x53248x32xbf16, #tpu.memory_space<hbm>>
      %dma_start3A_30 = tpu.memref_squeeze %dma_start3A_29 : memref<1x53248x32xbf16, #tpu.memory_space<hbm>> -> memref<53248x32xbf16, #tpu.memory_space<hbm>>
      %dma_start3A_31 = arith.constant 0 : i32
      %dma_start3A_32 = tpu.memref_slice %dma_start3A_30[%mul3A_27, %dma_start3A_31] : memref<53248x32xbf16, #tpu.memory_space<hbm>> -> memref<3328x32xbf16, #tpu.memory_space<hbm>>
      %dma_start3A_33 = arith.constant 0 : i32
      %dma_start3A_34 = tpu.memref_slice %arg10[%mul3A_23, %dma_start3A_33] : memref<53248x32xbf16, #tpu.memory_space<vmem_shared>> -> memref<3328x32xbf16, #tpu.memory_space<vmem_shared>>
      tpu.enqueue_dma source(%dma_start3A_34 : memref<3328x32xbf16, #tpu.memory_space<vmem_shared>>) target(%dma_start3A_32 : memref<3328x32xbf16, #tpu.memory_space<hbm>>) target_semaphore(%run_scoped3A : memref<!tpu.dma_semaphore, #tpu.memory_space<semaphore_mem>>)
      %dma_wait3A = arith.constant 0 : i32
      %dma_wait3A_35 = arith.constant 0 : i32
      %dma_wait3A_36 = tpu.memref_slice %arg5[%add3A_25, %dma_wait3A, %dma_wait3A_35] : memref<2x53248x32xbf16, #tpu.memory_space<hbm>> -> memref<1x53248x32xbf16, #tpu.memory_space<hbm>>
      %dma_wait3A_37 = tpu.memref_squeeze %dma_wait3A_36 : memref<1x53248x32xbf16, #tpu.memory_space<hbm>> -> memref<53248x32xbf16, #tpu.memory_space<hbm>>
      %dma_wait3A_38 = arith.constant 0 : i32
      %dma_wait3A_39 = tpu.memref_slice %dma_wait3A_37[%mul3A_27, %dma_wait3A_38] : memref<53248x32xbf16, #tpu.memory_space<hbm>> -> memref<3328x32xbf16, #tpu.memory_space<hbm>>
      %dma_wait3A_40 = arith.constant 0 : i32
      %dma_wait3A_41 = tpu.memref_slice %arg10[%mul3A_23, %dma_wait3A_40] : memref<53248x32xbf16, #tpu.memory_space<vmem_shared>> -> memref<3328x32xbf16, #tpu.memory_space<vmem_shared>>
      tpu.wait_dma2 semaphore(%run_scoped3A : memref<!tpu.dma_semaphore, #tpu.memory_space<semaphore_mem>>) src(%dma_wait3A_41 : memref<3328x32xbf16, #tpu.memory_space<vmem_shared>>) dst(%dma_wait3A_39 : memref<3328x32xbf16, #tpu.memory_space<hbm>>)
      tpu.yield
    }) : () -> ()
    return
  }
}

#map = affine_map<(d0, d1) -> (0, 0)>
#map1 = affine_map<(d0, d1) -> (0, 0, 0)>
module attributes {stable_mosaic.version = 14 : i64} {
  func.func @_emb_gather(%arg0: i32, %arg1: i32, %arg2: memref<100000x32xbf16, #tpu.memory_space<hbm>>, %arg3: memref<32x13x128xi32, #tpu.memory_space<hbm>>, %arg4: memref<53248x32xbf16, #tpu.memory_space<hbm>>, %arg5: memref<13x128xi32, #tpu.memory_space<vmem>>, %arg6: memref<1664x32xbf16, #tpu.memory_space<vmem>>, %arg7: memref<!tpu.dma_semaphore, #tpu.memory_space<semaphore_mem>>) attributes {dimension_semantics = [#tpu.dimension_semantics<core_parallel>, #tpu.dimension_semantics<subcore_parallel>], iteration_bounds = array<i64: 2, 16>, scalar_prefetch = 0 : i64, scratch_operands = 3 : i64, tpu.core_type = #tpu.core_type<sc_vector_subcore>, window_params = [{transform_indices = #map}, {transform_indices = #map1}, {transform_indices = #map}]} {
    %mul3A = arith.constant 2 : i32
    %mul3A_0 = arith.muli %arg1, %mul3A : i32
    %add3A = arith.addi %mul3A_0, %arg0 : i32
    "tpu.region"() ({
      %run_scoped3A = tpu.sem_alloc : memref<!tpu.dma_semaphore, #tpu.memory_space<semaphore_mem>>
      %dma_start3A_261 = arith.constant 0 : i32
      %dma_start3A_262 = arith.constant 0 : i32
      %dma_start3A_263 = tpu.memref_slice %arg3[%add3A, %dma_start3A_261, %dma_start3A_262] : memref<32x13x128xi32, #tpu.memory_space<hbm>> -> memref<1x13x128xi32, #tpu.memory_space<hbm>>
      %dma_start3A_264 = tpu.memref_squeeze %dma_start3A_263 : memref<1x13x128xi32, #tpu.memory_space<hbm>> -> memref<13x128xi32, #tpu.memory_space<hbm>>
      %dma_start3A_265 = arith.constant 0 : i32
      %dma_start3A_266 = arith.constant 0 : i32
      %dma_start3A_267 = tpu.memref_slice %arg3[%add3A, %dma_start3A_265, %dma_start3A_266] : memref<32x13x128xi32, #tpu.memory_space<hbm>> -> memref<1x13x128xi32, #tpu.memory_space<hbm>>
      %dma_start3A_268 = tpu.memref_squeeze %dma_start3A_267 : memref<1x13x128xi32, #tpu.memory_space<hbm>> -> memref<13x128xi32, #tpu.memory_space<hbm>>
      tpu.enqueue_dma source(%dma_start3A_268 : memref<13x128xi32, #tpu.memory_space<hbm>>) target(%arg5 : memref<13x128xi32, #tpu.memory_space<vmem>>) target_semaphore(%run_scoped3A : memref<!tpu.dma_semaphore, #tpu.memory_space<semaphore_mem>>)
      %dma_wait3A_269 = arith.constant 0 : i32
      %dma_wait3A_270 = arith.constant 0 : i32
      %dma_wait3A_271 = tpu.memref_slice %arg3[%add3A, %dma_wait3A_269, %dma_wait3A_270] : memref<32x13x128xi32, #tpu.memory_space<hbm>> -> memref<1x13x128xi32, #tpu.memory_space<hbm>>
      %dma_wait3A_272 = tpu.memref_squeeze %dma_wait3A_271 : memref<1x13x128xi32, #tpu.memory_space<hbm>> -> memref<13x128xi32, #tpu.memory_space<hbm>>
      %dma_wait3A_273 = arith.constant 0 : i32
      %dma_wait3A_274 = arith.constant 0 : i32
      %dma_wait3A_275 = tpu.memref_slice %arg3[%add3A, %dma_wait3A_273, %dma_wait3A_274] : memref<32x13x128xi32, #tpu.memory_space<hbm>> -> memref<1x13x128xi32, #tpu.memory_space<hbm>>
      %dma_wait3A_276 = tpu.memref_squeeze %dma_wait3A_275 : memref<1x13x128xi32, #tpu.memory_space<hbm>> -> memref<13x128xi32, #tpu.memory_space<hbm>>
      tpu.wait_dma2 semaphore(%run_scoped3A : memref<!tpu.dma_semaphore, #tpu.memory_space<semaphore_mem>>) src(%dma_wait3A_276 : memref<13x128xi32, #tpu.memory_space<hbm>>) dst(%arg5 : memref<13x128xi32, #tpu.memory_space<vmem>>)
      tpu.yield
    }) : () -> ()
    %dma_start3A = arith.constant 0 : i32
    %dma_start3A_1 = arith.constant 0 : i32
    %dma_start3A_2 = arith.constant 0 : i32
    %dma_start3A_3 = tpu.memref_slice %arg6[%dma_start3A_1, %dma_start3A_2] : memref<1664x32xbf16, #tpu.memory_space<vmem>> -> memref<128x32xbf16, #tpu.memory_space<vmem>>
    %dma_start3A_4 = arith.constant 0 : i32
    %dma_start3A_5 = tpu.memref_slice %arg5[%dma_start3A, %dma_start3A_4] : memref<13x128xi32, #tpu.memory_space<vmem>> -> memref<1x128xi32, #tpu.memory_space<vmem>>
    %dma_start3A_6 = tpu.memref_squeeze %dma_start3A_5 : memref<1x128xi32, #tpu.memory_space<vmem>> -> memref<128xi32, #tpu.memory_space<vmem>>
    %dma_start3A_7 = arith.constant 0 : i32
    %dma_start3A_8 = arith.constant 0 : i32
    %dma_start3A_9 = tpu.memref_slice %arg2[%dma_start3A_7, %dma_start3A_8] : memref<100000x32xbf16, #tpu.memory_space<hbm>> -> memref<100000x32xbf16, #tpu.memory_space<hbm>>
    tpu.enqueue_indirect_dma source(%dma_start3A_9 : memref<100000x32xbf16, #tpu.memory_space<hbm>>) target(%dma_start3A_3 : memref<128x32xbf16, #tpu.memory_space<vmem>>) offsets(%dma_start3A_6 : memref<128xi32, #tpu.memory_space<vmem>>) semaphore(%arg7 : memref<!tpu.dma_semaphore, #tpu.memory_space<semaphore_mem>>)
    %dma_start3A_10 = arith.constant 1 : i32
    %dma_start3A_11 = arith.constant 128 : i32
    %dma_start3A_12 = arith.constant 0 : i32
    %dma_start3A_13 = tpu.memref_slice %arg6[%dma_start3A_11, %dma_start3A_12] : memref<1664x32xbf16, #tpu.memory_space<vmem>> -> memref<128x32xbf16, #tpu.memory_space<vmem>>
    %dma_start3A_14 = arith.constant 0 : i32
    %dma_start3A_15 = tpu.memref_slice %arg5[%dma_start3A_10, %dma_start3A_14] : memref<13x128xi32, #tpu.memory_space<vmem>> -> memref<1x128xi32, #tpu.memory_space<vmem>>
    %dma_start3A_16 = tpu.memref_squeeze %dma_start3A_15 : memref<1x128xi32, #tpu.memory_space<vmem>> -> memref<128xi32, #tpu.memory_space<vmem>>
    %dma_start3A_17 = arith.constant 0 : i32
    %dma_start3A_18 = arith.constant 0 : i32
    %dma_start3A_19 = tpu.memref_slice %arg2[%dma_start3A_17, %dma_start3A_18] : memref<100000x32xbf16, #tpu.memory_space<hbm>> -> memref<100000x32xbf16, #tpu.memory_space<hbm>>
    tpu.enqueue_indirect_dma source(%dma_start3A_19 : memref<100000x32xbf16, #tpu.memory_space<hbm>>) target(%dma_start3A_13 : memref<128x32xbf16, #tpu.memory_space<vmem>>) offsets(%dma_start3A_16 : memref<128xi32, #tpu.memory_space<vmem>>) semaphore(%arg7 : memref<!tpu.dma_semaphore, #tpu.memory_space<semaphore_mem>>)
    %dma_start3A_20 = arith.constant 2 : i32
    %dma_start3A_21 = arith.constant 256 : i32
    %dma_start3A_22 = arith.constant 0 : i32
    %dma_start3A_23 = tpu.memref_slice %arg6[%dma_start3A_21, %dma_start3A_22] : memref<1664x32xbf16, #tpu.memory_space<vmem>> -> memref<128x32xbf16, #tpu.memory_space<vmem>>
    %dma_start3A_24 = arith.constant 0 : i32
    %dma_start3A_25 = tpu.memref_slice %arg5[%dma_start3A_20, %dma_start3A_24] : memref<13x128xi32, #tpu.memory_space<vmem>> -> memref<1x128xi32, #tpu.memory_space<vmem>>
    %dma_start3A_26 = tpu.memref_squeeze %dma_start3A_25 : memref<1x128xi32, #tpu.memory_space<vmem>> -> memref<128xi32, #tpu.memory_space<vmem>>
    %dma_start3A_27 = arith.constant 0 : i32
    %dma_start3A_28 = arith.constant 0 : i32
    %dma_start3A_29 = tpu.memref_slice %arg2[%dma_start3A_27, %dma_start3A_28] : memref<100000x32xbf16, #tpu.memory_space<hbm>> -> memref<100000x32xbf16, #tpu.memory_space<hbm>>
    tpu.enqueue_indirect_dma source(%dma_start3A_29 : memref<100000x32xbf16, #tpu.memory_space<hbm>>) target(%dma_start3A_23 : memref<128x32xbf16, #tpu.memory_space<vmem>>) offsets(%dma_start3A_26 : memref<128xi32, #tpu.memory_space<vmem>>) semaphore(%arg7 : memref<!tpu.dma_semaphore, #tpu.memory_space<semaphore_mem>>)
    %dma_start3A_30 = arith.constant 3 : i32
    %dma_start3A_31 = arith.constant 384 : i32
    %dma_start3A_32 = arith.constant 0 : i32
    %dma_start3A_33 = tpu.memref_slice %arg6[%dma_start3A_31, %dma_start3A_32] : memref<1664x32xbf16, #tpu.memory_space<vmem>> -> memref<128x32xbf16, #tpu.memory_space<vmem>>
    %dma_start3A_34 = arith.constant 0 : i32
    %dma_start3A_35 = tpu.memref_slice %arg5[%dma_start3A_30, %dma_start3A_34] : memref<13x128xi32, #tpu.memory_space<vmem>> -> memref<1x128xi32, #tpu.memory_space<vmem>>
    %dma_start3A_36 = tpu.memref_squeeze %dma_start3A_35 : memref<1x128xi32, #tpu.memory_space<vmem>> -> memref<128xi32, #tpu.memory_space<vmem>>
    %dma_start3A_37 = arith.constant 0 : i32
    %dma_start3A_38 = arith.constant 0 : i32
    %dma_start3A_39 = tpu.memref_slice %arg2[%dma_start3A_37, %dma_start3A_38] : memref<100000x32xbf16, #tpu.memory_space<hbm>> -> memref<100000x32xbf16, #tpu.memory_space<hbm>>
    tpu.enqueue_indirect_dma source(%dma_start3A_39 : memref<100000x32xbf16, #tpu.memory_space<hbm>>) target(%dma_start3A_33 : memref<128x32xbf16, #tpu.memory_space<vmem>>) offsets(%dma_start3A_36 : memref<128xi32, #tpu.memory_space<vmem>>) semaphore(%arg7 : memref<!tpu.dma_semaphore, #tpu.memory_space<semaphore_mem>>)
    %dma_start3A_40 = arith.constant 4 : i32
    %dma_start3A_41 = arith.constant 512 : i32
    %dma_start3A_42 = arith.constant 0 : i32
    %dma_start3A_43 = tpu.memref_slice %arg6[%dma_start3A_41, %dma_start3A_42] : memref<1664x32xbf16, #tpu.memory_space<vmem>> -> memref<128x32xbf16, #tpu.memory_space<vmem>>
    %dma_start3A_44 = arith.constant 0 : i32
    %dma_start3A_45 = tpu.memref_slice %arg5[%dma_start3A_40, %dma_start3A_44] : memref<13x128xi32, #tpu.memory_space<vmem>> -> memref<1x128xi32, #tpu.memory_space<vmem>>
    %dma_start3A_46 = tpu.memref_squeeze %dma_start3A_45 : memref<1x128xi32, #tpu.memory_space<vmem>> -> memref<128xi32, #tpu.memory_space<vmem>>
    %dma_start3A_47 = arith.constant 0 : i32
    %dma_start3A_48 = arith.constant 0 : i32
    %dma_start3A_49 = tpu.memref_slice %arg2[%dma_start3A_47, %dma_start3A_48] : memref<100000x32xbf16, #tpu.memory_space<hbm>> -> memref<100000x32xbf16, #tpu.memory_space<hbm>>
    tpu.enqueue_indirect_dma source(%dma_start3A_49 : memref<100000x32xbf16, #tpu.memory_space<hbm>>) target(%dma_start3A_43 : memref<128x32xbf16, #tpu.memory_space<vmem>>) offsets(%dma_start3A_46 : memref<128xi32, #tpu.memory_space<vmem>>) semaphore(%arg7 : memref<!tpu.dma_semaphore, #tpu.memory_space<semaphore_mem>>)
    %dma_start3A_50 = arith.constant 5 : i32
    %dma_start3A_51 = arith.constant 640 : i32
    %dma_start3A_52 = arith.constant 0 : i32
    %dma_start3A_53 = tpu.memref_slice %arg6[%dma_start3A_51, %dma_start3A_52] : memref<1664x32xbf16, #tpu.memory_space<vmem>> -> memref<128x32xbf16, #tpu.memory_space<vmem>>
    %dma_start3A_54 = arith.constant 0 : i32
    %dma_start3A_55 = tpu.memref_slice %arg5[%dma_start3A_50, %dma_start3A_54] : memref<13x128xi32, #tpu.memory_space<vmem>> -> memref<1x128xi32, #tpu.memory_space<vmem>>
    %dma_start3A_56 = tpu.memref_squeeze %dma_start3A_55 : memref<1x128xi32, #tpu.memory_space<vmem>> -> memref<128xi32, #tpu.memory_space<vmem>>
    %dma_start3A_57 = arith.constant 0 : i32
    %dma_start3A_58 = arith.constant 0 : i32
    %dma_start3A_59 = tpu.memref_slice %arg2[%dma_start3A_57, %dma_start3A_58] : memref<100000x32xbf16, #tpu.memory_space<hbm>> -> memref<100000x32xbf16, #tpu.memory_space<hbm>>
    tpu.enqueue_indirect_dma source(%dma_start3A_59 : memref<100000x32xbf16, #tpu.memory_space<hbm>>) target(%dma_start3A_53 : memref<128x32xbf16, #tpu.memory_space<vmem>>) offsets(%dma_start3A_56 : memref<128xi32, #tpu.memory_space<vmem>>) semaphore(%arg7 : memref<!tpu.dma_semaphore, #tpu.memory_space<semaphore_mem>>)
    %dma_start3A_60 = arith.constant 6 : i32
    %dma_start3A_61 = arith.constant 768 : i32
    %dma_start3A_62 = arith.constant 0 : i32
    %dma_start3A_63 = tpu.memref_slice %arg6[%dma_start3A_61, %dma_start3A_62] : memref<1664x32xbf16, #tpu.memory_space<vmem>> -> memref<128x32xbf16, #tpu.memory_space<vmem>>
    %dma_start3A_64 = arith.constant 0 : i32
    %dma_start3A_65 = tpu.memref_slice %arg5[%dma_start3A_60, %dma_start3A_64] : memref<13x128xi32, #tpu.memory_space<vmem>> -> memref<1x128xi32, #tpu.memory_space<vmem>>
    %dma_start3A_66 = tpu.memref_squeeze %dma_start3A_65 : memref<1x128xi32, #tpu.memory_space<vmem>> -> memref<128xi32, #tpu.memory_space<vmem>>
    %dma_start3A_67 = arith.constant 0 : i32
    %dma_start3A_68 = arith.constant 0 : i32
    %dma_start3A_69 = tpu.memref_slice %arg2[%dma_start3A_67, %dma_start3A_68] : memref<100000x32xbf16, #tpu.memory_space<hbm>> -> memref<100000x32xbf16, #tpu.memory_space<hbm>>
    tpu.enqueue_indirect_dma source(%dma_start3A_69 : memref<100000x32xbf16, #tpu.memory_space<hbm>>) target(%dma_start3A_63 : memref<128x32xbf16, #tpu.memory_space<vmem>>) offsets(%dma_start3A_66 : memref<128xi32, #tpu.memory_space<vmem>>) semaphore(%arg7 : memref<!tpu.dma_semaphore, #tpu.memory_space<semaphore_mem>>)
    %dma_start3A_70 = arith.constant 7 : i32
    %dma_start3A_71 = arith.constant 896 : i32
    %dma_start3A_72 = arith.constant 0 : i32
    %dma_start3A_73 = tpu.memref_slice %arg6[%dma_start3A_71, %dma_start3A_72] : memref<1664x32xbf16, #tpu.memory_space<vmem>> -> memref<128x32xbf16, #tpu.memory_space<vmem>>
    %dma_start3A_74 = arith.constant 0 : i32
    %dma_start3A_75 = tpu.memref_slice %arg5[%dma_start3A_70, %dma_start3A_74] : memref<13x128xi32, #tpu.memory_space<vmem>> -> memref<1x128xi32, #tpu.memory_space<vmem>>
    %dma_start3A_76 = tpu.memref_squeeze %dma_start3A_75 : memref<1x128xi32, #tpu.memory_space<vmem>> -> memref<128xi32, #tpu.memory_space<vmem>>
    %dma_start3A_77 = arith.constant 0 : i32
    %dma_start3A_78 = arith.constant 0 : i32
    %dma_start3A_79 = tpu.memref_slice %arg2[%dma_start3A_77, %dma_start3A_78] : memref<100000x32xbf16, #tpu.memory_space<hbm>> -> memref<100000x32xbf16, #tpu.memory_space<hbm>>
    tpu.enqueue_indirect_dma source(%dma_start3A_79 : memref<100000x32xbf16, #tpu.memory_space<hbm>>) target(%dma_start3A_73 : memref<128x32xbf16, #tpu.memory_space<vmem>>) offsets(%dma_start3A_76 : memref<128xi32, #tpu.memory_space<vmem>>) semaphore(%arg7 : memref<!tpu.dma_semaphore, #tpu.memory_space<semaphore_mem>>)
    %dma_start3A_80 = arith.constant 8 : i32
    %dma_start3A_81 = arith.constant 1024 : i32
    %dma_start3A_82 = arith.constant 0 : i32
    %dma_start3A_83 = tpu.memref_slice %arg6[%dma_start3A_81, %dma_start3A_82] : memref<1664x32xbf16, #tpu.memory_space<vmem>> -> memref<128x32xbf16, #tpu.memory_space<vmem>>
    %dma_start3A_84 = arith.constant 0 : i32
    %dma_start3A_85 = tpu.memref_slice %arg5[%dma_start3A_80, %dma_start3A_84] : memref<13x128xi32, #tpu.memory_space<vmem>> -> memref<1x128xi32, #tpu.memory_space<vmem>>
    %dma_start3A_86 = tpu.memref_squeeze %dma_start3A_85 : memref<1x128xi32, #tpu.memory_space<vmem>> -> memref<128xi32, #tpu.memory_space<vmem>>
    %dma_start3A_87 = arith.constant 0 : i32
    %dma_start3A_88 = arith.constant 0 : i32
    %dma_start3A_89 = tpu.memref_slice %arg2[%dma_start3A_87, %dma_start3A_88] : memref<100000x32xbf16, #tpu.memory_space<hbm>> -> memref<100000x32xbf16, #tpu.memory_space<hbm>>
    tpu.enqueue_indirect_dma source(%dma_start3A_89 : memref<100000x32xbf16, #tpu.memory_space<hbm>>) target(%dma_start3A_83 : memref<128x32xbf16, #tpu.memory_space<vmem>>) offsets(%dma_start3A_86 : memref<128xi32, #tpu.memory_space<vmem>>) semaphore(%arg7 : memref<!tpu.dma_semaphore, #tpu.memory_space<semaphore_mem>>)
    %dma_start3A_90 = arith.constant 9 : i32
    %dma_start3A_91 = arith.constant 1152 : i32
    %dma_start3A_92 = arith.constant 0 : i32
    %dma_start3A_93 = tpu.memref_slice %arg6[%dma_start3A_91, %dma_start3A_92] : memref<1664x32xbf16, #tpu.memory_space<vmem>> -> memref<128x32xbf16, #tpu.memory_space<vmem>>
    %dma_start3A_94 = arith.constant 0 : i32
    %dma_start3A_95 = tpu.memref_slice %arg5[%dma_start3A_90, %dma_start3A_94] : memref<13x128xi32, #tpu.memory_space<vmem>> -> memref<1x128xi32, #tpu.memory_space<vmem>>
    %dma_start3A_96 = tpu.memref_squeeze %dma_start3A_95 : memref<1x128xi32, #tpu.memory_space<vmem>> -> memref<128xi32, #tpu.memory_space<vmem>>
    %dma_start3A_97 = arith.constant 0 : i32
    %dma_start3A_98 = arith.constant 0 : i32
    %dma_start3A_99 = tpu.memref_slice %arg2[%dma_start3A_97, %dma_start3A_98] : memref<100000x32xbf16, #tpu.memory_space<hbm>> -> memref<100000x32xbf16, #tpu.memory_space<hbm>>
    tpu.enqueue_indirect_dma source(%dma_start3A_99 : memref<100000x32xbf16, #tpu.memory_space<hbm>>) target(%dma_start3A_93 : memref<128x32xbf16, #tpu.memory_space<vmem>>) offsets(%dma_start3A_96 : memref<128xi32, #tpu.memory_space<vmem>>) semaphore(%arg7 : memref<!tpu.dma_semaphore, #tpu.memory_space<semaphore_mem>>)
    %dma_start3A_100 = arith.constant 10 : i32
    %dma_start3A_101 = arith.constant 1280 : i32
    %dma_start3A_102 = arith.constant 0 : i32
    %dma_start3A_103 = tpu.memref_slice %arg6[%dma_start3A_101, %dma_start3A_102] : memref<1664x32xbf16, #tpu.memory_space<vmem>> -> memref<128x32xbf16, #tpu.memory_space<vmem>>
    %dma_start3A_104 = arith.constant 0 : i32
    %dma_start3A_105 = tpu.memref_slice %arg5[%dma_start3A_100, %dma_start3A_104] : memref<13x128xi32, #tpu.memory_space<vmem>> -> memref<1x128xi32, #tpu.memory_space<vmem>>
    %dma_start3A_106 = tpu.memref_squeeze %dma_start3A_105 : memref<1x128xi32, #tpu.memory_space<vmem>> -> memref<128xi32, #tpu.memory_space<vmem>>
    %dma_start3A_107 = arith.constant 0 : i32
    %dma_start3A_108 = arith.constant 0 : i32
    %dma_start3A_109 = tpu.memref_slice %arg2[%dma_start3A_107, %dma_start3A_108] : memref<100000x32xbf16, #tpu.memory_space<hbm>> -> memref<100000x32xbf16, #tpu.memory_space<hbm>>
    tpu.enqueue_indirect_dma source(%dma_start3A_109 : memref<100000x32xbf16, #tpu.memory_space<hbm>>) target(%dma_start3A_103 : memref<128x32xbf16, #tpu.memory_space<vmem>>) offsets(%dma_start3A_106 : memref<128xi32, #tpu.memory_space<vmem>>) semaphore(%arg7 : memref<!tpu.dma_semaphore, #tpu.memory_space<semaphore_mem>>)
    %dma_start3A_110 = arith.constant 11 : i32
    %dma_start3A_111 = arith.constant 1408 : i32
    %dma_start3A_112 = arith.constant 0 : i32
    %dma_start3A_113 = tpu.memref_slice %arg6[%dma_start3A_111, %dma_start3A_112] : memref<1664x32xbf16, #tpu.memory_space<vmem>> -> memref<128x32xbf16, #tpu.memory_space<vmem>>
    %dma_start3A_114 = arith.constant 0 : i32
    %dma_start3A_115 = tpu.memref_slice %arg5[%dma_start3A_110, %dma_start3A_114] : memref<13x128xi32, #tpu.memory_space<vmem>> -> memref<1x128xi32, #tpu.memory_space<vmem>>
    %dma_start3A_116 = tpu.memref_squeeze %dma_start3A_115 : memref<1x128xi32, #tpu.memory_space<vmem>> -> memref<128xi32, #tpu.memory_space<vmem>>
    %dma_start3A_117 = arith.constant 0 : i32
    %dma_start3A_118 = arith.constant 0 : i32
    %dma_start3A_119 = tpu.memref_slice %arg2[%dma_start3A_117, %dma_start3A_118] : memref<100000x32xbf16, #tpu.memory_space<hbm>> -> memref<100000x32xbf16, #tpu.memory_space<hbm>>
    tpu.enqueue_indirect_dma source(%dma_start3A_119 : memref<100000x32xbf16, #tpu.memory_space<hbm>>) target(%dma_start3A_113 : memref<128x32xbf16, #tpu.memory_space<vmem>>) offsets(%dma_start3A_116 : memref<128xi32, #tpu.memory_space<vmem>>) semaphore(%arg7 : memref<!tpu.dma_semaphore, #tpu.memory_space<semaphore_mem>>)
    %dma_start3A_120 = arith.constant 12 : i32
    %dma_start3A_121 = arith.constant 1536 : i32
    %dma_start3A_122 = arith.constant 0 : i32
    %dma_start3A_123 = tpu.memref_slice %arg6[%dma_start3A_121, %dma_start3A_122] : memref<1664x32xbf16, #tpu.memory_space<vmem>> -> memref<128x32xbf16, #tpu.memory_space<vmem>>
    %dma_start3A_124 = arith.constant 0 : i32
    %dma_start3A_125 = tpu.memref_slice %arg5[%dma_start3A_120, %dma_start3A_124] : memref<13x128xi32, #tpu.memory_space<vmem>> -> memref<1x128xi32, #tpu.memory_space<vmem>>
    %dma_start3A_126 = tpu.memref_squeeze %dma_start3A_125 : memref<1x128xi32, #tpu.memory_space<vmem>> -> memref<128xi32, #tpu.memory_space<vmem>>
    %dma_start3A_127 = arith.constant 0 : i32
    %dma_start3A_128 = arith.constant 0 : i32
    %dma_start3A_129 = tpu.memref_slice %arg2[%dma_start3A_127, %dma_start3A_128] : memref<100000x32xbf16, #tpu.memory_space<hbm>> -> memref<100000x32xbf16, #tpu.memory_space<hbm>>
    tpu.enqueue_indirect_dma source(%dma_start3A_129 : memref<100000x32xbf16, #tpu.memory_space<hbm>>) target(%dma_start3A_123 : memref<128x32xbf16, #tpu.memory_space<vmem>>) offsets(%dma_start3A_126 : memref<128xi32, #tpu.memory_space<vmem>>) semaphore(%arg7 : memref<!tpu.dma_semaphore, #tpu.memory_space<semaphore_mem>>)
    %dma_wait3A = arith.constant 0 : i32
    %dma_wait3A_130 = arith.constant 0 : i32
    %dma_wait3A_131 = arith.constant 0 : i32
    %dma_wait3A_132 = tpu.memref_slice %arg6[%dma_wait3A_130, %dma_wait3A_131] : memref<1664x32xbf16, #tpu.memory_space<vmem>> -> memref<128x32xbf16, #tpu.memory_space<vmem>>
    %dma_wait3A_133 = arith.constant 0 : i32
    %dma_wait3A_134 = tpu.memref_slice %arg5[%dma_wait3A, %dma_wait3A_133] : memref<13x128xi32, #tpu.memory_space<vmem>> -> memref<1x128xi32, #tpu.memory_space<vmem>>
    %dma_wait3A_135 = tpu.memref_squeeze %dma_wait3A_134 : memref<1x128xi32, #tpu.memory_space<vmem>> -> memref<128xi32, #tpu.memory_space<vmem>>
    %dma_wait3A_136 = arith.constant 0 : i32
    %dma_wait3A_137 = arith.constant 0 : i32
    %dma_wait3A_138 = tpu.memref_slice %arg2[%dma_wait3A_136, %dma_wait3A_137] : memref<100000x32xbf16, #tpu.memory_space<hbm>> -> memref<100000x32xbf16, #tpu.memory_space<hbm>>
    tpu.wait_indirect_dma semaphore(%arg7 : memref<!tpu.dma_semaphore, #tpu.memory_space<semaphore_mem>>) src(%dma_wait3A_138 : memref<100000x32xbf16, #tpu.memory_space<hbm>>) dst(%dma_wait3A_132 : memref<128x32xbf16, #tpu.memory_space<vmem>>)
    %dma_wait3A_139 = arith.constant 1 : i32
    %dma_wait3A_140 = arith.constant 128 : i32
    %dma_wait3A_141 = arith.constant 0 : i32
    %dma_wait3A_142 = tpu.memref_slice %arg6[%dma_wait3A_140, %dma_wait3A_141] : memref<1664x32xbf16, #tpu.memory_space<vmem>> -> memref<128x32xbf16, #tpu.memory_space<vmem>>
    %dma_wait3A_143 = arith.constant 0 : i32
    %dma_wait3A_144 = tpu.memref_slice %arg5[%dma_wait3A_139, %dma_wait3A_143] : memref<13x128xi32, #tpu.memory_space<vmem>> -> memref<1x128xi32, #tpu.memory_space<vmem>>
    %dma_wait3A_145 = tpu.memref_squeeze %dma_wait3A_144 : memref<1x128xi32, #tpu.memory_space<vmem>> -> memref<128xi32, #tpu.memory_space<vmem>>
    %dma_wait3A_146 = arith.constant 0 : i32
    %dma_wait3A_147 = arith.constant 0 : i32
    %dma_wait3A_148 = tpu.memref_slice %arg2[%dma_wait3A_146, %dma_wait3A_147] : memref<100000x32xbf16, #tpu.memory_space<hbm>> -> memref<100000x32xbf16, #tpu.memory_space<hbm>>
    tpu.wait_indirect_dma semaphore(%arg7 : memref<!tpu.dma_semaphore, #tpu.memory_space<semaphore_mem>>) src(%dma_wait3A_148 : memref<100000x32xbf16, #tpu.memory_space<hbm>>) dst(%dma_wait3A_142 : memref<128x32xbf16, #tpu.memory_space<vmem>>)
    %dma_wait3A_149 = arith.constant 2 : i32
    %dma_wait3A_150 = arith.constant 256 : i32
    %dma_wait3A_151 = arith.constant 0 : i32
    %dma_wait3A_152 = tpu.memref_slice %arg6[%dma_wait3A_150, %dma_wait3A_151] : memref<1664x32xbf16, #tpu.memory_space<vmem>> -> memref<128x32xbf16, #tpu.memory_space<vmem>>
    %dma_wait3A_153 = arith.constant 0 : i32
    %dma_wait3A_154 = tpu.memref_slice %arg5[%dma_wait3A_149, %dma_wait3A_153] : memref<13x128xi32, #tpu.memory_space<vmem>> -> memref<1x128xi32, #tpu.memory_space<vmem>>
    %dma_wait3A_155 = tpu.memref_squeeze %dma_wait3A_154 : memref<1x128xi32, #tpu.memory_space<vmem>> -> memref<128xi32, #tpu.memory_space<vmem>>
    %dma_wait3A_156 = arith.constant 0 : i32
    %dma_wait3A_157 = arith.constant 0 : i32
    %dma_wait3A_158 = tpu.memref_slice %arg2[%dma_wait3A_156, %dma_wait3A_157] : memref<100000x32xbf16, #tpu.memory_space<hbm>> -> memref<100000x32xbf16, #tpu.memory_space<hbm>>
    tpu.wait_indirect_dma semaphore(%arg7 : memref<!tpu.dma_semaphore, #tpu.memory_space<semaphore_mem>>) src(%dma_wait3A_158 : memref<100000x32xbf16, #tpu.memory_space<hbm>>) dst(%dma_wait3A_152 : memref<128x32xbf16, #tpu.memory_space<vmem>>)
    %dma_wait3A_159 = arith.constant 3 : i32
    %dma_wait3A_160 = arith.constant 384 : i32
    %dma_wait3A_161 = arith.constant 0 : i32
    %dma_wait3A_162 = tpu.memref_slice %arg6[%dma_wait3A_160, %dma_wait3A_161] : memref<1664x32xbf16, #tpu.memory_space<vmem>> -> memref<128x32xbf16, #tpu.memory_space<vmem>>
    %dma_wait3A_163 = arith.constant 0 : i32
    %dma_wait3A_164 = tpu.memref_slice %arg5[%dma_wait3A_159, %dma_wait3A_163] : memref<13x128xi32, #tpu.memory_space<vmem>> -> memref<1x128xi32, #tpu.memory_space<vmem>>
    %dma_wait3A_165 = tpu.memref_squeeze %dma_wait3A_164 : memref<1x128xi32, #tpu.memory_space<vmem>> -> memref<128xi32, #tpu.memory_space<vmem>>
    %dma_wait3A_166 = arith.constant 0 : i32
    %dma_wait3A_167 = arith.constant 0 : i32
    %dma_wait3A_168 = tpu.memref_slice %arg2[%dma_wait3A_166, %dma_wait3A_167] : memref<100000x32xbf16, #tpu.memory_space<hbm>> -> memref<100000x32xbf16, #tpu.memory_space<hbm>>
    tpu.wait_indirect_dma semaphore(%arg7 : memref<!tpu.dma_semaphore, #tpu.memory_space<semaphore_mem>>) src(%dma_wait3A_168 : memref<100000x32xbf16, #tpu.memory_space<hbm>>) dst(%dma_wait3A_162 : memref<128x32xbf16, #tpu.memory_space<vmem>>)
    %dma_wait3A_169 = arith.constant 4 : i32
    %dma_wait3A_170 = arith.constant 512 : i32
    %dma_wait3A_171 = arith.constant 0 : i32
    %dma_wait3A_172 = tpu.memref_slice %arg6[%dma_wait3A_170, %dma_wait3A_171] : memref<1664x32xbf16, #tpu.memory_space<vmem>> -> memref<128x32xbf16, #tpu.memory_space<vmem>>
    %dma_wait3A_173 = arith.constant 0 : i32
    %dma_wait3A_174 = tpu.memref_slice %arg5[%dma_wait3A_169, %dma_wait3A_173] : memref<13x128xi32, #tpu.memory_space<vmem>> -> memref<1x128xi32, #tpu.memory_space<vmem>>
    %dma_wait3A_175 = tpu.memref_squeeze %dma_wait3A_174 : memref<1x128xi32, #tpu.memory_space<vmem>> -> memref<128xi32, #tpu.memory_space<vmem>>
    %dma_wait3A_176 = arith.constant 0 : i32
    %dma_wait3A_177 = arith.constant 0 : i32
    %dma_wait3A_178 = tpu.memref_slice %arg2[%dma_wait3A_176, %dma_wait3A_177] : memref<100000x32xbf16, #tpu.memory_space<hbm>> -> memref<100000x32xbf16, #tpu.memory_space<hbm>>
    tpu.wait_indirect_dma semaphore(%arg7 : memref<!tpu.dma_semaphore, #tpu.memory_space<semaphore_mem>>) src(%dma_wait3A_178 : memref<100000x32xbf16, #tpu.memory_space<hbm>>) dst(%dma_wait3A_172 : memref<128x32xbf16, #tpu.memory_space<vmem>>)
    %dma_wait3A_179 = arith.constant 5 : i32
    %dma_wait3A_180 = arith.constant 640 : i32
    %dma_wait3A_181 = arith.constant 0 : i32
    %dma_wait3A_182 = tpu.memref_slice %arg6[%dma_wait3A_180, %dma_wait3A_181] : memref<1664x32xbf16, #tpu.memory_space<vmem>> -> memref<128x32xbf16, #tpu.memory_space<vmem>>
    %dma_wait3A_183 = arith.constant 0 : i32
    %dma_wait3A_184 = tpu.memref_slice %arg5[%dma_wait3A_179, %dma_wait3A_183] : memref<13x128xi32, #tpu.memory_space<vmem>> -> memref<1x128xi32, #tpu.memory_space<vmem>>
    %dma_wait3A_185 = tpu.memref_squeeze %dma_wait3A_184 : memref<1x128xi32, #tpu.memory_space<vmem>> -> memref<128xi32, #tpu.memory_space<vmem>>
    %dma_wait3A_186 = arith.constant 0 : i32
    %dma_wait3A_187 = arith.constant 0 : i32
    %dma_wait3A_188 = tpu.memref_slice %arg2[%dma_wait3A_186, %dma_wait3A_187] : memref<100000x32xbf16, #tpu.memory_space<hbm>> -> memref<100000x32xbf16, #tpu.memory_space<hbm>>
    tpu.wait_indirect_dma semaphore(%arg7 : memref<!tpu.dma_semaphore, #tpu.memory_space<semaphore_mem>>) src(%dma_wait3A_188 : memref<100000x32xbf16, #tpu.memory_space<hbm>>) dst(%dma_wait3A_182 : memref<128x32xbf16, #tpu.memory_space<vmem>>)
    %dma_wait3A_189 = arith.constant 6 : i32
    %dma_wait3A_190 = arith.constant 768 : i32
    %dma_wait3A_191 = arith.constant 0 : i32
    %dma_wait3A_192 = tpu.memref_slice %arg6[%dma_wait3A_190, %dma_wait3A_191] : memref<1664x32xbf16, #tpu.memory_space<vmem>> -> memref<128x32xbf16, #tpu.memory_space<vmem>>
    %dma_wait3A_193 = arith.constant 0 : i32
    %dma_wait3A_194 = tpu.memref_slice %arg5[%dma_wait3A_189, %dma_wait3A_193] : memref<13x128xi32, #tpu.memory_space<vmem>> -> memref<1x128xi32, #tpu.memory_space<vmem>>
    %dma_wait3A_195 = tpu.memref_squeeze %dma_wait3A_194 : memref<1x128xi32, #tpu.memory_space<vmem>> -> memref<128xi32, #tpu.memory_space<vmem>>
    %dma_wait3A_196 = arith.constant 0 : i32
    %dma_wait3A_197 = arith.constant 0 : i32
    %dma_wait3A_198 = tpu.memref_slice %arg2[%dma_wait3A_196, %dma_wait3A_197] : memref<100000x32xbf16, #tpu.memory_space<hbm>> -> memref<100000x32xbf16, #tpu.memory_space<hbm>>
    tpu.wait_indirect_dma semaphore(%arg7 : memref<!tpu.dma_semaphore, #tpu.memory_space<semaphore_mem>>) src(%dma_wait3A_198 : memref<100000x32xbf16, #tpu.memory_space<hbm>>) dst(%dma_wait3A_192 : memref<128x32xbf16, #tpu.memory_space<vmem>>)
    %dma_wait3A_199 = arith.constant 7 : i32
    %dma_wait3A_200 = arith.constant 896 : i32
    %dma_wait3A_201 = arith.constant 0 : i32
    %dma_wait3A_202 = tpu.memref_slice %arg6[%dma_wait3A_200, %dma_wait3A_201] : memref<1664x32xbf16, #tpu.memory_space<vmem>> -> memref<128x32xbf16, #tpu.memory_space<vmem>>
    %dma_wait3A_203 = arith.constant 0 : i32
    %dma_wait3A_204 = tpu.memref_slice %arg5[%dma_wait3A_199, %dma_wait3A_203] : memref<13x128xi32, #tpu.memory_space<vmem>> -> memref<1x128xi32, #tpu.memory_space<vmem>>
    %dma_wait3A_205 = tpu.memref_squeeze %dma_wait3A_204 : memref<1x128xi32, #tpu.memory_space<vmem>> -> memref<128xi32, #tpu.memory_space<vmem>>
    %dma_wait3A_206 = arith.constant 0 : i32
    %dma_wait3A_207 = arith.constant 0 : i32
    %dma_wait3A_208 = tpu.memref_slice %arg2[%dma_wait3A_206, %dma_wait3A_207] : memref<100000x32xbf16, #tpu.memory_space<hbm>> -> memref<100000x32xbf16, #tpu.memory_space<hbm>>
    tpu.wait_indirect_dma semaphore(%arg7 : memref<!tpu.dma_semaphore, #tpu.memory_space<semaphore_mem>>) src(%dma_wait3A_208 : memref<100000x32xbf16, #tpu.memory_space<hbm>>) dst(%dma_wait3A_202 : memref<128x32xbf16, #tpu.memory_space<vmem>>)
    %dma_wait3A_209 = arith.constant 8 : i32
    %dma_wait3A_210 = arith.constant 1024 : i32
    %dma_wait3A_211 = arith.constant 0 : i32
    %dma_wait3A_212 = tpu.memref_slice %arg6[%dma_wait3A_210, %dma_wait3A_211] : memref<1664x32xbf16, #tpu.memory_space<vmem>> -> memref<128x32xbf16, #tpu.memory_space<vmem>>
    %dma_wait3A_213 = arith.constant 0 : i32
    %dma_wait3A_214 = tpu.memref_slice %arg5[%dma_wait3A_209, %dma_wait3A_213] : memref<13x128xi32, #tpu.memory_space<vmem>> -> memref<1x128xi32, #tpu.memory_space<vmem>>
    %dma_wait3A_215 = tpu.memref_squeeze %dma_wait3A_214 : memref<1x128xi32, #tpu.memory_space<vmem>> -> memref<128xi32, #tpu.memory_space<vmem>>
    %dma_wait3A_216 = arith.constant 0 : i32
    %dma_wait3A_217 = arith.constant 0 : i32
    %dma_wait3A_218 = tpu.memref_slice %arg2[%dma_wait3A_216, %dma_wait3A_217] : memref<100000x32xbf16, #tpu.memory_space<hbm>> -> memref<100000x32xbf16, #tpu.memory_space<hbm>>
    tpu.wait_indirect_dma semaphore(%arg7 : memref<!tpu.dma_semaphore, #tpu.memory_space<semaphore_mem>>) src(%dma_wait3A_218 : memref<100000x32xbf16, #tpu.memory_space<hbm>>) dst(%dma_wait3A_212 : memref<128x32xbf16, #tpu.memory_space<vmem>>)
    %dma_wait3A_219 = arith.constant 9 : i32
    %dma_wait3A_220 = arith.constant 1152 : i32
    %dma_wait3A_221 = arith.constant 0 : i32
    %dma_wait3A_222 = tpu.memref_slice %arg6[%dma_wait3A_220, %dma_wait3A_221] : memref<1664x32xbf16, #tpu.memory_space<vmem>> -> memref<128x32xbf16, #tpu.memory_space<vmem>>
    %dma_wait3A_223 = arith.constant 0 : i32
    %dma_wait3A_224 = tpu.memref_slice %arg5[%dma_wait3A_219, %dma_wait3A_223] : memref<13x128xi32, #tpu.memory_space<vmem>> -> memref<1x128xi32, #tpu.memory_space<vmem>>
    %dma_wait3A_225 = tpu.memref_squeeze %dma_wait3A_224 : memref<1x128xi32, #tpu.memory_space<vmem>> -> memref<128xi32, #tpu.memory_space<vmem>>
    %dma_wait3A_226 = arith.constant 0 : i32
    %dma_wait3A_227 = arith.constant 0 : i32
    %dma_wait3A_228 = tpu.memref_slice %arg2[%dma_wait3A_226, %dma_wait3A_227] : memref<100000x32xbf16, #tpu.memory_space<hbm>> -> memref<100000x32xbf16, #tpu.memory_space<hbm>>
    tpu.wait_indirect_dma semaphore(%arg7 : memref<!tpu.dma_semaphore, #tpu.memory_space<semaphore_mem>>) src(%dma_wait3A_228 : memref<100000x32xbf16, #tpu.memory_space<hbm>>) dst(%dma_wait3A_222 : memref<128x32xbf16, #tpu.memory_space<vmem>>)
    %dma_wait3A_229 = arith.constant 10 : i32
    %dma_wait3A_230 = arith.constant 1280 : i32
    %dma_wait3A_231 = arith.constant 0 : i32
    %dma_wait3A_232 = tpu.memref_slice %arg6[%dma_wait3A_230, %dma_wait3A_231] : memref<1664x32xbf16, #tpu.memory_space<vmem>> -> memref<128x32xbf16, #tpu.memory_space<vmem>>
    %dma_wait3A_233 = arith.constant 0 : i32
    %dma_wait3A_234 = tpu.memref_slice %arg5[%dma_wait3A_229, %dma_wait3A_233] : memref<13x128xi32, #tpu.memory_space<vmem>> -> memref<1x128xi32, #tpu.memory_space<vmem>>
    %dma_wait3A_235 = tpu.memref_squeeze %dma_wait3A_234 : memref<1x128xi32, #tpu.memory_space<vmem>> -> memref<128xi32, #tpu.memory_space<vmem>>
    %dma_wait3A_236 = arith.constant 0 : i32
    %dma_wait3A_237 = arith.constant 0 : i32
    %dma_wait3A_238 = tpu.memref_slice %arg2[%dma_wait3A_236, %dma_wait3A_237] : memref<100000x32xbf16, #tpu.memory_space<hbm>> -> memref<100000x32xbf16, #tpu.memory_space<hbm>>
    tpu.wait_indirect_dma semaphore(%arg7 : memref<!tpu.dma_semaphore, #tpu.memory_space<semaphore_mem>>) src(%dma_wait3A_238 : memref<100000x32xbf16, #tpu.memory_space<hbm>>) dst(%dma_wait3A_232 : memref<128x32xbf16, #tpu.memory_space<vmem>>)
    %dma_wait3A_239 = arith.constant 11 : i32
    %dma_wait3A_240 = arith.constant 1408 : i32
    %dma_wait3A_241 = arith.constant 0 : i32
    %dma_wait3A_242 = tpu.memref_slice %arg6[%dma_wait3A_240, %dma_wait3A_241] : memref<1664x32xbf16, #tpu.memory_space<vmem>> -> memref<128x32xbf16, #tpu.memory_space<vmem>>
    %dma_wait3A_243 = arith.constant 0 : i32
    %dma_wait3A_244 = tpu.memref_slice %arg5[%dma_wait3A_239, %dma_wait3A_243] : memref<13x128xi32, #tpu.memory_space<vmem>> -> memref<1x128xi32, #tpu.memory_space<vmem>>
    %dma_wait3A_245 = tpu.memref_squeeze %dma_wait3A_244 : memref<1x128xi32, #tpu.memory_space<vmem>> -> memref<128xi32, #tpu.memory_space<vmem>>
    %dma_wait3A_246 = arith.constant 0 : i32
    %dma_wait3A_247 = arith.constant 0 : i32
    %dma_wait3A_248 = tpu.memref_slice %arg2[%dma_wait3A_246, %dma_wait3A_247] : memref<100000x32xbf16, #tpu.memory_space<hbm>> -> memref<100000x32xbf16, #tpu.memory_space<hbm>>
    tpu.wait_indirect_dma semaphore(%arg7 : memref<!tpu.dma_semaphore, #tpu.memory_space<semaphore_mem>>) src(%dma_wait3A_248 : memref<100000x32xbf16, #tpu.memory_space<hbm>>) dst(%dma_wait3A_242 : memref<128x32xbf16, #tpu.memory_space<vmem>>)
    %dma_wait3A_249 = arith.constant 12 : i32
    %dma_wait3A_250 = arith.constant 1536 : i32
    %dma_wait3A_251 = arith.constant 0 : i32
    %dma_wait3A_252 = tpu.memref_slice %arg6[%dma_wait3A_250, %dma_wait3A_251] : memref<1664x32xbf16, #tpu.memory_space<vmem>> -> memref<128x32xbf16, #tpu.memory_space<vmem>>
    %dma_wait3A_253 = arith.constant 0 : i32
    %dma_wait3A_254 = tpu.memref_slice %arg5[%dma_wait3A_249, %dma_wait3A_253] : memref<13x128xi32, #tpu.memory_space<vmem>> -> memref<1x128xi32, #tpu.memory_space<vmem>>
    %dma_wait3A_255 = tpu.memref_squeeze %dma_wait3A_254 : memref<1x128xi32, #tpu.memory_space<vmem>> -> memref<128xi32, #tpu.memory_space<vmem>>
    %dma_wait3A_256 = arith.constant 0 : i32
    %dma_wait3A_257 = arith.constant 0 : i32
    %dma_wait3A_258 = tpu.memref_slice %arg2[%dma_wait3A_256, %dma_wait3A_257] : memref<100000x32xbf16, #tpu.memory_space<hbm>> -> memref<100000x32xbf16, #tpu.memory_space<hbm>>
    tpu.wait_indirect_dma semaphore(%arg7 : memref<!tpu.dma_semaphore, #tpu.memory_space<semaphore_mem>>) src(%dma_wait3A_258 : memref<100000x32xbf16, #tpu.memory_space<hbm>>) dst(%dma_wait3A_252 : memref<128x32xbf16, #tpu.memory_space<vmem>>)
    %mul3A_259 = arith.constant 1664 : i32
    %mul3A_260 = arith.muli %add3A, %mul3A_259 : i32
    "tpu.region"() ({
      %run_scoped3A = tpu.sem_alloc : memref<!tpu.dma_semaphore, #tpu.memory_space<semaphore_mem>>
      %dma_start3A_261 = arith.constant 0 : i32
      %dma_start3A_262 = tpu.memref_slice %arg4[%mul3A_260, %dma_start3A_261] : memref<53248x32xbf16, #tpu.memory_space<hbm>> -> memref<1664x32xbf16, #tpu.memory_space<hbm>>
      %dma_start3A_263 = arith.constant 0 : i32
      %dma_start3A_264 = tpu.memref_slice %arg4[%mul3A_260, %dma_start3A_263] : memref<53248x32xbf16, #tpu.memory_space<hbm>> -> memref<1664x32xbf16, #tpu.memory_space<hbm>>
      tpu.enqueue_dma source(%arg6 : memref<1664x32xbf16, #tpu.memory_space<vmem>>) target(%dma_start3A_264 : memref<1664x32xbf16, #tpu.memory_space<hbm>>) target_semaphore(%run_scoped3A : memref<!tpu.dma_semaphore, #tpu.memory_space<semaphore_mem>>)
      %dma_wait3A_265 = arith.constant 0 : i32
      %dma_wait3A_266 = tpu.memref_slice %arg4[%mul3A_260, %dma_wait3A_265] : memref<53248x32xbf16, #tpu.memory_space<hbm>> -> memref<1664x32xbf16, #tpu.memory_space<hbm>>
      %dma_wait3A_267 = arith.constant 0 : i32
      %dma_wait3A_268 = tpu.memref_slice %arg4[%mul3A_260, %dma_wait3A_267] : memref<53248x32xbf16, #tpu.memory_space<hbm>> -> memref<1664x32xbf16, #tpu.memory_space<hbm>>
      tpu.wait_dma2 semaphore(%run_scoped3A : memref<!tpu.dma_semaphore, #tpu.memory_space<semaphore_mem>>) src(%arg6 : memref<1664x32xbf16, #tpu.memory_space<vmem>>) dst(%dma_wait3A_268 : memref<1664x32xbf16, #tpu.memory_space<hbm>>)
      tpu.yield
    }) : () -> ()
    return
  }
}

#map = affine_map<(d0, d1) -> (0, 0)>
#map1 = affine_map<(d0, d1) -> (0, 0, 0)>
module attributes {stable_mosaic.version = 14 : i64} {
  func.func @_seg2(%arg0: i32, %arg1: i32, %arg2: memref<53248x64xbf16, #tpu.memory_space<hbm>>, %arg3: memref<32x196x128xi32, #tpu.memory_space<hbm>>, %arg4: memref<32x196x128xi32, #tpu.memory_space<hbm>>, %arg5: memref<2x53248x64xbf16, #tpu.memory_space<hbm>>, %arg6: memref<7x128xi32, #tpu.memory_space<vmem>>, %arg7: memref<7x128xi32, #tpu.memory_space<vmem>>, %arg8: memref<4x128x64xbf16, #tpu.memory_space<vmem>>, %arg9: memref<64x64xbf16, #tpu.memory_space<vmem>>, %arg10: memref<53248x64xbf16, #tpu.memory_space<vmem_shared>>, %arg11: memref<!tpu.dma_semaphore, #tpu.memory_space<semaphore_mem>>, %arg12: memref<!tpu.dma_semaphore, #tpu.memory_space<semaphore_mem>>, %arg13: memref<!tpu.dma_semaphore, #tpu.memory_space<semaphore_mem>>, %arg14: memref<!tpu.dma_semaphore, #tpu.memory_space<semaphore_mem>>, %arg15: memref<!tpu.dma_semaphore, #tpu.memory_space<semaphore_mem>>, %arg16: memref<!tpu.dma_semaphore, #tpu.memory_space<semaphore_mem>>, %arg17: memref<!tpu.dma_semaphore, #tpu.memory_space<semaphore_mem>>, %arg18: memref<!tpu.dma_semaphore, #tpu.memory_space<semaphore_mem>>) attributes {dimension_semantics = [#tpu.dimension_semantics<core_parallel>, #tpu.dimension_semantics<subcore_parallel>], iteration_bounds = array<i64: 2, 16>, scalar_prefetch = 0 : i64, scratch_operands = 13 : i64, tpu.core_type = #tpu.core_type<sc_vector_subcore>, window_params = [{transform_indices = #map}, {transform_indices = #map1}, {transform_indices = #map1}, {transform_indices = #map1}]} {
    %mul3A = arith.constant 2 : i32
    %mul3A_0 = arith.muli %arg1, %mul3A : i32
    %add3A = arith.addi %mul3A_0, %arg0 : i32
    %broadcast_in_dim3A = arith.constant 0.000000e+00 : bf16
    %broadcast_in_dim3A_1 = vector.broadcast %broadcast_in_dim3A : bf16 to vector<32xbf16>
    %scan3A = arith.constant 0 : i32
    %scan3A_2 = arith.constant 0 : i32
    %scan3A_3 = arith.constant 64 : i32
    %scan3A_4 = arith.addi %scan3A_2, %scan3A_3 : i32
    %scan3A_5 = arith.constant 1 : i32
    scf.for %scan3A_28 = %scan3A_2 to %scan3A_4 step %scan3A_5  : i32 {
      %swap3A = arith.index_cast %scan3A_28 : i32 to index
      %swap3A_29 = arith.constant 0 : index
      %swap3A_30 = tpu.vector_load %arg9[%swap3A, %swap3A_29] {strides = array<i32>} : memref<64x64xbf16, #tpu.memory_space<vmem>>, vector<1x32xbf16>,
      %swap3A_31 = vector.shape_cast %swap3A_30 : vector<1x32xbf16> to vector<32xbf16>
      %swap3A_32 = vector.shape_cast %broadcast_in_dim3A_1 : vector<32xbf16> to vector<1x32xbf16>
      tpu.vector_store %arg9[%swap3A, %swap3A_29], %swap3A_32 {strides = array<i32>} : memref<64x64xbf16, #tpu.memory_space<vmem>>, vector<1x32xbf16>,
      %swap3A_33 = arith.index_cast %scan3A_28 : i32 to index
      %swap3A_34 = arith.constant 32 : index
      %swap3A_35 = tpu.vector_load %arg9[%swap3A_33, %swap3A_34] {strides = array<i32>} : memref<64x64xbf16, #tpu.memory_space<vmem>>, vector<1x32xbf16>,
      %swap3A_36 = vector.shape_cast %swap3A_35 : vector<1x32xbf16> to vector<32xbf16>
      %swap3A_37 = vector.shape_cast %broadcast_in_dim3A_1 : vector<32xbf16> to vector<1x32xbf16>
      tpu.vector_store %arg9[%swap3A_33, %swap3A_34], %swap3A_37 {strides = array<i32>} : memref<64x64xbf16, #tpu.memory_space<vmem>>, vector<1x32xbf16>,
    }
    %scan3A_6 = arith.constant 64 : i32
    %mul3A_7 = arith.constant 3328 : i32
    %mul3A_8 = arith.muli %arg1, %mul3A_7 : i32
    %scan3A_9 = arith.constant 0 : i32
    %scan3A_10 = arith.constant 0 : i32
    %scan3A_11 = arith.constant 52 : i32
    %scan3A_12 = arith.addi %scan3A_10, %scan3A_11 : i32
    %scan3A_13 = arith.constant 1 : i32
    scf.for %scan3A_28 = %scan3A_10 to %scan3A_12 step %scan3A_13  : i32 {
      %mul3A_29 = arith.constant 64 : i32
      %mul3A_30 = arith.muli %scan3A_28, %mul3A_29 : i32
      %add3A_31 = arith.addi %mul3A_8, %mul3A_30 : i32
      "tpu.region"() ({
        %run_scoped3A = tpu.sem_alloc : memref<!tpu.dma_semaphore, #tpu.memory_space<semaphore_mem>>
        %dma_start3A = arith.constant 0 : i32
        %dma_start3A_32 = tpu.memref_slice %arg10[%add3A_31, %dma_start3A] : memref<53248x64xbf16, #tpu.memory_space<vmem_shared>> -> memref<64x64xbf16, #tpu.memory_space<vmem_shared>>
        %dma_start3A_33 = arith.constant 0 : i32
        %dma_start3A_34 = tpu.memref_slice %arg10[%add3A_31, %dma_start3A_33] : memref<53248x64xbf16, #tpu.memory_space<vmem_shared>> -> memref<64x64xbf16, #tpu.memory_space<vmem_shared>>
        tpu.enqueue_dma source(%arg9 : memref<64x64xbf16, #tpu.memory_space<vmem>>) target(%dma_start3A_34 : memref<64x64xbf16, #tpu.memory_space<vmem_shared>>) target_semaphore(%run_scoped3A : memref<!tpu.dma_semaphore, #tpu.memory_space<semaphore_mem>>)
        %dma_wait3A = arith.constant 0 : i32
        %dma_wait3A_35 = tpu.memref_slice %arg10[%add3A_31, %dma_wait3A] : memref<53248x64xbf16, #tpu.memory_space<vmem_shared>> -> memref<64x64xbf16, #tpu.memory_space<vmem_shared>>
        %dma_wait3A_36 = arith.constant 0 : i32
        %dma_wait3A_37 = tpu.memref_slice %arg10[%add3A_31, %dma_wait3A_36] : memref<53248x64xbf16, #tpu.memory_space<vmem_shared>> -> memref<64x64xbf16, #tpu.memory_space<vmem_shared>>
        tpu.wait_dma2 semaphore(%run_scoped3A : memref<!tpu.dma_semaphore, #tpu.memory_space<semaphore_mem>>) src(%arg9 : memref<64x64xbf16, #tpu.memory_space<vmem>>) dst(%dma_wait3A_37 : memref<64x64xbf16, #tpu.memory_space<vmem_shared>>)
        tpu.yield
      }) : () -> ()
    }
    %scan3A_14 = arith.constant 52 : i32
    %barrier3A = arith.constant 0 : index
    tpu.barrier barrier_id(%barrier3A)
    %scan3A_15 = arith.constant 0 : i32
    %scan3A_16 = arith.constant 0 : i32
    %scan3A_17 = arith.constant 28 : i32
    %scan3A_18 = arith.addi %scan3A_16, %scan3A_17 : i32
    %scan3A_19 = arith.constant 1 : i32
    scf.for %scan3A_28 = %scan3A_16 to %scan3A_18 step %scan3A_19  : i32 {
      %mul3A_29 = arith.constant 7 : i32
      %mul3A_30 = arith.muli %scan3A_28, %mul3A_29 : i32
      %add3A_31 = arith.constant 0 : i32
      %add3A_32 = arith.addi %add3A_31, %mul3A_30 : i32
      "tpu.region"() ({
        %run_scoped3A = tpu.sem_alloc : memref<!tpu.dma_semaphore, #tpu.memory_space<semaphore_mem>>
        %dma_start3A_371 = arith.constant 0 : i32
        %dma_start3A_372 = arith.constant 0 : i32
        %dma_start3A_373 = tpu.memref_slice %arg3[%add3A, %dma_start3A_371, %dma_start3A_372] : memref<32x196x128xi32, #tpu.memory_space<hbm>> -> memref<1x196x128xi32, #tpu.memory_space<hbm>>
        %dma_start3A_374 = tpu.memref_squeeze %dma_start3A_373 : memref<1x196x128xi32, #tpu.memory_space<hbm>> -> memref<196x128xi32, #tpu.memory_space<hbm>>
        %dma_start3A_375 = arith.constant 0 : i32
        %dma_start3A_376 = tpu.memref_slice %dma_start3A_374[%add3A_32, %dma_start3A_375] : memref<196x128xi32, #tpu.memory_space<hbm>> -> memref<7x128xi32, #tpu.memory_space<hbm>>
        %dma_start3A_377 = arith.constant 0 : i32
        %dma_start3A_378 = arith.constant 0 : i32
        %dma_start3A_379 = tpu.memref_slice %arg3[%add3A, %dma_start3A_377, %dma_start3A_378] : memref<32x196x128xi32, #tpu.memory_space<hbm>> -> memref<1x196x128xi32, #tpu.memory_space<hbm>>
        %dma_start3A_380 = tpu.memref_squeeze %dma_start3A_379 : memref<1x196x128xi32, #tpu.memory_space<hbm>> -> memref<196x128xi32, #tpu.memory_space<hbm>>
        %dma_start3A_381 = arith.constant 0 : i32
        %dma_start3A_382 = tpu.memref_slice %dma_start3A_380[%add3A_32, %dma_start3A_381] : memref<196x128xi32, #tpu.memory_space<hbm>> -> memref<7x128xi32, #tpu.memory_space<hbm>>
        tpu.enqueue_dma source(%dma_start3A_382 : memref<7x128xi32, #tpu.memory_space<hbm>>) target(%arg6 : memref<7x128xi32, #tpu.memory_space<vmem>>) target_semaphore(%run_scoped3A : memref<!tpu.dma_semaphore, #tpu.memory_space<semaphore_mem>>)
        %dma_wait3A_383 = arith.constant 0 : i32
        %dma_wait3A_384 = arith.constant 0 : i32
        %dma_wait3A_385 = tpu.memref_slice %arg3[%add3A, %dma_wait3A_383, %dma_wait3A_384] : memref<32x196x128xi32, #tpu.memory_space<hbm>> -> memref<1x196x128xi32, #tpu.memory_space<hbm>>
        %dma_wait3A_386 = tpu.memref_squeeze %dma_wait3A_385 : memref<1x196x128xi32, #tpu.memory_space<hbm>> -> memref<196x128xi32, #tpu.memory_space<hbm>>
        %dma_wait3A_387 = arith.constant 0 : i32
        %dma_wait3A_388 = tpu.memref_slice %dma_wait3A_386[%add3A_32, %dma_wait3A_387] : memref<196x128xi32, #tpu.memory_space<hbm>> -> memref<7x128xi32, #tpu.memory_space<hbm>>
        %dma_wait3A_389 = arith.constant 0 : i32
        %dma_wait3A_390 = arith.constant 0 : i32
        %dma_wait3A_391 = tpu.memref_slice %arg3[%add3A, %dma_wait3A_389, %dma_wait3A_390] : memref<32x196x128xi32, #tpu.memory_space<hbm>> -> memref<1x196x128xi32, #tpu.memory_space<hbm>>
        %dma_wait3A_392 = tpu.memref_squeeze %dma_wait3A_391 : memref<1x196x128xi32, #tpu.memory_space<hbm>> -> memref<196x128xi32, #tpu.memory_space<hbm>>
        %dma_wait3A_393 = arith.constant 0 : i32
        %dma_wait3A_394 = tpu.memref_slice %dma_wait3A_392[%add3A_32, %dma_wait3A_393] : memref<196x128xi32, #tpu.memory_space<hbm>> -> memref<7x128xi32, #tpu.memory_space<hbm>>
        tpu.wait_dma2 semaphore(%run_scoped3A : memref<!tpu.dma_semaphore, #tpu.memory_space<semaphore_mem>>) src(%dma_wait3A_394 : memref<7x128xi32, #tpu.memory_space<hbm>>) dst(%arg6 : memref<7x128xi32, #tpu.memory_space<vmem>>)
        tpu.yield
      }) : () -> ()
      %mul3A_33 = arith.constant 7 : i32
      %mul3A_34 = arith.muli %scan3A_28, %mul3A_33 : i32
      %add3A_35 = arith.constant 0 : i32
      %add3A_36 = arith.addi %add3A_35, %mul3A_34 : i32
      "tpu.region"() ({
        %run_scoped3A = tpu.sem_alloc : memref<!tpu.dma_semaphore, #tpu.memory_space<semaphore_mem>>
        %dma_start3A_371 = arith.constant 0 : i32
        %dma_start3A_372 = arith.constant 0 : i32
        %dma_start3A_373 = tpu.memref_slice %arg4[%add3A, %dma_start3A_371, %dma_start3A_372] : memref<32x196x128xi32, #tpu.memory_space<hbm>> -> memref<1x196x128xi32, #tpu.memory_space<hbm>>
        %dma_start3A_374 = tpu.memref_squeeze %dma_start3A_373 : memref<1x196x128xi32, #tpu.memory_space<hbm>> -> memref<196x128xi32, #tpu.memory_space<hbm>>
        %dma_start3A_375 = arith.constant 0 : i32
        %dma_start3A_376 = tpu.memref_slice %dma_start3A_374[%add3A_36, %dma_start3A_375] : memref<196x128xi32, #tpu.memory_space<hbm>> -> memref<7x128xi32, #tpu.memory_space<hbm>>
        %dma_start3A_377 = arith.constant 0 : i32
        %dma_start3A_378 = arith.constant 0 : i32
        %dma_start3A_379 = tpu.memref_slice %arg4[%add3A, %dma_start3A_377, %dma_start3A_378] : memref<32x196x128xi32, #tpu.memory_space<hbm>> -> memref<1x196x128xi32, #tpu.memory_space<hbm>>
        %dma_start3A_380 = tpu.memref_squeeze %dma_start3A_379 : memref<1x196x128xi32, #tpu.memory_space<hbm>> -> memref<196x128xi32, #tpu.memory_space<hbm>>
        %dma_start3A_381 = arith.constant 0 : i32
        %dma_start3A_382 = tpu.memref_slice %dma_start3A_380[%add3A_36, %dma_start3A_381] : memref<196x128xi32, #tpu.memory_space<hbm>> -> memref<7x128xi32, #tpu.memory_space<hbm>>
        tpu.enqueue_dma source(%dma_start3A_382 : memref<7x128xi32, #tpu.memory_space<hbm>>) target(%arg7 : memref<7x128xi32, #tpu.memory_space<vmem>>) target_semaphore(%run_scoped3A : memref<!tpu.dma_semaphore, #tpu.memory_space<semaphore_mem>>)
        %dma_wait3A_383 = arith.constant 0 : i32
        %dma_wait3A_384 = arith.constant 0 : i32
        %dma_wait3A_385 = tpu.memref_slice %arg4[%add3A, %dma_wait3A_383, %dma_wait3A_384] : memref<32x196x128xi32, #tpu.memory_space<hbm>> -> memref<1x196x128xi32, #tpu.memory_space<hbm>>
        %dma_wait3A_386 = tpu.memref_squeeze %dma_wait3A_385 : memref<1x196x128xi32, #tpu.memory_space<hbm>> -> memref<196x128xi32, #tpu.memory_space<hbm>>
        %dma_wait3A_387 = arith.constant 0 : i32
        %dma_wait3A_388 = tpu.memref_slice %dma_wait3A_386[%add3A_36, %dma_wait3A_387] : memref<196x128xi32, #tpu.memory_space<hbm>> -> memref<7x128xi32, #tpu.memory_space<hbm>>
        %dma_wait3A_389 = arith.constant 0 : i32
        %dma_wait3A_390 = arith.constant 0 : i32
        %dma_wait3A_391 = tpu.memref_slice %arg4[%add3A, %dma_wait3A_389, %dma_wait3A_390] : memref<32x196x128xi32, #tpu.memory_space<hbm>> -> memref<1x196x128xi32, #tpu.memory_space<hbm>>
        %dma_wait3A_392 = tpu.memref_squeeze %dma_wait3A_391 : memref<1x196x128xi32, #tpu.memory_space<hbm>> -> memref<196x128xi32, #tpu.memory_space<hbm>>
        %dma_wait3A_393 = arith.constant 0 : i32
        %dma_wait3A_394 = tpu.memref_slice %dma_wait3A_392[%add3A_36, %dma_wait3A_393] : memref<196x128xi32, #tpu.memory_space<hbm>> -> memref<7x128xi32, #tpu.memory_space<hbm>>
        tpu.wait_dma2 semaphore(%run_scoped3A : memref<!tpu.dma_semaphore, #tpu.memory_space<semaphore_mem>>) src(%dma_wait3A_394 : memref<7x128xi32, #tpu.memory_space<hbm>>) dst(%arg7 : memref<7x128xi32, #tpu.memory_space<vmem>>)
        tpu.yield
      }) : () -> ()
      %dma_start3A = arith.constant 0 : i32
      %dma_start3A_37 = arith.constant 0 : i32
      %dma_start3A_38 = arith.constant 0 : i32
      %dma_start3A_39 = arith.constant 0 : i32
      %dma_start3A_40 = tpu.memref_slice %arg8[%dma_start3A_37, %dma_start3A_38, %dma_start3A_39] : memref<4x128x64xbf16, #tpu.memory_space<vmem>> -> memref<1x128x64xbf16, #tpu.memory_space<vmem>>
      %dma_start3A_41 = tpu.memref_squeeze %dma_start3A_40 : memref<1x128x64xbf16, #tpu.memory_space<vmem>> -> memref<128x64xbf16, #tpu.memory_space<vmem>>
      %dma_start3A_42 = arith.constant 0 : i32
      %dma_start3A_43 = tpu.memref_slice %arg6[%dma_start3A, %dma_start3A_42] : memref<7x128xi32, #tpu.memory_space<vmem>> -> memref<1x128xi32, #tpu.memory_space<vmem>>
      %dma_start3A_44 = tpu.memref_squeeze %dma_start3A_43 : memref<1x128xi32, #tpu.memory_space<vmem>> -> memref<128xi32, #tpu.memory_space<vmem>>
      %dma_start3A_45 = arith.constant 0 : i32
      %dma_start3A_46 = arith.constant 0 : i32
      %dma_start3A_47 = tpu.memref_slice %arg2[%dma_start3A_45, %dma_start3A_46] : memref<53248x64xbf16, #tpu.memory_space<hbm>> -> memref<53248x64xbf16, #tpu.memory_space<hbm>>
      tpu.enqueue_indirect_dma source(%dma_start3A_47 : memref<53248x64xbf16, #tpu.memory_space<hbm>>) target(%dma_start3A_41 : memref<128x64xbf16, #tpu.memory_space<vmem>>) offsets(%dma_start3A_44 : memref<128xi32, #tpu.memory_space<vmem>>) semaphore(%arg11 : memref<!tpu.dma_semaphore, #tpu.memory_space<semaphore_mem>>)
      %dma_start3A_48 = arith.constant 1 : i32
      %dma_start3A_49 = arith.constant 1 : i32
      %dma_start3A_50 = arith.constant 0 : i32
      %dma_start3A_51 = arith.constant 0 : i32
      %dma_start3A_52 = tpu.memref_slice %arg8[%dma_start3A_49, %dma_start3A_50, %dma_start3A_51] : memref<4x128x64xbf16, #tpu.memory_space<vmem>> -> memref<1x128x64xbf16, #tpu.memory_space<vmem>>
      %dma_start3A_53 = tpu.memref_squeeze %dma_start3A_52 : memref<1x128x64xbf16, #tpu.memory_space<vmem>> -> memref<128x64xbf16, #tpu.memory_space<vmem>>
      %dma_start3A_54 = arith.constant 0 : i32
      %dma_start3A_55 = tpu.memref_slice %arg6[%dma_start3A_48, %dma_start3A_54] : memref<7x128xi32, #tpu.memory_space<vmem>> -> memref<1x128xi32, #tpu.memory_space<vmem>>
      %dma_start3A_56 = tpu.memref_squeeze %dma_start3A_55 : memref<1x128xi32, #tpu.memory_space<vmem>> -> memref<128xi32, #tpu.memory_space<vmem>>
      %dma_start3A_57 = arith.constant 0 : i32
      %dma_start3A_58 = arith.constant 0 : i32
      %dma_start3A_59 = tpu.memref_slice %arg2[%dma_start3A_57, %dma_start3A_58] : memref<53248x64xbf16, #tpu.memory_space<hbm>> -> memref<53248x64xbf16, #tpu.memory_space<hbm>>
      tpu.enqueue_indirect_dma source(%dma_start3A_59 : memref<53248x64xbf16, #tpu.memory_space<hbm>>) target(%dma_start3A_53 : memref<128x64xbf16, #tpu.memory_space<vmem>>) offsets(%dma_start3A_56 : memref<128xi32, #tpu.memory_space<vmem>>) semaphore(%arg12 : memref<!tpu.dma_semaphore, #tpu.memory_space<semaphore_mem>>)
      %dma_start3A_60 = arith.constant 2 : i32
      %dma_start3A_61 = arith.constant 2 : i32
      %dma_start3A_62 = arith.constant 0 : i32
      %dma_start3A_63 = arith.constant 0 : i32
      %dma_start3A_64 = tpu.memref_slice %arg8[%dma_start3A_61, %dma_start3A_62, %dma_start3A_63] : memref<4x128x64xbf16, #tpu.memory_space<vmem>> -> memref<1x128x64xbf16, #tpu.memory_space<vmem>>
      %dma_start3A_65 = tpu.memref_squeeze %dma_start3A_64 : memref<1x128x64xbf16, #tpu.memory_space<vmem>> -> memref<128x64xbf16, #tpu.memory_space<vmem>>
      %dma_start3A_66 = arith.constant 0 : i32
      %dma_start3A_67 = tpu.memref_slice %arg6[%dma_start3A_60, %dma_start3A_66] : memref<7x128xi32, #tpu.memory_space<vmem>> -> memref<1x128xi32, #tpu.memory_space<vmem>>
      %dma_start3A_68 = tpu.memref_squeeze %dma_start3A_67 : memref<1x128xi32, #tpu.memory_space<vmem>> -> memref<128xi32, #tpu.memory_space<vmem>>
      %dma_start3A_69 = arith.constant 0 : i32
      %dma_start3A_70 = arith.constant 0 : i32
      %dma_start3A_71 = tpu.memref_slice %arg2[%dma_start3A_69, %dma_start3A_70] : memref<53248x64xbf16, #tpu.memory_space<hbm>> -> memref<53248x64xbf16, #tpu.memory_space<hbm>>
      tpu.enqueue_indirect_dma source(%dma_start3A_71 : memref<53248x64xbf16, #tpu.memory_space<hbm>>) target(%dma_start3A_65 : memref<128x64xbf16, #tpu.memory_space<vmem>>) offsets(%dma_start3A_68 : memref<128xi32, #tpu.memory_space<vmem>>) semaphore(%arg13 : memref<!tpu.dma_semaphore, #tpu.memory_space<semaphore_mem>>)
      %dma_wait3A = arith.constant 0 : i32
      %dma_wait3A_72 = arith.constant 0 : i32
      %dma_wait3A_73 = arith.constant 0 : i32
      %dma_wait3A_74 = arith.constant 0 : i32
      %dma_wait3A_75 = tpu.memref_slice %arg8[%dma_wait3A_72, %dma_wait3A_73, %dma_wait3A_74] : memref<4x128x64xbf16, #tpu.memory_space<vmem>> -> memref<1x128x64xbf16, #tpu.memory_space<vmem>>
      %dma_wait3A_76 = tpu.memref_squeeze %dma_wait3A_75 : memref<1x128x64xbf16, #tpu.memory_space<vmem>> -> memref<128x64xbf16, #tpu.memory_space<vmem>>
      %dma_wait3A_77 = arith.constant 0 : i32
      %dma_wait3A_78 = tpu.memref_slice %arg6[%dma_wait3A, %dma_wait3A_77] : memref<7x128xi32, #tpu.memory_space<vmem>> -> memref<1x128xi32, #tpu.memory_space<vmem>>
      %dma_wait3A_79 = tpu.memref_squeeze %dma_wait3A_78 : memref<1x128xi32, #tpu.memory_space<vmem>> -> memref<128xi32, #tpu.memory_space<vmem>>
      %dma_wait3A_80 = arith.constant 0 : i32
      %dma_wait3A_81 = arith.constant 0 : i32
      %dma_wait3A_82 = tpu.memref_slice %arg2[%dma_wait3A_80, %dma_wait3A_81] : memref<53248x64xbf16, #tpu.memory_space<hbm>> -> memref<53248x64xbf16, #tpu.memory_space<hbm>>
      tpu.wait_indirect_dma semaphore(%arg11 : memref<!tpu.dma_semaphore, #tpu.memory_space<semaphore_mem>>) src(%dma_wait3A_82 : memref<53248x64xbf16, #tpu.memory_space<hbm>>) dst(%dma_wait3A_76 : memref<128x64xbf16, #tpu.memory_space<vmem>>)
      %dma_start3A_83 = arith.constant 0 : i32
      %dma_start3A_84 = arith.constant 0 : i32
      %dma_start3A_85 = arith.constant 0 : i32
      %dma_start3A_86 = arith.constant 0 : i32
      %dma_start3A_87 = tpu.memref_slice %arg8[%dma_start3A_83, %dma_start3A_85, %dma_start3A_86] : memref<4x128x64xbf16, #tpu.memory_space<vmem>> -> memref<1x128x64xbf16, #tpu.memory_space<vmem>>
      %dma_start3A_88 = tpu.memref_squeeze %dma_start3A_87 : memref<1x128x64xbf16, #tpu.memory_space<vmem>> -> memref<128x64xbf16, #tpu.memory_space<vmem>>
      %dma_start3A_89 = arith.constant 0 : i32
      %dma_start3A_90 = tpu.memref_slice %arg7[%dma_start3A_84, %dma_start3A_89] : memref<7x128xi32, #tpu.memory_space<vmem>> -> memref<1x128xi32, #tpu.memory_space<vmem>>
      %dma_start3A_91 = tpu.memref_squeeze %dma_start3A_90 : memref<1x128xi32, #tpu.memory_space<vmem>> -> memref<128xi32, #tpu.memory_space<vmem>>
      %dma_start3A_92 = arith.constant 0 : i32
      %dma_start3A_93 = arith.constant 0 : i32
      %dma_start3A_94 = tpu.memref_slice %arg10[%dma_start3A_92, %dma_start3A_93] : memref<53248x64xbf16, #tpu.memory_space<vmem_shared>> -> memref<53248x64xbf16, #tpu.memory_space<vmem_shared>>
      tpu.enqueue_indirect_dma source(%dma_start3A_88 : memref<128x64xbf16, #tpu.memory_space<vmem>>) target(%dma_start3A_94 : memref<53248x64xbf16, #tpu.memory_space<vmem_shared>>) offsets(%dma_start3A_91 : memref<128xi32, #tpu.memory_space<vmem>>) semaphore(%arg15 : memref<!tpu.dma_semaphore, #tpu.memory_space<semaphore_mem>>) {add = true}
      %dma_start3A_95 = arith.constant 3 : i32
      %dma_start3A_96 = arith.constant 3 : i32
      %dma_start3A_97 = arith.constant 0 : i32
      %dma_start3A_98 = arith.constant 0 : i32
      %dma_start3A_99 = tpu.memref_slice %arg8[%dma_start3A_96, %dma_start3A_97, %dma_start3A_98] : memref<4x128x64xbf16, #tpu.memory_space<vmem>> -> memref<1x128x64xbf16, #tpu.memory_space<vmem>>
      %dma_start3A_100 = tpu.memref_squeeze %dma_start3A_99 : memref<1x128x64xbf16, #tpu.memory_space<vmem>> -> memref<128x64xbf16, #tpu.memory_space<vmem>>
      %dma_start3A_101 = arith.constant 0 : i32
      %dma_start3A_102 = tpu.memref_slice %arg6[%dma_start3A_95, %dma_start3A_101] : memref<7x128xi32, #tpu.memory_space<vmem>> -> memref<1x128xi32, #tpu.memory_space<vmem>>
      %dma_start3A_103 = tpu.memref_squeeze %dma_start3A_102 : memref<1x128xi32, #tpu.memory_space<vmem>> -> memref<128xi32, #tpu.memory_space<vmem>>
      %dma_start3A_104 = arith.constant 0 : i32
      %dma_start3A_105 = arith.constant 0 : i32
      %dma_start3A_106 = tpu.memref_slice %arg2[%dma_start3A_104, %dma_start3A_105] : memref<53248x64xbf16, #tpu.memory_space<hbm>> -> memref<53248x64xbf16, #tpu.memory_space<hbm>>
      tpu.enqueue_indirect_dma source(%dma_start3A_106 : memref<53248x64xbf16, #tpu.memory_space<hbm>>) target(%dma_start3A_100 : memref<128x64xbf16, #tpu.memory_space<vmem>>) offsets(%dma_start3A_103 : memref<128xi32, #tpu.memory_space<vmem>>) semaphore(%arg14 : memref<!tpu.dma_semaphore, #tpu.memory_space<semaphore_mem>>)
      %dma_wait3A_107 = arith.constant 1 : i32
      %dma_wait3A_108 = arith.constant 1 : i32
      %dma_wait3A_109 = arith.constant 0 : i32
      %dma_wait3A_110 = arith.constant 0 : i32
      %dma_wait3A_111 = tpu.memref_slice %arg8[%dma_wait3A_108, %dma_wait3A_109, %dma_wait3A_110] : memref<4x128x64xbf16, #tpu.memory_space<vmem>> -> memref<1x128x64xbf16, #tpu.memory_space<vmem>>
      %dma_wait3A_112 = tpu.memref_squeeze %dma_wait3A_111 : memref<1x128x64xbf16, #tpu.memory_space<vmem>> -> memref<128x64xbf16, #tpu.memory_space<vmem>>
      %dma_wait3A_113 = arith.constant 0 : i32
      %dma_wait3A_114 = tpu.memref_slice %arg6[%dma_wait3A_107, %dma_wait3A_113] : memref<7x128xi32, #tpu.memory_space<vmem>> -> memref<1x128xi32, #tpu.memory_space<vmem>>
      %dma_wait3A_115 = tpu.memref_squeeze %dma_wait3A_114 : memref<1x128xi32, #tpu.memory_space<vmem>> -> memref<128xi32, #tpu.memory_space<vmem>>
      %dma_wait3A_116 = arith.constant 0 : i32
      %dma_wait3A_117 = arith.constant 0 : i32
      %dma_wait3A_118 = tpu.memref_slice %arg2[%dma_wait3A_116, %dma_wait3A_117] : memref<53248x64xbf16, #tpu.memory_space<hbm>> -> memref<53248x64xbf16, #tpu.memory_space<hbm>>
      tpu.wait_indirect_dma semaphore(%arg12 : memref<!tpu.dma_semaphore, #tpu.memory_space<semaphore_mem>>) src(%dma_wait3A_118 : memref<53248x64xbf16, #tpu.memory_space<hbm>>) dst(%dma_wait3A_112 : memref<128x64xbf16, #tpu.memory_space<vmem>>)
      %dma_start3A_119 = arith.constant 1 : i32
      %dma_start3A_120 = arith.constant 1 : i32
      %dma_start3A_121 = arith.constant 0 : i32
      %dma_start3A_122 = arith.constant 0 : i32
      %dma_start3A_123 = tpu.memref_slice %arg8[%dma_start3A_119, %dma_start3A_121, %dma_start3A_122] : memref<4x128x64xbf16, #tpu.memory_space<vmem>> -> memref<1x128x64xbf16, #tpu.memory_space<vmem>>
      %dma_start3A_124 = tpu.memref_squeeze %dma_start3A_123 : memref<1x128x64xbf16, #tpu.memory_space<vmem>> -> memref<128x64xbf16, #tpu.memory_space<vmem>>
      %dma_start3A_125 = arith.constant 0 : i32
      %dma_start3A_126 = tpu.memref_slice %arg7[%dma_start3A_120, %dma_start3A_125] : memref<7x128xi32, #tpu.memory_space<vmem>> -> memref<1x128xi32, #tpu.memory_space<vmem>>
      %dma_start3A_127 = tpu.memref_squeeze %dma_start3A_126 : memref<1x128xi32, #tpu.memory_space<vmem>> -> memref<128xi32, #tpu.memory_space<vmem>>
      %dma_start3A_128 = arith.constant 0 : i32
      %dma_start3A_129 = arith.constant 0 : i32
      %dma_start3A_130 = tpu.memref_slice %arg10[%dma_start3A_128, %dma_start3A_129] : memref<53248x64xbf16, #tpu.memory_space<vmem_shared>> -> memref<53248x64xbf16, #tpu.memory_space<vmem_shared>>
      tpu.enqueue_indirect_dma source(%dma_start3A_124 : memref<128x64xbf16, #tpu.memory_space<vmem>>) target(%dma_start3A_130 : memref<53248x64xbf16, #tpu.memory_space<vmem_shared>>) offsets(%dma_start3A_127 : memref<128xi32, #tpu.memory_space<vmem>>) semaphore(%arg16 : memref<!tpu.dma_semaphore, #tpu.memory_space<semaphore_mem>>) {add = true}
      %dma_wait3A_131 = arith.constant 0 : i32
      %dma_wait3A_132 = arith.constant 0 : i32
      %dma_wait3A_133 = arith.constant 0 : i32
      %dma_wait3A_134 = arith.constant 0 : i32
      %dma_wait3A_135 = tpu.memref_slice %arg8[%dma_wait3A_131, %dma_wait3A_133, %dma_wait3A_134] : memref<4x128x64xbf16, #tpu.memory_space<vmem>> -> memref<1x128x64xbf16, #tpu.memory_space<vmem>>
      %dma_wait3A_136 = tpu.memref_squeeze %dma_wait3A_135 : memref<1x128x64xbf16, #tpu.memory_space<vmem>> -> memref<128x64xbf16, #tpu.memory_space<vmem>>
      %dma_wait3A_137 = arith.constant 0 : i32
      %dma_wait3A_138 = tpu.memref_slice %arg7[%dma_wait3A_132, %dma_wait3A_137] : memref<7x128xi32, #tpu.memory_space<vmem>> -> memref<1x128xi32, #tpu.memory_space<vmem>>
      %dma_wait3A_139 = tpu.memref_squeeze %dma_wait3A_138 : memref<1x128xi32, #tpu.memory_space<vmem>> -> memref<128xi32, #tpu.memory_space<vmem>>
      %dma_wait3A_140 = arith.constant 0 : i32
      %dma_wait3A_141 = arith.constant 0 : i32
      %dma_wait3A_142 = tpu.memref_slice %arg10[%dma_wait3A_140, %dma_wait3A_141] : memref<53248x64xbf16, #tpu.memory_space<vmem_shared>> -> memref<53248x64xbf16, #tpu.memory_space<vmem_shared>>
      tpu.wait_indirect_dma semaphore(%arg15 : memref<!tpu.dma_semaphore, #tpu.memory_space<semaphore_mem>>) src(%dma_wait3A_136 : memref<128x64xbf16, #tpu.memory_space<vmem>>) dst(%dma_wait3A_142 : memref<53248x64xbf16, #tpu.memory_space<vmem_shared>>)
      %dma_start3A_143 = arith.constant 4 : i32
      %dma_start3A_144 = arith.constant 0 : i32
      %dma_start3A_145 = arith.constant 0 : i32
      %dma_start3A_146 = arith.constant 0 : i32
      %dma_start3A_147 = tpu.memref_slice %arg8[%dma_start3A_144, %dma_start3A_145, %dma_start3A_146] : memref<4x128x64xbf16, #tpu.memory_space<vmem>> -> memref<1x128x64xbf16, #tpu.memory_space<vmem>>
      %dma_start3A_148 = tpu.memref_squeeze %dma_start3A_147 : memref<1x128x64xbf16, #tpu.memory_space<vmem>> -> memref<128x64xbf16, #tpu.memory_space<vmem>>
      %dma_start3A_149 = arith.constant 0 : i32
      %dma_start3A_150 = tpu.memref_slice %arg6[%dma_start3A_143, %dma_start3A_149] : memref<7x128xi32, #tpu.memory_space<vmem>> -> memref<1x128xi32, #tpu.memory_space<vmem>>
      %dma_start3A_151 = tpu.memref_squeeze %dma_start3A_150 : memref<1x128xi32, #tpu.memory_space<vmem>> -> memref<128xi32, #tpu.memory_space<vmem>>
      %dma_start3A_152 = arith.constant 0 : i32
      %dma_start3A_153 = arith.constant 0 : i32
      %dma_start3A_154 = tpu.memref_slice %arg2[%dma_start3A_152, %dma_start3A_153] : memref<53248x64xbf16, #tpu.memory_space<hbm>> -> memref<53248x64xbf16, #tpu.memory_space<hbm>>
      tpu.enqueue_indirect_dma source(%dma_start3A_154 : memref<53248x64xbf16, #tpu.memory_space<hbm>>) target(%dma_start3A_148 : memref<128x64xbf16, #tpu.memory_space<vmem>>) offsets(%dma_start3A_151 : memref<128xi32, #tpu.memory_space<vmem>>) semaphore(%arg11 : memref<!tpu.dma_semaphore, #tpu.memory_space<semaphore_mem>>)
      %dma_wait3A_155 = arith.constant 2 : i32
      %dma_wait3A_156 = arith.constant 2 : i32
      %dma_wait3A_157 = arith.constant 0 : i32
      %dma_wait3A_158 = arith.constant 0 : i32
      %dma_wait3A_159 = tpu.memref_slice %arg8[%dma_wait3A_156, %dma_wait3A_157, %dma_wait3A_158] : memref<4x128x64xbf16, #tpu.memory_space<vmem>> -> memref<1x128x64xbf16, #tpu.memory_space<vmem>>
      %dma_wait3A_160 = tpu.memref_squeeze %dma_wait3A_159 : memref<1x128x64xbf16, #tpu.memory_space<vmem>> -> memref<128x64xbf16, #tpu.memory_space<vmem>>
      %dma_wait3A_161 = arith.constant 0 : i32
      %dma_wait3A_162 = tpu.memref_slice %arg6[%dma_wait3A_155, %dma_wait3A_161] : memref<7x128xi32, #tpu.memory_space<vmem>> -> memref<1x128xi32, #tpu.memory_space<vmem>>
      %dma_wait3A_163 = tpu.memref_squeeze %dma_wait3A_162 : memref<1x128xi32, #tpu.memory_space<vmem>> -> memref<128xi32, #tpu.memory_space<vmem>>
      %dma_wait3A_164 = arith.constant 0 : i32
      %dma_wait3A_165 = arith.constant 0 : i32
      %dma_wait3A_166 = tpu.memref_slice %arg2[%dma_wait3A_164, %dma_wait3A_165] : memref<53248x64xbf16, #tpu.memory_space<hbm>> -> memref<53248x64xbf16, #tpu.memory_space<hbm>>
      tpu.wait_indirect_dma semaphore(%arg13 : memref<!tpu.dma_semaphore, #tpu.memory_space<semaphore_mem>>) src(%dma_wait3A_166 : memref<53248x64xbf16, #tpu.memory_space<hbm>>) dst(%dma_wait3A_160 : memref<128x64xbf16, #tpu.memory_space<vmem>>)
      %dma_start3A_167 = arith.constant 2 : i32
      %dma_start3A_168 = arith.constant 2 : i32
      %dma_start3A_169 = arith.constant 0 : i32
      %dma_start3A_170 = arith.constant 0 : i32
      %dma_start3A_171 = tpu.memref_slice %arg8[%dma_start3A_167, %dma_start3A_169, %dma_start3A_170] : memref<4x128x64xbf16, #tpu.memory_space<vmem>> -> memref<1x128x64xbf16, #tpu.memory_space<vmem>>
      %dma_start3A_172 = tpu.memref_squeeze %dma_start3A_171 : memref<1x128x64xbf16, #tpu.memory_space<vmem>> -> memref<128x64xbf16, #tpu.memory_space<vmem>>
      %dma_start3A_173 = arith.constant 0 : i32
      %dma_start3A_174 = tpu.memref_slice %arg7[%dma_start3A_168, %dma_start3A_173] : memref<7x128xi32, #tpu.memory_space<vmem>> -> memref<1x128xi32, #tpu.memory_space<vmem>>
      %dma_start3A_175 = tpu.memref_squeeze %dma_start3A_174 : memref<1x128xi32, #tpu.memory_space<vmem>> -> memref<128xi32, #tpu.memory_space<vmem>>
      %dma_start3A_176 = arith.constant 0 : i32
      %dma_start3A_177 = arith.constant 0 : i32
      %dma_start3A_178 = tpu.memref_slice %arg10[%dma_start3A_176, %dma_start3A_177] : memref<53248x64xbf16, #tpu.memory_space<vmem_shared>> -> memref<53248x64xbf16, #tpu.memory_space<vmem_shared>>
      tpu.enqueue_indirect_dma source(%dma_start3A_172 : memref<128x64xbf16, #tpu.memory_space<vmem>>) target(%dma_start3A_178 : memref<53248x64xbf16, #tpu.memory_space<vmem_shared>>) offsets(%dma_start3A_175 : memref<128xi32, #tpu.memory_space<vmem>>) semaphore(%arg17 : memref<!tpu.dma_semaphore, #tpu.memory_space<semaphore_mem>>) {add = true}
      %dma_wait3A_179 = arith.constant 1 : i32
      %dma_wait3A_180 = arith.constant 1 : i32
      %dma_wait3A_181 = arith.constant 0 : i32
      %dma_wait3A_182 = arith.constant 0 : i32
      %dma_wait3A_183 = tpu.memref_slice %arg8[%dma_wait3A_179, %dma_wait3A_181, %dma_wait3A_182] : memref<4x128x64xbf16, #tpu.memory_space<vmem>> -> memref<1x128x64xbf16, #tpu.memory_space<vmem>>
      %dma_wait3A_184 = tpu.memref_squeeze %dma_wait3A_183 : memref<1x128x64xbf16, #tpu.memory_space<vmem>> -> memref<128x64xbf16, #tpu.memory_space<vmem>>
      %dma_wait3A_185 = arith.constant 0 : i32
      %dma_wait3A_186 = tpu.memref_slice %arg7[%dma_wait3A_180, %dma_wait3A_185] : memref<7x128xi32, #tpu.memory_space<vmem>> -> memref<1x128xi32, #tpu.memory_space<vmem>>
      %dma_wait3A_187 = tpu.memref_squeeze %dma_wait3A_186 : memref<1x128xi32, #tpu.memory_space<vmem>> -> memref<128xi32, #tpu.memory_space<vmem>>
      %dma_wait3A_188 = arith.constant 0 : i32
      %dma_wait3A_189 = arith.constant 0 : i32
      %dma_wait3A_190 = tpu.memref_slice %arg10[%dma_wait3A_188, %dma_wait3A_189] : memref<53248x64xbf16, #tpu.memory_space<vmem_shared>> -> memref<53248x64xbf16, #tpu.memory_space<vmem_shared>>
      tpu.wait_indirect_dma semaphore(%arg16 : memref<!tpu.dma_semaphore, #tpu.memory_space<semaphore_mem>>) src(%dma_wait3A_184 : memref<128x64xbf16, #tpu.memory_space<vmem>>) dst(%dma_wait3A_190 : memref<53248x64xbf16, #tpu.memory_space<vmem_shared>>)
      %dma_start3A_191 = arith.constant 5 : i32
      %dma_start3A_192 = arith.constant 1 : i32
      %dma_start3A_193 = arith.constant 0 : i32
      %dma_start3A_194 = arith.constant 0 : i32
      %dma_start3A_195 = tpu.memref_slice %arg8[%dma_start3A_192, %dma_start3A_193, %dma_start3A_194] : memref<4x128x64xbf16, #tpu.memory_space<vmem>> -> memref<1x128x64xbf16, #tpu.memory_space<vmem>>
      %dma_start3A_196 = tpu.memref_squeeze %dma_start3A_195 : memref<1x128x64xbf16, #tpu.memory_space<vmem>> -> memref<128x64xbf16, #tpu.memory_space<vmem>>
      %dma_start3A_197 = arith.constant 0 : i32
      %dma_start3A_198 = tpu.memref_slice %arg6[%dma_start3A_191, %dma_start3A_197] : memref<7x128xi32, #tpu.memory_space<vmem>> -> memref<1x128xi32, #tpu.memory_space<vmem>>
      %dma_start3A_199 = tpu.memref_squeeze %dma_start3A_198 : memref<1x128xi32, #tpu.memory_space<vmem>> -> memref<128xi32, #tpu.memory_space<vmem>>
      %dma_start3A_200 = arith.constant 0 : i32
      %dma_start3A_201 = arith.constant 0 : i32
      %dma_start3A_202 = tpu.memref_slice %arg2[%dma_start3A_200, %dma_start3A_201] : memref<53248x64xbf16, #tpu.memory_space<hbm>> -> memref<53248x64xbf16, #tpu.memory_space<hbm>>
      tpu.enqueue_indirect_dma source(%dma_start3A_202 : memref<53248x64xbf16, #tpu.memory_space<hbm>>) target(%dma_start3A_196 : memref<128x64xbf16, #tpu.memory_space<vmem>>) offsets(%dma_start3A_199 : memref<128xi32, #tpu.memory_space<vmem>>) semaphore(%arg12 : memref<!tpu.dma_semaphore, #tpu.memory_space<semaphore_mem>>)
      %dma_wait3A_203 = arith.constant 3 : i32
      %dma_wait3A_204 = arith.constant 3 : i32
      %dma_wait3A_205 = arith.constant 0 : i32
      %dma_wait3A_206 = arith.constant 0 : i32
      %dma_wait3A_207 = tpu.memref_slice %arg8[%dma_wait3A_204, %dma_wait3A_205, %dma_wait3A_206] : memref<4x128x64xbf16, #tpu.memory_space<vmem>> -> memref<1x128x64xbf16, #tpu.memory_space<vmem>>
      %dma_wait3A_208 = tpu.memref_squeeze %dma_wait3A_207 : memref<1x128x64xbf16, #tpu.memory_space<vmem>> -> memref<128x64xbf16, #tpu.memory_space<vmem>>
      %dma_wait3A_209 = arith.constant 0 : i32
      %dma_wait3A_210 = tpu.memref_slice %arg6[%dma_wait3A_203, %dma_wait3A_209] : memref<7x128xi32, #tpu.memory_space<vmem>> -> memref<1x128xi32, #tpu.memory_space<vmem>>
      %dma_wait3A_211 = tpu.memref_squeeze %dma_wait3A_210 : memref<1x128xi32, #tpu.memory_space<vmem>> -> memref<128xi32, #tpu.memory_space<vmem>>
      %dma_wait3A_212 = arith.constant 0 : i32
      %dma_wait3A_213 = arith.constant 0 : i32
      %dma_wait3A_214 = tpu.memref_slice %arg2[%dma_wait3A_212, %dma_wait3A_213] : memref<53248x64xbf16, #tpu.memory_space<hbm>> -> memref<53248x64xbf16, #tpu.memory_space<hbm>>
      tpu.wait_indirect_dma semaphore(%arg14 : memref<!tpu.dma_semaphore, #tpu.memory_space<semaphore_mem>>) src(%dma_wait3A_214 : memref<53248x64xbf16, #tpu.memory_space<hbm>>) dst(%dma_wait3A_208 : memref<128x64xbf16, #tpu.memory_space<vmem>>)
      %dma_start3A_215 = arith.constant 3 : i32
      %dma_start3A_216 = arith.constant 3 : i32
      %dma_start3A_217 = arith.constant 0 : i32
      %dma_start3A_218 = arith.constant 0 : i32
      %dma_start3A_219 = tpu.memref_slice %arg8[%dma_start3A_215, %dma_start3A_217, %dma_start3A_218] : memref<4x128x64xbf16, #tpu.memory_space<vmem>> -> memref<1x128x64xbf16, #tpu.memory_space<vmem>>
      %dma_start3A_220 = tpu.memref_squeeze %dma_start3A_219 : memref<1x128x64xbf16, #tpu.memory_space<vmem>> -> memref<128x64xbf16, #tpu.memory_space<vmem>>
      %dma_start3A_221 = arith.constant 0 : i32
      %dma_start3A_222 = tpu.memref_slice %arg7[%dma_start3A_216, %dma_start3A_221] : memref<7x128xi32, #tpu.memory_space<vmem>> -> memref<1x128xi32, #tpu.memory_space<vmem>>
      %dma_start3A_223 = tpu.memref_squeeze %dma_start3A_222 : memref<1x128xi32, #tpu.memory_space<vmem>> -> memref<128xi32, #tpu.memory_space<vmem>>
      %dma_start3A_224 = arith.constant 0 : i32
      %dma_start3A_225 = arith.constant 0 : i32
      %dma_start3A_226 = tpu.memref_slice %arg10[%dma_start3A_224, %dma_start3A_225] : memref<53248x64xbf16, #tpu.memory_space<vmem_shared>> -> memref<53248x64xbf16, #tpu.memory_space<vmem_shared>>
      tpu.enqueue_indirect_dma source(%dma_start3A_220 : memref<128x64xbf16, #tpu.memory_space<vmem>>) target(%dma_start3A_226 : memref<53248x64xbf16, #tpu.memory_space<vmem_shared>>) offsets(%dma_start3A_223 : memref<128xi32, #tpu.memory_space<vmem>>) semaphore(%arg18 : memref<!tpu.dma_semaphore, #tpu.memory_space<semaphore_mem>>) {add = true}
      %dma_wait3A_227 = arith.constant 2 : i32
      %dma_wait3A_228 = arith.constant 2 : i32
      %dma_wait3A_229 = arith.constant 0 : i32
      %dma_wait3A_230 = arith.constant 0 : i32
      %dma_wait3A_231 = tpu.memref_slice %arg8[%dma_wait3A_227, %dma_wait3A_229, %dma_wait3A_230] : memref<4x128x64xbf16, #tpu.memory_space<vmem>> -> memref<1x128x64xbf16, #tpu.memory_space<vmem>>
      %dma_wait3A_232 = tpu.memref_squeeze %dma_wait3A_231 : memref<1x128x64xbf16, #tpu.memory_space<vmem>> -> memref<128x64xbf16, #tpu.memory_space<vmem>>
      %dma_wait3A_233 = arith.constant 0 : i32
      %dma_wait3A_234 = tpu.memref_slice %arg7[%dma_wait3A_228, %dma_wait3A_233] : memref<7x128xi32, #tpu.memory_space<vmem>> -> memref<1x128xi32, #tpu.memory_space<vmem>>
      %dma_wait3A_235 = tpu.memref_squeeze %dma_wait3A_234 : memref<1x128xi32, #tpu.memory_space<vmem>> -> memref<128xi32, #tpu.memory_space<vmem>>
      %dma_wait3A_236 = arith.constant 0 : i32
      %dma_wait3A_237 = arith.constant 0 : i32
      %dma_wait3A_238 = tpu.memref_slice %arg10[%dma_wait3A_236, %dma_wait3A_237] : memref<53248x64xbf16, #tpu.memory_space<vmem_shared>> -> memref<53248x64xbf16, #tpu.memory_space<vmem_shared>>
      tpu.wait_indirect_dma semaphore(%arg17 : memref<!tpu.dma_semaphore, #tpu.memory_space<semaphore_mem>>) src(%dma_wait3A_232 : memref<128x64xbf16, #tpu.memory_space<vmem>>) dst(%dma_wait3A_238 : memref<53248x64xbf16, #tpu.memory_space<vmem_shared>>)
      %dma_start3A_239 = arith.constant 6 : i32
      %dma_start3A_240 = arith.constant 2 : i32
      %dma_start3A_241 = arith.constant 0 : i32
      %dma_start3A_242 = arith.constant 0 : i32
      %dma_start3A_243 = tpu.memref_slice %arg8[%dma_start3A_240, %dma_start3A_241, %dma_start3A_242] : memref<4x128x64xbf16, #tpu.memory_space<vmem>> -> memref<1x128x64xbf16, #tpu.memory_space<vmem>>
      %dma_start3A_244 = tpu.memref_squeeze %dma_start3A_243 : memref<1x128x64xbf16, #tpu.memory_space<vmem>> -> memref<128x64xbf16, #tpu.memory_space<vmem>>
      %dma_start3A_245 = arith.constant 0 : i32
      %dma_start3A_246 = tpu.memref_slice %arg6[%dma_start3A_239, %dma_start3A_245] : memref<7x128xi32, #tpu.memory_space<vmem>> -> memref<1x128xi32, #tpu.memory_space<vmem>>
      %dma_start3A_247 = tpu.memref_squeeze %dma_start3A_246 : memref<1x128xi32, #tpu.memory_space<vmem>> -> memref<128xi32, #tpu.memory_space<vmem>>
      %dma_start3A_248 = arith.constant 0 : i32
      %dma_start3A_249 = arith.constant 0 : i32
      %dma_start3A_250 = tpu.memref_slice %arg2[%dma_start3A_248, %dma_start3A_249] : memref<53248x64xbf16, #tpu.memory_space<hbm>> -> memref<53248x64xbf16, #tpu.memory_space<hbm>>
      tpu.enqueue_indirect_dma source(%dma_start3A_250 : memref<53248x64xbf16, #tpu.memory_space<hbm>>) target(%dma_start3A_244 : memref<128x64xbf16, #tpu.memory_space<vmem>>) offsets(%dma_start3A_247 : memref<128xi32, #tpu.memory_space<vmem>>) semaphore(%arg13 : memref<!tpu.dma_semaphore, #tpu.memory_space<semaphore_mem>>)
      %dma_wait3A_251 = arith.constant 4 : i32
      %dma_wait3A_252 = arith.constant 0 : i32
      %dma_wait3A_253 = arith.constant 0 : i32
      %dma_wait3A_254 = arith.constant 0 : i32
      %dma_wait3A_255 = tpu.memref_slice %arg8[%dma_wait3A_252, %dma_wait3A_253, %dma_wait3A_254] : memref<4x128x64xbf16, #tpu.memory_space<vmem>> -> memref<1x128x64xbf16, #tpu.memory_space<vmem>>
      %dma_wait3A_256 = tpu.memref_squeeze %dma_wait3A_255 : memref<1x128x64xbf16, #tpu.memory_space<vmem>> -> memref<128x64xbf16, #tpu.memory_space<vmem>>
      %dma_wait3A_257 = arith.constant 0 : i32
      %dma_wait3A_258 = tpu.memref_slice %arg6[%dma_wait3A_251, %dma_wait3A_257] : memref<7x128xi32, #tpu.memory_space<vmem>> -> memref<1x128xi32, #tpu.memory_space<vmem>>
      %dma_wait3A_259 = tpu.memref_squeeze %dma_wait3A_258 : memref<1x128xi32, #tpu.memory_space<vmem>> -> memref<128xi32, #tpu.memory_space<vmem>>
      %dma_wait3A_260 = arith.constant 0 : i32
      %dma_wait3A_261 = arith.constant 0 : i32
      %dma_wait3A_262 = tpu.memref_slice %arg2[%dma_wait3A_260, %dma_wait3A_261] : memref<53248x64xbf16, #tpu.memory_space<hbm>> -> memref<53248x64xbf16, #tpu.memory_space<hbm>>
      tpu.wait_indirect_dma semaphore(%arg11 : memref<!tpu.dma_semaphore, #tpu.memory_space<semaphore_mem>>) src(%dma_wait3A_262 : memref<53248x64xbf16, #tpu.memory_space<hbm>>) dst(%dma_wait3A_256 : memref<128x64xbf16, #tpu.memory_space<vmem>>)
      %dma_start3A_263 = arith.constant 0 : i32
      %dma_start3A_264 = arith.constant 4 : i32
      %dma_start3A_265 = arith.constant 0 : i32
      %dma_start3A_266 = arith.constant 0 : i32
      %dma_start3A_267 = tpu.memref_slice %arg8[%dma_start3A_263, %dma_start3A_265, %dma_start3A_266] : memref<4x128x64xbf16, #tpu.memory_space<vmem>> -> memref<1x128x64xbf16, #tpu.memory_space<vmem>>
      %dma_start3A_268 = tpu.memref_squeeze %dma_start3A_267 : memref<1x128x64xbf16, #tpu.memory_space<vmem>> -> memref<128x64xbf16, #tpu.memory_space<vmem>>
      %dma_start3A_269 = arith.constant 0 : i32
      %dma_start3A_270 = tpu.memref_slice %arg7[%dma_start3A_264, %dma_start3A_269] : memref<7x128xi32, #tpu.memory_space<vmem>> -> memref<1x128xi32, #tpu.memory_space<vmem>>
      %dma_start3A_271 = tpu.memref_squeeze %dma_start3A_270 : memref<1x128xi32, #tpu.memory_space<vmem>> -> memref<128xi32, #tpu.memory_space<vmem>>
      %dma_start3A_272 = arith.constant 0 : i32
      %dma_start3A_273 = arith.constant 0 : i32
      %dma_start3A_274 = tpu.memref_slice %arg10[%dma_start3A_272, %dma_start3A_273] : memref<53248x64xbf16, #tpu.memory_space<vmem_shared>> -> memref<53248x64xbf16, #tpu.memory_space<vmem_shared>>
      tpu.enqueue_indirect_dma source(%dma_start3A_268 : memref<128x64xbf16, #tpu.memory_space<vmem>>) target(%dma_start3A_274 : memref<53248x64xbf16, #tpu.memory_space<vmem_shared>>) offsets(%dma_start3A_271 : memref<128xi32, #tpu.memory_space<vmem>>) semaphore(%arg15 : memref<!tpu.dma_semaphore, #tpu.memory_space<semaphore_mem>>) {add = true}
      %dma_wait3A_275 = arith.constant 5 : i32
      %dma_wait3A_276 = arith.constant 1 : i32
      %dma_wait3A_277 = arith.constant 0 : i32
      %dma_wait3A_278 = arith.constant 0 : i32
      %dma_wait3A_279 = tpu.memref_slice %arg8[%dma_wait3A_276, %dma_wait3A_277, %dma_wait3A_278] : memref<4x128x64xbf16, #tpu.memory_space<vmem>> -> memref<1x128x64xbf16, #tpu.memory_space<vmem>>
      %dma_wait3A_280 = tpu.memref_squeeze %dma_wait3A_279 : memref<1x128x64xbf16, #tpu.memory_space<vmem>> -> memref<128x64xbf16, #tpu.memory_space<vmem>>
      %dma_wait3A_281 = arith.constant 0 : i32
      %dma_wait3A_282 = tpu.memref_slice %arg6[%dma_wait3A_275, %dma_wait3A_281] : memref<7x128xi32, #tpu.memory_space<vmem>> -> memref<1x128xi32, #tpu.memory_space<vmem>>
      %dma_wait3A_283 = tpu.memref_squeeze %dma_wait3A_282 : memref<1x128xi32, #tpu.memory_space<vmem>> -> memref<128xi32, #tpu.memory_space<vmem>>
      %dma_wait3A_284 = arith.constant 0 : i32
      %dma_wait3A_285 = arith.constant 0 : i32
      %dma_wait3A_286 = tpu.memref_slice %arg2[%dma_wait3A_284, %dma_wait3A_285] : memref<53248x64xbf16, #tpu.memory_space<hbm>> -> memref<53248x64xbf16, #tpu.memory_space<hbm>>
      tpu.wait_indirect_dma semaphore(%arg12 : memref<!tpu.dma_semaphore, #tpu.memory_space<semaphore_mem>>) src(%dma_wait3A_286 : memref<53248x64xbf16, #tpu.memory_space<hbm>>) dst(%dma_wait3A_280 : memref<128x64xbf16, #tpu.memory_space<vmem>>)
      %dma_start3A_287 = arith.constant 1 : i32
      %dma_start3A_288 = arith.constant 5 : i32
      %dma_start3A_289 = arith.constant 0 : i32
      %dma_start3A_290 = arith.constant 0 : i32
      %dma_start3A_291 = tpu.memref_slice %arg8[%dma_start3A_287, %dma_start3A_289, %dma_start3A_290] : memref<4x128x64xbf16, #tpu.memory_space<vmem>> -> memref<1x128x64xbf16, #tpu.memory_space<vmem>>
      %dma_start3A_292 = tpu.memref_squeeze %dma_start3A_291 : memref<1x128x64xbf16, #tpu.memory_space<vmem>> -> memref<128x64xbf16, #tpu.memory_space<vmem>>
      %dma_start3A_293 = arith.constant 0 : i32
      %dma_start3A_294 = tpu.memref_slice %arg7[%dma_start3A_288, %dma_start3A_293] : memref<7x128xi32, #tpu.memory_space<vmem>> -> memref<1x128xi32, #tpu.memory_space<vmem>>
      %dma_start3A_295 = tpu.memref_squeeze %dma_start3A_294 : memref<1x128xi32, #tpu.memory_space<vmem>> -> memref<128xi32, #tpu.memory_space<vmem>>
      %dma_start3A_296 = arith.constant 0 : i32
      %dma_start3A_297 = arith.constant 0 : i32
      %dma_start3A_298 = tpu.memref_slice %arg10[%dma_start3A_296, %dma_start3A_297] : memref<53248x64xbf16, #tpu.memory_space<vmem_shared>> -> memref<53248x64xbf16, #tpu.memory_space<vmem_shared>>
      tpu.enqueue_indirect_dma source(%dma_start3A_292 : memref<128x64xbf16, #tpu.memory_space<vmem>>) target(%dma_start3A_298 : memref<53248x64xbf16, #tpu.memory_space<vmem_shared>>) offsets(%dma_start3A_295 : memref<128xi32, #tpu.memory_space<vmem>>) semaphore(%arg16 : memref<!tpu.dma_semaphore, #tpu.memory_space<semaphore_mem>>) {add = true}
      %dma_wait3A_299 = arith.constant 6 : i32
      %dma_wait3A_300 = arith.constant 2 : i32
      %dma_wait3A_301 = arith.constant 0 : i32
      %dma_wait3A_302 = arith.constant 0 : i32
      %dma_wait3A_303 = tpu.memref_slice %arg8[%dma_wait3A_300, %dma_wait3A_301, %dma_wait3A_302] : memref<4x128x64xbf16, #tpu.memory_space<vmem>> -> memref<1x128x64xbf16, #tpu.memory_space<vmem>>
      %dma_wait3A_304 = tpu.memref_squeeze %dma_wait3A_303 : memref<1x128x64xbf16, #tpu.memory_space<vmem>> -> memref<128x64xbf16, #tpu.memory_space<vmem>>
      %dma_wait3A_305 = arith.constant 0 : i32
      %dma_wait3A_306 = tpu.memref_slice %arg6[%dma_wait3A_299, %dma_wait3A_305] : memref<7x128xi32, #tpu.memory_space<vmem>> -> memref<1x128xi32, #tpu.memory_space<vmem>>
      %dma_wait3A_307 = tpu.memref_squeeze %dma_wait3A_306 : memref<1x128xi32, #tpu.memory_space<vmem>> -> memref<128xi32, #tpu.memory_space<vmem>>
      %dma_wait3A_308 = arith.constant 0 : i32
      %dma_wait3A_309 = arith.constant 0 : i32
      %dma_wait3A_310 = tpu.memref_slice %arg2[%dma_wait3A_308, %dma_wait3A_309] : memref<53248x64xbf16, #tpu.memory_space<hbm>> -> memref<53248x64xbf16, #tpu.memory_space<hbm>>
      tpu.wait_indirect_dma semaphore(%arg13 : memref<!tpu.dma_semaphore, #tpu.memory_space<semaphore_mem>>) src(%dma_wait3A_310 : memref<53248x64xbf16, #tpu.memory_space<hbm>>) dst(%dma_wait3A_304 : memref<128x64xbf16, #tpu.memory_space<vmem>>)
      %dma_start3A_311 = arith.constant 2 : i32
      %dma_start3A_312 = arith.constant 6 : i32
      %dma_start3A_313 = arith.constant 0 : i32
      %dma_start3A_314 = arith.constant 0 : i32
      %dma_start3A_315 = tpu.memref_slice %arg8[%dma_start3A_311, %dma_start3A_313, %dma_start3A_314] : memref<4x128x64xbf16, #tpu.memory_space<vmem>> -> memref<1x128x64xbf16, #tpu.memory_space<vmem>>
      %dma_start3A_316 = tpu.memref_squeeze %dma_start3A_315 : memref<1x128x64xbf16, #tpu.memory_space<vmem>> -> memref<128x64xbf16, #tpu.memory_space<vmem>>
      %dma_start3A_317 = arith.constant 0 : i32
      %dma_start3A_318 = tpu.memref_slice %arg7[%dma_start3A_312, %dma_start3A_317] : memref<7x128xi32, #tpu.memory_space<vmem>> -> memref<1x128xi32, #tpu.memory_space<vmem>>
      %dma_start3A_319 = tpu.memref_squeeze %dma_start3A_318 : memref<1x128xi32, #tpu.memory_space<vmem>> -> memref<128xi32, #tpu.memory_space<vmem>>
      %dma_start3A_320 = arith.constant 0 : i32
      %dma_start3A_321 = arith.constant 0 : i32
      %dma_start3A_322 = tpu.memref_slice %arg10[%dma_start3A_320, %dma_start3A_321] : memref<53248x64xbf16, #tpu.memory_space<vmem_shared>> -> memref<53248x64xbf16, #tpu.memory_space<vmem_shared>>
      tpu.enqueue_indirect_dma source(%dma_start3A_316 : memref<128x64xbf16, #tpu.memory_space<vmem>>) target(%dma_start3A_322 : memref<53248x64xbf16, #tpu.memory_space<vmem_shared>>) offsets(%dma_start3A_319 : memref<128xi32, #tpu.memory_space<vmem>>) semaphore(%arg17 : memref<!tpu.dma_semaphore, #tpu.memory_space<semaphore_mem>>) {add = true}
      %dma_wait3A_323 = arith.constant 3 : i32
      %dma_wait3A_324 = arith.constant 3 : i32
      %dma_wait3A_325 = arith.constant 0 : i32
      %dma_wait3A_326 = arith.constant 0 : i32
      %dma_wait3A_327 = tpu.memref_slice %arg8[%dma_wait3A_323, %dma_wait3A_325, %dma_wait3A_326] : memref<4x128x64xbf16, #tpu.memory_space<vmem>> -> memref<1x128x64xbf16, #tpu.memory_space<vmem>>
      %dma_wait3A_328 = tpu.memref_squeeze %dma_wait3A_327 : memref<1x128x64xbf16, #tpu.memory_space<vmem>> -> memref<128x64xbf16, #tpu.memory_space<vmem>>
      %dma_wait3A_329 = arith.constant 0 : i32
      %dma_wait3A_330 = tpu.memref_slice %arg7[%dma_wait3A_324, %dma_wait3A_329] : memref<7x128xi32, #tpu.memory_space<vmem>> -> memref<1x128xi32, #tpu.memory_space<vmem>>
      %dma_wait3A_331 = tpu.memref_squeeze %dma_wait3A_330 : memref<1x128xi32, #tpu.memory_space<vmem>> -> memref<128xi32, #tpu.memory_space<vmem>>
      %dma_wait3A_332 = arith.constant 0 : i32
      %dma_wait3A_333 = arith.constant 0 : i32
      %dma_wait3A_334 = tpu.memref_slice %arg10[%dma_wait3A_332, %dma_wait3A_333] : memref<53248x64xbf16, #tpu.memory_space<vmem_shared>> -> memref<53248x64xbf16, #tpu.memory_space<vmem_shared>>
      tpu.wait_indirect_dma semaphore(%arg18 : memref<!tpu.dma_semaphore, #tpu.memory_space<semaphore_mem>>) src(%dma_wait3A_328 : memref<128x64xbf16, #tpu.memory_space<vmem>>) dst(%dma_wait3A_334 : memref<53248x64xbf16, #tpu.memory_space<vmem_shared>>)
      %dma_wait3A_335 = arith.constant 0 : i32
      %dma_wait3A_336 = arith.constant 4 : i32
      %dma_wait3A_337 = arith.constant 0 : i32
      %dma_wait3A_338 = arith.constant 0 : i32
      %dma_wait3A_339 = tpu.memref_slice %arg8[%dma_wait3A_335, %dma_wait3A_337, %dma_wait3A_338] : memref<4x128x64xbf16, #tpu.memory_space<vmem>> -> memref<1x128x64xbf16, #tpu.memory_space<vmem>>
      %dma_wait3A_340 = tpu.memref_squeeze %dma_wait3A_339 : memref<1x128x64xbf16, #tpu.memory_space<vmem>> -> memref<128x64xbf16, #tpu.memory_space<vmem>>
      %dma_wait3A_341 = arith.constant 0 : i32
      %dma_wait3A_342 = tpu.memref_slice %arg7[%dma_wait3A_336, %dma_wait3A_341] : memref<7x128xi32, #tpu.memory_space<vmem>> -> memref<1x128xi32, #tpu.memory_space<vmem>>
      %dma_wait3A_343 = tpu.memref_squeeze %dma_wait3A_342 : memref<1x128xi32, #tpu.memory_space<vmem>> -> memref<128xi32, #tpu.memory_space<vmem>>
      %dma_wait3A_344 = arith.constant 0 : i32
      %dma_wait3A_345 = arith.constant 0 : i32
      %dma_wait3A_346 = tpu.memref_slice %arg10[%dma_wait3A_344, %dma_wait3A_345] : memref<53248x64xbf16, #tpu.memory_space<vmem_shared>> -> memref<53248x64xbf16, #tpu.memory_space<vmem_shared>>
      tpu.wait_indirect_dma semaphore(%arg15 : memref<!tpu.dma_semaphore, #tpu.memory_space<semaphore_mem>>) src(%dma_wait3A_340 : memref<128x64xbf16, #tpu.memory_space<vmem>>) dst(%dma_wait3A_346 : memref<53248x64xbf16, #tpu.memory_space<vmem_shared>>)
      %dma_wait3A_347 = arith.constant 1 : i32
      %dma_wait3A_348 = arith.constant 5 : i32
      %dma_wait3A_349 = arith.constant 0 : i32
      %dma_wait3A_350 = arith.constant 0 : i32
      %dma_wait3A_351 = tpu.memref_slice %arg8[%dma_wait3A_347, %dma_wait3A_349, %dma_wait3A_350] : memref<4x128x64xbf16, #tpu.memory_space<vmem>> -> memref<1x128x64xbf16, #tpu.memory_space<vmem>>
      %dma_wait3A_352 = tpu.memref_squeeze %dma_wait3A_351 : memref<1x128x64xbf16, #tpu.memory_space<vmem>> -> memref<128x64xbf16, #tpu.memory_space<vmem>>
      %dma_wait3A_353 = arith.constant 0 : i32
      %dma_wait3A_354 = tpu.memref_slice %arg7[%dma_wait3A_348, %dma_wait3A_353] : memref<7x128xi32, #tpu.memory_space<vmem>> -> memref<1x128xi32, #tpu.memory_space<vmem>>
      %dma_wait3A_355 = tpu.memref_squeeze %dma_wait3A_354 : memref<1x128xi32, #tpu.memory_space<vmem>> -> memref<128xi32, #tpu.memory_space<vmem>>
      %dma_wait3A_356 = arith.constant 0 : i32
      %dma_wait3A_357 = arith.constant 0 : i32
      %dma_wait3A_358 = tpu.memref_slice %arg10[%dma_wait3A_356, %dma_wait3A_357] : memref<53248x64xbf16, #tpu.memory_space<vmem_shared>> -> memref<53248x64xbf16, #tpu.memory_space<vmem_shared>>
      tpu.wait_indirect_dma semaphore(%arg16 : memref<!tpu.dma_semaphore, #tpu.memory_space<semaphore_mem>>) src(%dma_wait3A_352 : memref<128x64xbf16, #tpu.memory_space<vmem>>) dst(%dma_wait3A_358 : memref<53248x64xbf16, #tpu.memory_space<vmem_shared>>)
      %dma_wait3A_359 = arith.constant 2 : i32
      %dma_wait3A_360 = arith.constant 6 : i32
      %dma_wait3A_361 = arith.constant 0 : i32
      %dma_wait3A_362 = arith.constant 0 : i32
      %dma_wait3A_363 = tpu.memref_slice %arg8[%dma_wait3A_359, %dma_wait3A_361, %dma_wait3A_362] : memref<4x128x64xbf16, #tpu.memory_space<vmem>> -> memref<1x128x64xbf16, #tpu.memory_space<vmem>>
      %dma_wait3A_364 = tpu.memref_squeeze %dma_wait3A_363 : memref<1x128x64xbf16, #tpu.memory_space<vmem>> -> memref<128x64xbf16, #tpu.memory_space<vmem>>
      %dma_wait3A_365 = arith.constant 0 : i32
      %dma_wait3A_366 = tpu.memref_slice %arg7[%dma_wait3A_360, %dma_wait3A_365] : memref<7x128xi32, #tpu.memory_space<vmem>> -> memref<1x128xi32, #tpu.memory_space<vmem>>
      %dma_wait3A_367 = tpu.memref_squeeze %dma_wait3A_366 : memref<1x128xi32, #tpu.memory_space<vmem>> -> memref<128xi32, #tpu.memory_space<vmem>>
      %dma_wait3A_368 = arith.constant 0 : i32
      %dma_wait3A_369 = arith.constant 0 : i32
      %dma_wait3A_370 = tpu.memref_slice %arg10[%dma_wait3A_368, %dma_wait3A_369] : memref<53248x64xbf16, #tpu.memory_space<vmem_shared>> -> memref<53248x64xbf16, #tpu.memory_space<vmem_shared>>
      tpu.wait_indirect_dma semaphore(%arg17 : memref<!tpu.dma_semaphore, #tpu.memory_space<semaphore_mem>>) src(%dma_wait3A_364 : memref<128x64xbf16, #tpu.memory_space<vmem>>) dst(%dma_wait3A_370 : memref<53248x64xbf16, #tpu.memory_space<vmem_shared>>)
    }
    %scan3A_20 = arith.constant 28 : i32
    %barrier3A_21 = arith.constant 0 : index
    tpu.barrier barrier_id(%barrier3A_21)
    %mul3A_22 = arith.constant 3328 : i32
    %mul3A_23 = arith.muli %arg1, %mul3A_22 : i32
    %add3A_24 = arith.constant 0 : i32
    %add3A_25 = arith.addi %add3A_24, %arg0 : i32
    %mul3A_26 = arith.constant 3328 : i32
    %mul3A_27 = arith.muli %arg1, %mul3A_26 : i32
    "tpu.region"() ({
      %run_scoped3A = tpu.sem_alloc : memref<!tpu.dma_semaphore, #tpu.memory_space<semaphore_mem>>
      %dma_start3A = arith.constant 0 : i32
      %dma_start3A_28 = arith.constant 0 : i32
      %dma_start3A_29 = tpu.memref_slice %arg5[%add3A_25, %dma_start3A, %dma_start3A_28] : memref<2x53248x64xbf16, #tpu.memory_space<hbm>> -> memref<1x53248x64xbf16, #tpu.memory_space<hbm>>
      %dma_start3A_30 = tpu.memref_squeeze %dma_start3A_29 : memref<1x53248x64xbf16, #tpu.memory_space<hbm>> -> memref<53248x64xbf16, #tpu.memory_space<hbm>>
      %dma_start3A_31 = arith.constant 0 : i32
      %dma_start3A_32 = tpu.memref_slice %dma_start3A_30[%mul3A_27, %dma_start3A_31] : memref<53248x64xbf16, #tpu.memory_space<hbm>> -> memref<3328x64xbf16, #tpu.memory_space<hbm>>
      %dma_start3A_33 = arith.constant 0 : i32
      %dma_start3A_34 = tpu.memref_slice %arg10[%mul3A_23, %dma_start3A_33] : memref<53248x64xbf16, #tpu.memory_space<vmem_shared>> -> memref<3328x64xbf16, #tpu.memory_space<vmem_shared>>
      tpu.enqueue_dma source(%dma_start3A_34 : memref<3328x64xbf16, #tpu.memory_space<vmem_shared>>) target(%dma_start3A_32 : memref<3328x64xbf16, #tpu.memory_space<hbm>>) target_semaphore(%run_scoped3A : memref<!tpu.dma_semaphore, #tpu.memory_space<semaphore_mem>>)
      %dma_wait3A = arith.constant 0 : i32
      %dma_wait3A_35 = arith.constant 0 : i32
      %dma_wait3A_36 = tpu.memref_slice %arg5[%add3A_25, %dma_wait3A, %dma_wait3A_35] : memref<2x53248x64xbf16, #tpu.memory_space<hbm>> -> memref<1x53248x64xbf16, #tpu.memory_space<hbm>>
      %dma_wait3A_37 = tpu.memref_squeeze %dma_wait3A_36 : memref<1x53248x64xbf16, #tpu.memory_space<hbm>> -> memref<53248x64xbf16, #tpu.memory_space<hbm>>
      %dma_wait3A_38 = arith.constant 0 : i32
      %dma_wait3A_39 = tpu.memref_slice %dma_wait3A_37[%mul3A_27, %dma_wait3A_38] : memref<53248x64xbf16, #tpu.memory_space<hbm>> -> memref<3328x64xbf16, #tpu.memory_space<hbm>>
      %dma_wait3A_40 = arith.constant 0 : i32
      %dma_wait3A_41 = tpu.memref_slice %arg10[%mul3A_23, %dma_wait3A_40] : memref<53248x64xbf16, #tpu.memory_space<vmem_shared>> -> memref<3328x64xbf16, #tpu.memory_space<vmem_shared>>
      tpu.wait_dma2 semaphore(%run_scoped3A : memref<!tpu.dma_semaphore, #tpu.memory_space<semaphore_mem>>) src(%dma_wait3A_41 : memref<3328x64xbf16, #tpu.memory_space<vmem_shared>>) dst(%dma_wait3A_39 : memref<3328x64xbf16, #tpu.memory_space<hbm>>)
      tpu.yield
    }) : () -> ()
    return
  }
}

module attributes {stable_mosaic.version = 14 : i64} {
  func.func @_mm1_body(%arg0: i32, %arg1: memref<2x2048x32xbf16, #tpu.memory_space<vmem>>, %arg2: memref<2048x32xbf16, #tpu.memory_space<vmem>>, %arg3: memref<32x64xf32, #tpu.memory_space<vmem>>, %arg4: memref<32x64xf32, #tpu.memory_space<vmem>>, %arg5: memref<1x64xf32, #tpu.memory_space<vmem>>, %arg6: memref<2048x64xf32, #tpu.memory_space<vmem>>, %arg7: memref<2048x64xbf16, #tpu.memory_space<vmem>>) attributes {dimension_semantics = [#tpu.dimension_semantics<arbitrary>], iteration_bounds = array<i64: 26>, scalar_prefetch = 0 : i64, scratch_operands = 0 : i64, tpu.core_type = #tpu.core_type<tc>, window_params = [{transform_indices = @transform_0, window_bounds = array<i64: 2, 2048, 32>}, {transform_indices = @transform_1, window_bounds = array<i64: 2048, 32>}, {pipeline_mode = #tpu.pipeline_mode<synchronous>, transform_indices = @transform_2, window_bounds = array<i64: 32, 64>}, {pipeline_mode = #tpu.pipeline_mode<synchronous>, transform_indices = @transform_3, window_bounds = array<i64: 32, 64>}, {pipeline_mode = #tpu.pipeline_mode<synchronous>, transform_indices = @transform_4, window_bounds = array<i64: 1, 64>}, {transform_indices = @transform_5, window_bounds = array<i64: 2048, 64>}, {transform_indices = @transform_6, window_bounds = array<i64: 2048, 64>}]} {
    %get3A = arith.constant 1 : index
    %get3A_0 = arith.constant 0 : index
    %get3A_1 = arith.constant 0 : index
    %get3A_2 = vector.load %arg1[%get3A, %get3A_0, %get3A_1] : memref<2x2048x32xbf16, #tpu.memory_space<vmem>>, vector<1x2048x32xbf16>
    %get3A_3 = vector.shape_cast %get3A_2 : vector<1x2048x32xbf16> to vector<2048x32xbf16>
    %convert_element_type3A = arith.extf %get3A_3 : vector<2048x32xbf16> to vector<2048x32xf32>
    %add3A = arith.constant 0.000000e+00 : f32
    %add3A_4 = vector.broadcast %add3A : f32 to vector<2048x32xf32>
    %add3A_5 = arith.addf %add3A_4, %convert_element_type3A : vector<2048x32xf32>
    %get3A_6 = arith.constant 0 : index
    %get3A_7 = arith.constant 0 : index
    %get3A_8 = arith.constant 0 : index
    %get3A_9 = vector.load %arg1[%get3A_6, %get3A_7, %get3A_8] : memref<2x2048x32xbf16, #tpu.memory_space<vmem>>, vector<1x2048x32xbf16>
    %get3A_10 = vector.shape_cast %get3A_9 : vector<1x2048x32xbf16> to vector<2048x32xbf16>
    %convert_element_type3A_11 = arith.extf %get3A_10 : vector<2048x32xbf16> to vector<2048x32xf32>
    %add3A_12 = arith.addf %add3A_5, %convert_element_type3A_11 : vector<2048x32xf32>
    %get3A_13 = arith.constant 0 : index
    %get3A_14 = arith.constant 0 : index
    %get3A_15 = vector.load %arg2[%get3A_13, %get3A_14] : memref<2048x32xbf16, #tpu.memory_space<vmem>>, vector<2048x32xbf16>
    %convert_element_type3A_16 = arith.extf %get3A_15 : vector<2048x32xbf16> to vector<2048x32xf32>
    %get3A_17 = arith.constant 0 : index
    %get3A_18 = arith.constant 0 : index
    %get3A_19 = vector.load %arg3[%get3A_17, %get3A_18] : memref<32x64xf32, #tpu.memory_space<vmem>>, vector<32x64xf32>
    %dot_general3A = arith.constant dense<0.000000e+00> : vector<2048x64xf32>
    %dot_general3A_20 = tpu.matmul %add3A_12, %get3A_19, %dot_general3A {dimension_numbers = #tpu.dot_dimension_numbers<[1], [0], [0], [1], [0, 0, 1, 1], [], []>, transpose_lhs_hint = false} : vector<2048x32xf32>, vector<32x64xf32>, vector<2048x64xf32> -> vector<2048x64xf32>
    %get3A_21 = arith.constant 0 : index
    %get3A_22 = arith.constant 0 : index
    %get3A_23 = vector.load %arg4[%get3A_21, %get3A_22] : memref<32x64xf32, #tpu.memory_space<vmem>>, vector<32x64xf32>
    %dot_general3A_24 = arith.constant dense<0.000000e+00> : vector<2048x64xf32>
    %dot_general3A_25 = tpu.matmul %convert_element_type3A_16, %get3A_23, %dot_general3A_24 {dimension_numbers = #tpu.dot_dimension_numbers<[1], [0], [0], [1], [0, 0, 1, 1], [], []>, transpose_lhs_hint = false} : vector<2048x32xf32>, vector<32x64xf32>, vector<2048x64xf32> -> vector<2048x64xf32>
    %add3A_26 = arith.addf %dot_general3A_20, %dot_general3A_25 : vector<2048x64xf32>
    %get3A_27 = arith.constant 0 : index
    %get3A_28 = arith.constant 0 : index
    %get3A_29 = vector.load %arg5[%get3A_27, %get3A_28] : memref<1x64xf32, #tpu.memory_space<vmem>>, vector<1x64xf32>
    %add3A_30 = vector.broadcast %get3A_29 : vector<1x64xf32> to vector<2048x64xf32>
    %add3A_31 = arith.addf %add3A_26, %add3A_30 : vector<2048x64xf32>
    %max3A = arith.constant 0.000000e+00 : f32
    %max3A_32 = vector.broadcast %max3A : f32 to vector<2048x64xf32>
    %max3A_33 = arith.maximumf %add3A_31, %max3A_32 : vector<2048x64xf32>
    %swap3A = arith.constant 0 : index
    %swap3A_34 = arith.constant 0 : index
    %swap3A_35 = vector.load %arg6[%swap3A, %swap3A_34] : memref<2048x64xf32, #tpu.memory_space<vmem>>, vector<2048x64xf32>
    tpu.vector_store %arg6[%swap3A, %swap3A_34], %max3A_33 {strides = array<i32>} : memref<2048x64xf32, #tpu.memory_space<vmem>>, vector<2048x64xf32>,
    %convert_element_type3A_36 = arith.truncf %max3A_33 : vector<2048x64xf32> to vector<2048x64xbf16>
    %swap3A_37 = arith.constant 0 : index
    %swap3A_38 = arith.constant 0 : index
    %swap3A_39 = vector.load %arg7[%swap3A_37, %swap3A_38] : memref<2048x64xbf16, #tpu.memory_space<vmem>>, vector<2048x64xbf16>
    tpu.vector_store %arg7[%swap3A_37, %swap3A_38], %convert_element_type3A_36 {strides = array<i32>} : memref<2048x64xbf16, #tpu.memory_space<vmem>>, vector<2048x64xbf16>,
    return
  }
  func.func @transform_0(%arg0: i32) -> (i32, i32, i32) {
    %c0_i32 = arith.constant 0 : i32
    %c0_i32_0 = arith.constant 0 : i32
    %c0_i32_1 = arith.constant 0 : i32
    return %c0_i32, %arg0, %c0_i32_0 : i32, i32, i32
  }
  func.func @transform_1(%arg0: i32) -> (i32, i32) {
    %c0_i32 = arith.constant 0 : i32
    %c0_i32_0 = arith.constant 0 : i32
    return %arg0, %c0_i32 : i32, i32
  }
  func.func @transform_2(%arg0: i32) -> (i32, i32) {
    %c0_i32 = arith.constant 0 : i32
    %c0_i32_0 = arith.constant 0 : i32
    %c0_i32_1 = arith.constant 0 : i32
    return %c0_i32, %c0_i32_0 : i32, i32
  }
  func.func @transform_3(%arg0: i32) -> (i32, i32) {
    %c0_i32 = arith.constant 0 : i32
    %c0_i32_0 = arith.constant 0 : i32
    %c0_i32_1 = arith.constant 0 : i32
    return %c0_i32, %c0_i32_0 : i32, i32
  }
  func.func @transform_4(%arg0: i32) -> (i32, i32) {
    %c0_i32 = arith.constant 0 : i32
    %c0_i32_0 = arith.constant 0 : i32
    %c0_i32_1 = arith.constant 0 : i32
    return %c0_i32, %c0_i32_0 : i32, i32
  }
  func.func @transform_5(%arg0: i32) -> (i32, i32) {
    %c0_i32 = arith.constant 0 : i32
    %c0_i32_0 = arith.constant 0 : i32
    return %arg0, %c0_i32 : i32, i32
  }
  func.func @transform_6(%arg0: i32) -> (i32, i32) {
    %c0_i32 = arith.constant 0 : i32
    %c0_i32_0 = arith.constant 0 : i32
    return %arg0, %c0_i32 : i32, i32
  }
}

module attributes {stable_mosaic.version = 14 : i64} {
  func.func @_mm2_pool_body(%arg0: i32, %arg1: memref<2x2048x64xbf16, #tpu.memory_space<vmem>>, %arg2: memref<2048x64xf32, #tpu.memory_space<vmem>>, %arg3: memref<2048x1xi32, #tpu.memory_space<vmem>>, %arg4: memref<64x64xf32, #tpu.memory_space<vmem>>, %arg5: memref<64x64xf32, #tpu.memory_space<vmem>>, %arg6: memref<1x64xf32, #tpu.memory_space<vmem>>, %arg7: memref<64x2xf32, #tpu.memory_space<vmem>>, %arg8: memref<1x2xf32, #tpu.memory_space<vmem>>, %arg9: memref<128x2xf32, #tpu.memory_space<vmem>>, %arg10: memref<128x65xf32, #tpu.memory_space<vmem>>) attributes {dimension_semantics = [#tpu.dimension_semantics<arbitrary>], iteration_bounds = array<i64: 26>, scalar_prefetch = 0 : i64, scratch_operands = 1 : i64, tpu.core_type = #tpu.core_type<tc>, window_params = [{transform_indices = @transform_0, window_bounds = array<i64: 2, 2048, 64>}, {transform_indices = @transform_1, window_bounds = array<i64: 2048, 64>}, {transform_indices = @transform_2, window_bounds = array<i64: 2048, 1>}, {pipeline_mode = #tpu.pipeline_mode<synchronous>, transform_indices = @transform_3, window_bounds = array<i64: 64, 64>}, {pipeline_mode = #tpu.pipeline_mode<synchronous>, transform_indices = @transform_4, window_bounds = array<i64: 64, 64>}, {pipeline_mode = #tpu.pipeline_mode<synchronous>, transform_indices = @transform_5, window_bounds = array<i64: 1, 64>}, {pipeline_mode = #tpu.pipeline_mode<synchronous>, transform_indices = @transform_6, window_bounds = array<i64: 64, 2>}, {pipeline_mode = #tpu.pipeline_mode<synchronous>, transform_indices = @transform_7, window_bounds = array<i64: 1, 2>}, {pipeline_mode = #tpu.pipeline_mode<synchronous>, transform_indices = @transform_8, window_bounds = array<i64: 128, 2>}]} {
    %eq3A = arith.constant 0 : i32
    %eq3A_0 = arith.cmpi eq, %arg0, %eq3A : i32
    %convert_element_type3A = arith.extui %eq3A_0 : i1 to i32
    %cond3A = arith.constant 0 : i32
    %cond3A_1 = arith.cmpi ne, %convert_element_type3A, %cond3A : i32
    scf.if %cond3A_1 {
      %broadcast_in_dim3A_57 = arith.constant 0.000000e+00 : f32
      %broadcast_in_dim3A_58 = vector.broadcast %broadcast_in_dim3A_57 : f32 to vector<128x65xf32>
      %swap3A_59 = arith.constant 0 : index
      %swap3A_60 = arith.constant 0 : index
      %swap3A_61 = vector.load %arg10[%swap3A_59, %swap3A_60] : memref<128x65xf32, #tpu.memory_space<vmem>>, vector<128x65xf32>
      tpu.vector_store %arg10[%swap3A_59, %swap3A_60], %broadcast_in_dim3A_58 {strides = array<i32>} : memref<128x65xf32, #tpu.memory_space<vmem>>, vector<128x65xf32>,
    } else {
    }
    %get3A = arith.constant 1 : index
    %get3A_2 = arith.constant 0 : index
    %get3A_3 = arith.constant 0 : index
    %get3A_4 = vector.load %arg1[%get3A, %get3A_2, %get3A_3] : memref<2x2048x64xbf16, #tpu.memory_space<vmem>>, vector<1x2048x64xbf16>
    %get3A_5 = vector.shape_cast %get3A_4 : vector<1x2048x64xbf16> to vector<2048x64xbf16>
    %convert_element_type3A_6 = arith.extf %get3A_5 : vector<2048x64xbf16> to vector<2048x64xf32>
    %add3A = arith.constant 0.000000e+00 : f32
    %add3A_7 = vector.broadcast %add3A : f32 to vector<2048x64xf32>
    %add3A_8 = arith.addf %add3A_7, %convert_element_type3A_6 : vector<2048x64xf32>
    %get3A_9 = arith.constant 0 : index
    %get3A_10 = arith.constant 0 : index
    %get3A_11 = arith.constant 0 : index
    %get3A_12 = vector.load %arg1[%get3A_9, %get3A_10, %get3A_11] : memref<2x2048x64xbf16, #tpu.memory_space<vmem>>, vector<1x2048x64xbf16>
    %get3A_13 = vector.shape_cast %get3A_12 : vector<1x2048x64xbf16> to vector<2048x64xbf16>
    %convert_element_type3A_14 = arith.extf %get3A_13 : vector<2048x64xbf16> to vector<2048x64xf32>
    %add3A_15 = arith.addf %add3A_8, %convert_element_type3A_14 : vector<2048x64xf32>
    %get3A_16 = arith.constant 0 : index
    %get3A_17 = arith.constant 0 : index
    %get3A_18 = vector.load %arg4[%get3A_16, %get3A_17] : memref<64x64xf32, #tpu.memory_space<vmem>>, vector<64x64xf32>
    %dot_general3A = arith.constant dense<0.000000e+00> : vector<2048x64xf32>
    %dot_general3A_19 = tpu.matmul %add3A_15, %get3A_18, %dot_general3A {dimension_numbers = #tpu.dot_dimension_numbers<[1], [0], [0], [1], [0, 0, 1, 1], [], []>, transpose_lhs_hint = false} : vector<2048x64xf32>, vector<64x64xf32>, vector<2048x64xf32> -> vector<2048x64xf32>
    %get3A_20 = arith.constant 0 : index
    %get3A_21 = arith.constant 0 : index
    %get3A_22 = vector.load %arg2[%get3A_20, %get3A_21] : memref<2048x64xf32, #tpu.memory_space<vmem>>, vector<2048x64xf32>
    %get3A_23 = arith.constant 0 : index
    %get3A_24 = arith.constant 0 : index
    %get3A_25 = vector.load %arg5[%get3A_23, %get3A_24] : memref<64x64xf32, #tpu.memory_space<vmem>>, vector<64x64xf32>
    %dot_general3A_26 = arith.constant dense<0.000000e+00> : vector<2048x64xf32>
    %dot_general3A_27 = tpu.matmul %get3A_22, %get3A_25, %dot_general3A_26 {dimension_numbers = #tpu.dot_dimension_numbers<[1], [0], [0], [1], [0, 0, 1, 1], [], []>, transpose_lhs_hint = false} : vector<2048x64xf32>, vector<64x64xf32>, vector<2048x64xf32> -> vector<2048x64xf32>
    %add3A_28 = arith.addf %dot_general3A_19, %dot_general3A_27 : vector<2048x64xf32>
    %get3A_29 = arith.constant 0 : index
    %get3A_30 = arith.constant 0 : index
    %get3A_31 = vector.load %arg6[%get3A_29, %get3A_30] : memref<1x64xf32, #tpu.memory_space<vmem>>, vector<1x64xf32>
    %add3A_32 = vector.broadcast %get3A_31 : vector<1x64xf32> to vector<2048x64xf32>
    %add3A_33 = arith.addf %add3A_28, %add3A_32 : vector<2048x64xf32>
    %max3A = arith.constant 0.000000e+00 : f32
    %max3A_34 = vector.broadcast %max3A : f32 to vector<2048x64xf32>
    %max3A_35 = arith.maximumf %add3A_33, %max3A_34 : vector<2048x64xf32>
    %get3A_36 = arith.constant 0 : index
    %get3A_37 = arith.constant 0 : index
    %get3A_38 = vector.load %arg3[%get3A_36, %get3A_37] : memref<2048x1xi32, #tpu.memory_space<vmem>>, vector<2048x1xi32>
    %iota3A = tpu.iota {dimensions = array<i32: 1>} : vector<2048x128xi32>
    %eq3A_39 = vector.broadcast %get3A_38 : vector<2048x1xi32> to vector<2048x128xi32>
    %eq3A_40 = arith.cmpi eq, %eq3A_39, %iota3A : vector<2048x128xi32>
    %convert_element_type3A_41 = arith.extui %eq3A_40 : vector<2048x128xi1> to vector<2048x128xi32>
    %convert_element_type3A_42 = arith.sitofp %convert_element_type3A_41 : vector<2048x128xi32> to vector<2048x128xf32>
    %broadcast_in_dim3A = arith.constant 1.000000e+00 : f32
    %broadcast_in_dim3A_43 = vector.broadcast %broadcast_in_dim3A : f32 to vector<2048x1xf32>
    %concatenate3A = tpu.concatenate %max3A_35, %broadcast_in_dim3A_43 in 1 : vector<2048x64xf32>, vector<2048x1xf32> -> vector<2048x65xf32>
    %get3A_44 = arith.constant 0 : index
    %get3A_45 = arith.constant 0 : index
    %get3A_46 = vector.load %arg10[%get3A_44, %get3A_45] : memref<128x65xf32, #tpu.memory_space<vmem>>, vector<128x65xf32>
    %dot_general3A_47 = arith.constant dense<0.000000e+00> : vector<128x65xf32>
    %dot_general3A_48 = tpu.matmul %convert_element_type3A_42, %concatenate3A, %dot_general3A_47 {dimension_numbers = #tpu.dot_dimension_numbers<[0], [0], [1], [1], [0, 1, 1, 1], [], []>, transpose_lhs_hint = false} : vector<2048x128xf32>, vector<2048x65xf32>, vector<128x65xf32> -> vector<128x65xf32>
    %add3A_49 = arith.addf %get3A_46, %dot_general3A_48 : vector<128x65xf32>
    %swap3A = arith.constant 0 : index
    %swap3A_50 = arith.constant 0 : index
    %swap3A_51 = vector.load %arg10[%swap3A, %swap3A_50] : memref<128x65xf32, #tpu.memory_space<vmem>>, vector<128x65xf32>
    tpu.vector_store %arg10[%swap3A, %swap3A_50], %add3A_49 {strides = array<i32>} : memref<128x65xf32, #tpu.memory_space<vmem>>, vector<128x65xf32>,
    %eq3A_52 = arith.constant 25 : i32
    %eq3A_53 = arith.cmpi eq, %arg0, %eq3A_52 : i32
    %convert_element_type3A_54 = arith.extui %eq3A_53 : i1 to i32
    %cond3A_55 = arith.constant 0 : i32
    %cond3A_56 = arith.cmpi ne, %convert_element_type3A_54, %cond3A_55 : i32
    scf.if %cond3A_56 {
      %get3A_57 = arith.constant 0 : index
      %get3A_58 = arith.constant 0 : index
      %get3A_59 = vector.load %arg10[%get3A_57, %get3A_58] : memref<128x65xf32, #tpu.memory_space<vmem>>, vector<128x65xf32>
      %slice3A = vector.extract_strided_slice %get3A_59 {offsets = [0, 0], sizes = [128, 64], strides = [1, 1]} : vector<128x65xf32> to vector<128x64xf32>
      %slice3A_60 = vector.extract_strided_slice %get3A_59 {offsets = [0, 64], sizes = [128, 1], strides = [1, 1]} : vector<128x65xf32> to vector<128x1xf32>
      %max3A_61 = arith.constant 1.000000e+00 : f32
      %max3A_62 = vector.broadcast %max3A_61 : f32 to vector<128x1xf32>
      %max3A_63 = arith.maximumf %slice3A_60, %max3A_62 : vector<128x1xf32>
      %div3A = vector.broadcast %max3A_63 : vector<128x1xf32> to vector<128x64xf32>
      %div3A_64 = arith.divf %slice3A, %div3A : vector<128x64xf32>
      %get3A_65 = arith.constant 0 : index
      %get3A_66 = arith.constant 0 : index
      %get3A_67 = vector.load %arg7[%get3A_65, %get3A_66] : memref<64x2xf32, #tpu.memory_space<vmem>>, vector<64x2xf32>
      %dot_general3A_68 = arith.constant dense<0.000000e+00> : vector<128x2xf32>
      %dot_general3A_69 = tpu.matmul %div3A_64, %get3A_67, %dot_general3A_68 {dimension_numbers = #tpu.dot_dimension_numbers<[1], [0], [0], [1], [0, 0, 1, 1], [], []>, transpose_lhs_hint = false} : vector<128x64xf32>, vector<64x2xf32>, vector<128x2xf32> -> vector<128x2xf32>
      %get3A_70 = arith.constant 0 : index
      %get3A_71 = arith.constant 0 : index
      %get3A_72 = vector.load %arg8[%get3A_70, %get3A_71] : memref<1x2xf32, #tpu.memory_space<vmem>>, vector<1x2xf32>
      %add3A_73 = vector.broadcast %get3A_72 : vector<1x2xf32> to vector<128x2xf32>
      %add3A_74 = arith.addf %dot_general3A_69, %add3A_73 : vector<128x2xf32>
      %swap3A_75 = arith.constant 0 : index
      %swap3A_76 = arith.constant 0 : index
      %swap3A_77 = vector.load %arg9[%swap3A_75, %swap3A_76] : memref<128x2xf32, #tpu.memory_space<vmem>>, vector<128x2xf32>
      tpu.vector_store %arg9[%swap3A_75, %swap3A_76], %add3A_74 {strides = array<i32>} : memref<128x2xf32, #tpu.memory_space<vmem>>, vector<128x2xf32>,
    } else {
    }
    return
  }
  func.func @transform_0(%arg0: i32) -> (i32, i32, i32) {
    %c0_i32 = arith.constant 0 : i32
    %c0_i32_0 = arith.constant 0 : i32
    %c0_i32_1 = arith.constant 0 : i32
    return %c0_i32, %arg0, %c0_i32_0 : i32, i32, i32
  }
  func.func @transform_1(%arg0: i32) -> (i32, i32) {
    %c0_i32 = arith.constant 0 : i32
    %c0_i32_0 = arith.constant 0 : i32
    return %arg0, %c0_i32 : i32, i32
  }
  func.func @transform_2(%arg0: i32) -> (i32, i32) {
    %c0_i32 = arith.constant 0 : i32
    %c0_i32_0 = arith.constant 0 : i32
    return %arg0, %c0_i32 : i32, i32
  }
  func.func @transform_3(%arg0: i32) -> (i32, i32) {
    %c0_i32 = arith.constant 0 : i32
    %c0_i32_0 = arith.constant 0 : i32
    %c0_i32_1 = arith.constant 0 : i32
    return %c0_i32, %c0_i32_0 : i32, i32
  }
  func.func @transform_4(%arg0: i32) -> (i32, i32) {
    %c0_i32 = arith.constant 0 : i32
    %c0_i32_0 = arith.constant 0 : i32
    %c0_i32_1 = arith.constant 0 : i32
    return %c0_i32, %c0_i32_0 : i32, i32
  }
  func.func @transform_5(%arg0: i32) -> (i32, i32) {
    %c0_i32 = arith.constant 0 : i32
    %c0_i32_0 = arith.constant 0 : i32
    %c0_i32_1 = arith.constant 0 : i32
    return %c0_i32, %c0_i32_0 : i32, i32
  }
  func.func @transform_6(%arg0: i32) -> (i32, i32) {
    %c0_i32 = arith.constant 0 : i32
    %c0_i32_0 = arith.constant 0 : i32
    %c0_i32_1 = arith.constant 0 : i32
    return %c0_i32, %c0_i32_0 : i32, i32
  }
  func.func @transform_7(%arg0: i32) -> (i32, i32) {
    %c0_i32 = arith.constant 0 : i32
    %c0_i32_0 = arith.constant 0 : i32
    %c0_i32_1 = arith.constant 0 : i32
    return %c0_i32, %c0_i32_0 : i32, i32
  }
  func.func @transform_8(%arg0: i32) -> (i32, i32) {
    %c0_i32 = arith.constant 0 : i32
    %c0_i32_0 = arith.constant 0 : i32
    %c0_i32_1 = arith.constant 0 : i32
    return %c0_i32, %c0_i32_0 : i32, i32
  }
}

</mosaic_0001>

<sc_bundles>
// kernel: kernel.10.cloned.1.call-start
scs
__scs_entry_jumppad:
0x0: {  	(pc) =	sbr.rel $0x88, $3  }
0x1: {  	(tag) =	ssettag $0x0;
	lr =	simm.s32 $0x1  }
0x2: {  	[smem:$0x3F95] =	sst lr;
	_ =	strace $0xD0000000  }
0x3: {  	_ = 	snop  }
0x4: {  	_ = 	snop  }
0x5: {  	_ = 	snop  }
0x6: {  	_ = 	snop  }
0x7: {  	_ = 	snop  }
__scs_overlays_trampoline_lowered:
0x8: {  	[smem:$0x3FA4] =	sst s0  }
0x9: {  	[smem:$0x3FA5] =	sst s1  }
0xa: {  	[smem:$0x3FA6] =	sst s2  }
0xb: {  	[smem:$0x3FA7] =	sst s3  }
0xc: {  	[smem:$0x3FA8] =	sst s4  }
0xd: {  	[smem:$0x3FA9] =	sst s5  }
0xe: {  	[smem:$0x3FAA] =	sst s6  }
0xf: {  	[smem:$0x3FAB] =	sst s7  }
0x10: {  	[smem:$0x3FAC] =	sst s8  }
0x11: {  	[smem:$0x3FAD] =	sst s9;
	s0 =	simm.s32 @!p0 $0x0  }
0x12: {  	s1 =	sld [smem:$0x3F93];
	s0 =	simm.s32 @p0 $0x1  }
0x13: {  	[smem:$0x3FAE] =	sst s0;
	s0 =	simm.s32 @!p1 $0x0  }
0x14: {  	s2 =	sld [smem:$0x3F92];
	s0 =	simm.s32 @p1 $0x1  }
0x15: {  	[smem:$0x3FAF] =	sst s0;
	s0 =	simm.s32 @!p2 $0x0  }
0x16: {  	s3 =	sld [smem:$0x3FDB];
	s0 =	simm.s32 @p2 $0x1  }
0x17: {  	s4 =	simm.s32 $0x1BF5;
	[smem:$0x3FB1] =	sst s0  }
0x18: {  	s0 =	sld [smem:$0x3F94];
	_ =	swait.ge [sflag:s4], $0x0  }
0x19: {  	s7 =	sld [smem:$0x3F95]  }
0x1a: {  	s8 =	sadd.s32 $0xFFFFE003, lr  }
0x1b: {  	s9 =	sadd.s32 $0xFFFFFEF7, lr;
	s5 =	simm.s32 $0xFFFFFFFF;
	p2 =	slt.u32 s8, $0xFFFFF086  }
0x1c: {  	p1 =	slt.u32 s9, $0xF7A;
	s5 =	simm.s32 @!p2 $0x0  }
0x1d: {  	s5 =	simm.s32 @p1 $0x1;
	p0 =	seq.s32 s7, s2  }
0x1e: {  	s7 =	smul.u32 @!p0 $0xF7A, s2;
	p2 =	seq.s32 @!p0 s5, $0x0  }
0x1f: {  	s9 =	smul.u32 $0xF7A, s1;
	s8 =	simm.s32 @!p0 $0x1BF5;
	p2 =	por !p2, p0  }
0x20: {  	[sflag:s8] =	ssyncset.s32 @!p0 $0xFFFFF086;
	s6 =	sadd.s32 @!p0 s3, s7;
	s7 =	simm.s32 @!p0 $0x108  }
0x21: {  	s3 =	sadd.s32 s3, s9;
	s6 =	sadd.s32 @!p0 $0x88, s6;
	s7 =	simm.s32 @p2 $0x1082  }
0x22: {  	[simem:s7], [sflag:s8] =	dma.local @!p0 [hbm:s6], $0xF7A  }
0x23: {  	s9 =	sor.u32 $0xD0000000, s2;
	s6 =	simm.s32 $0x108;
	_ =	swait.ge @!p0 [sflag:s8], $0x0  }
0x24: {  	s3 =	sadd.s32 $0x88, s3;
	s6 =	simm.s32 @!p1 $0x1082;
	[sflag:s4] =	ssyncset.s32 $0xFFFFF086  }
0x25: {  	[simem:s6], [sflag:s4] =	dma.local [hbm:s3], $0xF7A  }
0x26: {  	[smem:$0x3F95] =	sst s1;
	(tag) =	ssettag s2;
	_ =	strace s9  }
0x27: {  	s1 =	sld [smem:$0x3FA5]  }
0x28: {  	s2 =	sld [smem:$0x3FA6]  }
0x29: {  	s4 =	sld [smem:$0x3FA8]  }
0x2a: {  	p0 =	seq.s32 s5, $0x0;
	s5 =	sld [smem:$0x3FA9]  }
0x2b: {  	s6 =	sld [smem:$0x3FAA]  }
0x2c: {  	s7 =	sld [smem:$0x3FAB]  }
0x2d: {  	s3 =	simm.s32 $0x108;
	s8 =	sld [smem:$0x3FAC]  }
0x2e: {  	s3 =	simm.s32 @!p0 $0x1082;
	s9 =	sld [smem:$0x3FAD]  }
0x2f: {  	lr =	sadd.s32 s0, s3;
	s0 =	sld [smem:$0x3FA4]  }
0x30: {  	s3 =	sld [smem:$0x3FA7]  }
0x31: {  	[smem:$0x3FB0] =	sst s10  }
0x32: {  	s10 =	sld [smem:$0x3FAE];
	_ =	sdelay $0x3  }
0x33: {  	p0 =	seq.s32 s10, $0x1;
	s10 =	sld [smem:$0x3FB0];
	_ =	sdelay $0x3  }
0x34: {  	[smem:$0x3FB0] =	sst s10  }
0x35: {  	s10 =	sld [smem:$0x3FAF];
	_ =	sdelay $0x3  }
0x36: {  	p1 =	seq.s32 s10, $0x1;
	s10 =	sld [smem:$0x3FB0];
	_ =	sdelay $0x3  }
0x37: {  	[smem:$0x3FB0] =	sst s10  }
0x38: {  	s10 =	sld [smem:$0x3FB1]  }
0x39: {  	_ = 	snop;
	(pc) =	sbr.ind lr, $3  }
0x3a: {  	_ = 	snop  }
0x3b: {  	_ = 	snop  }
0x3c: {  	p2 =	seq.s32 s10, $0x1;
	s10 =	sld [smem:$0x3FB0]  }
0x3d: {  	_ =	shalt  }
0x3e: {  	_ =	shalt  }
0x3f: {  	_ =	shalt  }
0x40: {  	_ =	shalt  }
0x41: {  	_ =	shalt  }
0x42: {  	_ =	shalt  }
0x43: {  	_ =	shalt  }
0x44: {  	_ =	shalt  }
0x45: {  	_ =	shalt  }
0x46: {  	_ =	shalt  }
0x47: {  	_ =	shalt  }
0x48: {  	_ =	shalt  }
0x49: {  	_ =	shalt  }
0x4a: {  	_ =	shalt  }
0x4b: {  	_ =	shalt  }
0x4c: {  	_ =	shalt  }
0x4d: {  	_ =	shalt  }
0x4e: {  	_ =	shalt  }
0x4f: {  	_ =	shalt  }
0x50: {  	_ =	shalt  }
0x51: {  	_ =	shalt  }
0x52: {  	_ =	shalt  }
0x53: {  	_ =	shalt  }
0x54: {  	_ =	shalt  }
0x55: {  	_ =	shalt  }
0x56: {  	_ =	shalt  }
0x57: {  	_ =	shalt  }
0x58: {  	_ =	shalt  }
0x59: {  	_ =	shalt  }
0x5a: {  	_ =	shalt  }
0x5b: {  	_ =	shalt  }
0x5c: {  	_ =	shalt  }
0x5d: {  	_ =	shalt  }
0x5e: {  	_ =	shalt  }
0x5f: {  	_ =	shalt  }
0x60: {  	_ =	shalt  }
0x61: {  	_ =	shalt  }
0x62: {  	_ =	shalt  }
0x63: {  	_ =	shalt  }
0x64: {  	_ =	shalt  }
0x65: {  	_ =	shalt  }
0x66: {  	_ =	shalt  }
0x67: {  	_ =	shalt  }
0x68: {  	_ =	shalt  }
0x69: {  	_ =	shalt  }
0x6a: {  	_ =	shalt  }
0x6b: {  	_ =	shalt  }
0x6c: {  	_ =	shalt  }
0x6d: {  	_ =	shalt  }
0x6e: {  	_ =	shalt  }
0x6f: {  	_ =	shalt  }
0x70: {  	_ =	shalt  }
0x71: {  	_ =	shalt  }
0x72: {  	_ =	shalt  }
0x73: {  	_ =	shalt  }
0x74: {  	_ =	shalt  }
0x75: {  	_ =	shalt  }
0x76: {  	_ =	shalt  }
0x77: {  	_ =	shalt  }
0x78: {  	_ =	shalt  }
0x79: {  	_ =	shalt  }
0x7a: {  	_ =	shalt  }
0x7b: {  	_ =	shalt  }
0x7c: {  	_ =	shalt  }
0x7d: {  	_ =	shalt  }
0x7e: {  	_ =	shalt  }
0x7f: {  	_ =	shalt  }
0x80: {  	_ =	shalt  }
0x81: {  	_ =	shalt  }
0x82: {  	_ =	shalt  }
0x83: {  	_ =	shalt  }
0x84: {  	_ =	shalt  }
0x85: {  	_ =	shalt  }
0x86: {  	_ =	shalt  }
0x87: {  	_ =	shalt  }
.Lfunc_end0:
.L_simem_size_0:
called_computation.1_lowered:
.L_overlay_start_0:
0x88: {  	s2 =	sld [smem:$0x3FD9]  }
0x89: {  	s3 =	sld [smem:$0x3FFE];
	_ =	sdelay $0x1  }
0x8a: {  	s1 =	srdreg.scid  }
0x8b: {  	s0 =	sand.u32 $0x1, s1  }
0x8c: {  	s16 =	sshll.u32 s0, $0xA;
	s2 =	sadd.s32 s3, s2  }
0x8d: {  	s2 =	sadd.s32 s2, s16  }
0x8e: {  	[smem:$0x3FBC] =	sst s2  }
0x8f: {  	_ = 	snop  }
0x90: {  	(tm) =	ssettm $0x1  }
0x91: {  	s17 =	sld [smem:$0x3FFB];
	_ =	sdelay $0x3  }
0x92: {  	_ =	strace s17  }
0x93: {  	s2 =	sld [smem:$0x3FFC];
	_ =	sdelay $0x3  }
0x94: {  	_ =	strace s2  }
0x95: {  	s2 =	sld [smem:$0x3FFD];
	_ =	sdelay $0x3  }
0x96: {  	_ =	strace s2  }
0x97: {  	_ =	strace $0x8FFFFFFF  }
0x98: {  	s18 =	sld [smem:$0x3FDB];
	_ =	sdelay $0x1  }
0x99: {  	s19 =	simm.s32 $_scs_section_size  }
0x9a: {  	s4 =	simm.s32 $_size__tile_overlayer_lowered;
	s5 =	simm.s32 $_tile_overlayer_lowered  }
0x9b: {  	s22 =	simm.s32 $0x1BFF;
	s21 =	sshll.u32 s5, $0x1;
	s2 =	sadd.s32 s19, s18  }
0x9c: {  	s6 =	simm.s32 $0x0;
	s20 =	sshll.u32 s4, $0x1;
	s4 =	sadd.s32 s21, s2  }
0x9d: {  	[timem:s6], [sflag:s22] =	dma.local [hbm:s4], s20  }
0x9e: {  	_ =	swait.ge [sflag:s22], s20  }
0x9f: {  	s3 =	ssub.s32 $0x0, s20;
	[sflag:s22] =	ssyncset.done $0x0  }
0xa0: {  	[sflag:s22] =	ssyncadd.s32 s3;
	_ =	sdelay $0x1  }
0xa1: {  	s23 =	simm.s32 $0x1B8B  }
0xa2: {  	_ =	swait.ge [sflag:s23], $0x1  }
0xa3: {  	[sflag:s23] =	ssyncset.done $0x0  }
0xa4: {  	s25 =	simm.s32 $0x1B8E;
	s24 =	sld [smem:$0x3FFE];
	[sflag:s23] =	ssyncadd.s32 $0xFFFFFFFF  }
0xa5: {  	s26 =	simm.s32 $execute0_lowered;
	[smem:$0x3FD2] =	sst s25  }
0xa6: {  	s4 =	sshll.u32 s26, $0x1;
	_ =	strace $0x80000049;
	[dreg:$0x1] =	wrdreg $0xFFFFFFFF  }
0xa7: {  	s28 =	simm.s32 $_size_execute0_lowered;
	s2 =	sadd.s32 s2, s4;
	[dreg:$0x0] =	wrdreg $0x0  }
0xa8: {  	s4 =	sshll.u32 s28, $0x1;
	[dreg:$0x2] =	wrdreg s2  }
0xa9: {  	[dreg:$0x3] =	wrdreg s4  }
0xaa: {  	[dreg:$0x4] =	wrdreg $0xC0  }
0xab: {  	_ =	task [dreg:s6], $0x5FFFF  }
0xac: {  	[dreg:$0x1] =	wrdreg $0xFFFFFFFF  }
0xad: {  	[dreg:$0x0] =	wrdreg $0x60  }
0xae: {  	[dreg:$0x2] =	wrdreg s24  }
0xaf: {  	[dreg:$0x3] =	wrdreg $0x2B000  }
0xb0: {  	[dreg:$0x4] =	wrdreg $0x9  }
0xb1: {  	_ =	task.clear_ibuf [dreg:s6], $0x5FFFF;
	_ =	strace $0x90000049  }
0xb2: {  	s29 =	simm.s32 $0x9;
	_ =	strace $0x8000004B  }
0xb3: {  	_ =	swait.ge [sflag:s29], $0x1  }
0xb4: {  	[sflag:s29] =	ssyncadd.s32 $0xFFFFFFFF  }
0xb5: {  	_ =	strace $0x9000004B  }
0xb6: {  	_ =	sfence  }
0xb7: {  	s30 =	sld [smem:$0x0];
	_ =	sdelay $0x2  }
0xb8: {  	s31 =	sshll.u32 s1, $0xD;
	s1 =	sshrl.u32 s1, $0x2  }
0xb9: {  	s3 =	sand.u32 $0x4000, s31;
	s1 =	sadd.s32 s1, s30  }
0xba: {  	s0 =	sor.u32 s3, s0;
	s1 =	sshll.u32 s1, $0x11  }
0xbb: {  	s0 =	sor.u32 s1, s0  }
0xbc: {  	s0 =	sadd.s32 $0x8F2B, s0  }
0xbd: {  	[sflag:s0] =	ssyncadd.remote.s32 $0x1  }
0xbe: {  	_ =	sfence.sel $0xFFFF  }
0xbf: {  	[dreg:$0x0] =	wrdreg $0xFFFFFFFF;
	(pc) =	sbr.abs _section_cstart, $3  }
0xc0: {  	[dreg:$0x1] =	wrdreg $0xFFFFFFFF  }
0xc1: {  	_ =	task.clear_ibuf [dreg:s6], $0x2FFFF;
	_ =	strace $0x9FFFFFFF  }
0xc2: {  	(tm) =	ssettm $0x7FFFFFFF  }
0xc3: {  	_ =	shalt  }
tec
execute0_lowered:
.L_overlay_start_1:
0x0: {  	(tag) =	ssettag $0x1  }
0x1: {  	s0 =	rddreg [dreg:$0x0]  }
0x2: {  	s1 =	srdreg.scid;
	s8 =	stileid.u32  }
0x3: {  	s2 =	rddreg [dreg:$0x1];
	s3 =	simm.s32 $0x0;
	s9 =	simm.s32 $0x380  }
0x4: {  	s10 =	simm.s32 $0x80;
	s24 =	simm.s32 $0x100;
	s11 =	simm.s32 $0x700  }
0x5: {  	s12 =	simm.s32 $0xF00;
	s13 =	simm.s32 $0x1700;
	s14 =	simm.s32 $0x1  }
0x6: {  	s25 =	simm.s32 $0x180;
	s15 =	simm.s32 $0x1F00;
	s16 =	simm.s32 $0x2  }
0x7: {  	s17 =	simm.s32 $0x400;
	s18 =	simm.s32 $0x5;
	s28 =	simm.s32 $0x500  }
0x8: {  	s29 =	simm.s32 $0x7;
	s30 =	simm.s32 $0x300;
	s31 =	simm.s32 $0x580  }
0x9: {  	s1 =	sand.u32 $0x1, s1;
	s4 =	sshll.u32 s8, $0x1;
	s7 =	smul.u32 $0x34000, s8  }
0xa: {  	[smem:$0x7FF] =	sst s3;
	s8 =	smul.u32 $0x1A000, s8;
	s4 =	sor.u32 s1, s4  }
0xb: {  	_ =	strace $0x8000004A;
	s6 =	smul.u32 $0x1A000, s1;
	[dreg:$0x5] =	wrdreg s24  }
0xc: {  	s1 =	ssub.s32 $0x2, s1;
	[dreg:$0x6] =	wrdreg s25;
	s24 =	simm.s32 $0x280  }
0xd: {  	s5 =	smul.u32 $0xC40, s4;
	s4 =	sadd.s32 $0x34C00, s0;
	s19 =	sshrl.u32 s1, $0x1  }
0xe: {  	s7 =	sshrl.u32 s7, $0x2;
	s22 =	sshrl.u32 s8, $0x1;
	s23 =	sshrl.u32 s8, $0x4  }
0xf: {  	s8 =	simm.s32 $0x9;
	s1 =	ssub.s32 s1, s19;
	s19 =	simm.s32 $0x200  }
0x10: {  	s5 =	sadd.s32 s5, s0;
	s0 =	sadd.s32 s6, s0;
	s6 =	sadd.s32 s22, s2  }
0x11: {  	s1 =	smax.u32 s1, $0x1;
	s22 =	simm.s32 $0x6;
	s20 =	sadd.s32 $0x4EC00, s5  }
0x12: {  	s21 =	sadd.s32 $0x67400, s5;
	s5 =	sadd.s32 s7, s2;
	s0 =	sadd.s32 $0x7FC00, s0  }
0x13: {  	[dreg:$0x7] =	wrdreg s1;
	s7 =	simm.s32 $0x2700;
	s26 =	sshrl.u32 s6, $0x3  }
0x14: {  	s1 =	simm.s32 $0x600;
	s6 =	simm.s32 $0x8;
	[dreg:$0x3] =	wrdreg s20  }
0x15: {  	[dreg:$0x4] =	wrdreg s21;
	s20 =	simm.s32 $0x3;
	s21 =	simm.s32 $0x480  }
0x16: {  	s0 =	sadd.s32 s23, s0;
	[dreg:$0x9] =	wrdreg s26;
	s26 =	simm.s32 $0x4  }
0x17: {  	v0 =	vimm.bf16 $0.0e+00;
	s23 =	simm.s32 $0x0;
	[dreg:$0x8] =	wrdreg s0;
	s0 =	simm.s32 $0x680  }
.LBB2_1:
0x18: {  	[dreg:$0xa] =	wrdreg s23;
	s25 =	simm.s32 $0x0  }
.LBB2_2:
0x19: {  	p0 =	sne.s32 s25, $0xFC0  }
.Ltmp0:
0x1a: {  	_ = 	snop;
	(pc) =	sbr.rel @p0 .LBB2_2-.Ltmp0, $3  }
0x1b: {  	_ =	sdelay $0x1  }
0x1c: {  	s23 =	sshra.s32 s25, $0x2  }
0x1d: {  	s25 =	sadd.s32 $0x40, s25;
	[tilespmem:s23+$0x2700] =	vst v0  }
0x1e: {  	s23 =	sadd.s32 $0x0, s5  }
0x1f: {  	[spmem:s23] =	stream.linear.scatter [tilespmem:s7], [sflag:$0x9], $0x400, $0x38;
	[tilespmem:$0xFB00] =	vst v63  }
0x20: {  	s25 =	simm.s32 $0x1000;
	_ =	swait.ge [sflag:s8], $0x400  }
.LBB2_4:
0x21: {  	s23 =	sshra.s32 s25, $0x2;
	[sflag:s8] =	ssyncset.done $0x0;
	p0 =	sne.s32 s25, $0x33000  }
.Ltmp1:
0x22: {  	s23 =	sadd.s32 s23, s5;
	[sflag:s8] =	ssyncadd.s32 $0xFFFFFC00;
	(pc) =	sbr.rel @p0 .LBB2_4-.Ltmp1, $3  }
0x23: {  	[spmem:s23] =	stream.linear.scatter [tilespmem:s7], [sflag:$0x9], $0x400, $0x38;
	[tilespmem:$0xFB00] =	vst v63  }
0x24: {  	s25 =	sadd.s32 $0x1000, s25;
	_ =	sdelay $0x1  }
0x25: {  	_ =	swait.ge [sflag:s8], $0x400  }
0x26: {  	[sflag:s8] =	ssyncset.done $0x0  }
0x27: {  	[sflag:s8] =	ssyncadd.s32 $0xFFFFFC00  }
0x28: {  	[bflag:$0x0] =	sbarrier.arrive $0xFFFF  }
0x29: {  	s23 =	rddreg [dreg:$0x3]  }
0x2a: {  	s23 =	sadd.s32 $0x0, s23  }
0x2b: {  	[tilespmem:s3], [sflag:$0x9] =	stream.linear.gather [hbm4b:s23+s3], $0x380, $0x38;
	[tilespmem:$0xFB00] =	vst v63  }
0x2c: {  	_ =	swait.ge [sflag:s8], $0x380  }
0x2d: {  	s25 =	rddreg [dreg:$0x4];
	[sflag:s8] =	ssyncset.done $0x0  }
0x2e: {  	[sflag:s8] =	ssyncadd.s32 $0xFFFFFC80;
	s23 =	sadd.s32 $0x0, s25  }
0x2f: {  	[tilespmem:s9], [sflag:$0x9] =	stream.linear.gather [hbm4b:s23+s3], $0x380, $0x38;
	[tilespmem:$0xFB00] =	vst v63  }
0x30: {  	_ =	swait.ge [sflag:s8], $0x380  }
0x31: {  	[sflag:s8] =	ssyncset.done $0x0  }
0x32: {  	[sflag:s8] =	ssyncadd.s32 $0xFFFFFC80  }
0x33: {  	[tilespmem:s11], [sflag:$0x1] =	stream.indirect.gather [hbm4b:s4+s10], $0x10, s3, s10, $0xb8;
	[tilespmem:$0xFB00] =	vst v63  }
0x34: {  	_ = 	snop  }
0x35: {  	[tilespmem:s12], [sflag:$0x2] =	stream.indirect.gather [hbm4b:s4+s10], $0x10, s10, s10, $0xb8;
	[tilespmem:$0xFB00] =	vst v63  }
0x36: {  	s7 =	rddreg [dreg:$0x5]  }
0x37: {  	[tilespmem:s13], [sflag:$0x3] =	stream.indirect.gather [hbm4b:s4+s10], $0x10, s7, s10, $0xb8;
	[tilespmem:$0xFB00] =	vst v63  }
0x38: {  	_ =	swait.ge [sflag:s14], $0x800  }
0x39: {  	[sflag:s14] =	ssyncset.done $0x0  }
0x3a: {  	[sflag:s14] =	ssyncadd.s32 $0xFFFFF800  }
0x3b: {  	[spmem:s2] =	stream.indirect.scatter.add.bf16 [tilespmem:s11], [sflag:$0x5], $0x10, s9, s10, $0xb8;
	[tilespmem:$0xFB00] =	vst v63  }
0x3c: {  	s25 =	rddreg [dreg:$0x6]  }
0x3d: {  	[tilespmem:s15], [sflag:$0x4] =	stream.indirect.gather [hbm4b:s4+s10], $0x10, s25, s10, $0xb8;
	[tilespmem:$0xFB00] =	vst v63  }
0x3e: {  	_ =	swait.ge [sflag:s16], $0x800  }
0x3f: {  	[sflag:s16] =	ssyncset.done $0x0  }
0x40: {  	[sflag:s16] =	ssyncadd.s32 $0xFFFFF800  }
0x41: {  	[spmem:s2] =	stream.indirect.scatter.add.bf16 [tilespmem:s12], [sflag:$0x6], $0x10, s17, s10, $0xb8;
	[tilespmem:$0xFB00] =	vst v63  }
0x42: {  	_ =	swait.ge [sflag:s18], $0x800  }
0x43: {  	[sflag:s18] =	ssyncset.done $0x0  }
0x44: {  	[sflag:s18] =	ssyncadd.s32 $0xFFFFF800  }
0x45: {  	[tilespmem:s11], [sflag:$0x1] =	stream.indirect.gather [hbm4b:s4+s10], $0x10, s19, s10, $0xb8;
	[tilespmem:$0xFB00] =	vst v63  }
0x46: {  	_ =	swait.ge [sflag:s20], $0x800  }
0x47: {  	[sflag:s20] =	ssyncset.done $0x0  }
0x48: {  	[sflag:s20] =	ssyncadd.s32 $0xFFFFF800  }
0x49: {  	[spmem:s2] =	stream.indirect.scatter.add.bf16 [tilespmem:s13], [sflag:$0x7], $0x10, s21, s10, $0xb8;
	[tilespmem:$0xFB00] =	vst v63  }
0x4a: {  	_ =	swait.ge [sflag:s22], $0x800  }
0x4b: {  	[sflag:s22] =	ssyncset.done $0x0  }
0x4c: {  	[sflag:s22] =	ssyncadd.s32 $0xFFFFF800  }
0x4d: {  	[tilespmem:s12], [sflag:$0x2] =	stream.indirect.gather [hbm4b:s4+s10], $0x10, s24, s10, $0xb8;
	[tilespmem:$0xFB00] =	vst v63  }
0x4e: {  	_ =	swait.ge [sflag:s26], $0x800  }
0x4f: {  	[sflag:s26] =	ssyncset.done $0x0  }
0x50: {  	[sflag:s26] =	ssyncadd.s32 $0xFFFFF800  }
0x51: {  	[spmem:s2] =	stream.indirect.scatter.add.bf16 [tilespmem:s15], [sflag:$0x8], $0x10, s28, s10, $0xb8;
	[tilespmem:$0xFB00] =	vst v63  }
0x52: {  	_ =	swait.ge [sflag:s29], $0x800  }
0x53: {  	[sflag:s29] =	ssyncset.done $0x0  }
0x54: {  	[sflag:s29] =	ssyncadd.s32 $0xFFFFF800  }
0x55: {  	[tilespmem:s13], [sflag:$0x3] =	stream.indirect.gather [hbm4b:s4+s10], $0x10, s30, s10, $0xb8;
	[tilespmem:$0xFB00] =	vst v63  }
0x56: {  	_ =	swait.ge [sflag:s14], $0x800  }
0x57: {  	[sflag:s14] =	ssyncset.done $0x0  }
0x58: {  	[sflag:s14] =	ssyncadd.s32 $0xFFFFF800  }
0x59: {  	[spmem:s2] =	stream.indirect.scatter.add.bf16 [tilespmem:s11], [sflag:$0x5], $0x10, s31, s10, $0xb8;
	[tilespmem:$0xFB00] =	vst v63  }
0x5a: {  	_ =	swait.ge [sflag:s16], $0x800  }
0x5b: {  	[sflag:s16] =	ssyncset.done $0x0  }
0x5c: {  	[sflag:s16] =	ssyncadd.s32 $0xFFFFF800  }
0x5d: {  	[spmem:s2] =	stream.indirect.scatter.add.bf16 [tilespmem:s12], [sflag:$0x6], $0x10, s1, s10, $0xb8;
	[tilespmem:$0xFB00] =	vst v63  }
0x5e: {  	_ =	swait.ge [sflag:s20], $0x800  }
0x5f: {  	[sflag:s20] =	ssyncset.done $0x0  }
0x60: {  	[sflag:s20] =	ssyncadd.s32 $0xFFFFF800  }
0x61: {  	[spmem:s2] =	stream.indirect.scatter.add.bf16 [tilespmem:s13], [sflag:$0x7], $0x10, s0, s10, $0xb8;
	[tilespmem:$0xFB00] =	vst v63  }
0x62: {  	_ =	swait.ge [sflag:s6], $0x800  }
0x63: {  	[sflag:s6] =	ssyncset.done $0x0  }
0x64: {  	[sflag:s6] =	ssyncadd.s32 $0xFFFFF800  }
0x65: {  	_ =	swait.ge [sflag:s18], $0x800  }
0x66: {  	[sflag:s18] =	ssyncset.done $0x0  }
0x67: {  	[sflag:s18] =	ssyncadd.s32 $0xFFFFF800  }
0x68: {  	_ =	swait.ge [sflag:s22], $0x800  }
0x69: {  	[sflag:s22] =	ssyncset.done $0x0  }
0x6a: {  	[sflag:s22] =	ssyncadd.s32 $0xFFFFF800  }
0x6b: {  	s25 =	simm.s32 $0x70;
	_ =	swait.ge [sflag:s29], $0x800  }
.LBB2_6:
0x6c: {  	s23 =	rddreg [dreg:$0x3];
	s7 =	smov.u32 s25;
	[sflag:s29] =	ssyncset.done $0x0  }
0x6d: {  	s23 =	sadd.s32 s7, s23;
	[sflag:s29] =	ssyncadd.s32 $0xFFFFF800  }
0x6e: {  	[tilespmem:s3], [sflag:$0x9] =	stream.linear.gather [hbm4b:s23+s3], $0x380, $0x38;
	[tilespmem:$0xFB00] =	vst v63  }
0x6f: {  	_ =	swait.ge [sflag:s8], $0x380  }
0x70: {  	s23 =	rddreg [dreg:$0x4];
	[sflag:s8] =	ssyncset.done $0x0  }
0x71: {  	[sflag:s8] =	ssyncadd.s32 $0xFFFFFC80;
	s7 =	sadd.s32 s7, s23  }
0x72: {  	[tilespmem:s9], [sflag:$0x9] =	stream.linear.gather [hbm4b:s7+s3], $0x380, $0x38;
	[tilespmem:$0xFB00] =	vst v63  }
0x73: {  	_ =	swait.ge [sflag:s8], $0x380  }
0x74: {  	[sflag:s8] =	ssyncset.done $0x0  }
0x75: {  	[sflag:s8] =	ssyncadd.s32 $0xFFFFFC80  }
0x76: {  	[tilespmem:s11], [sflag:$0x1] =	stream.indirect.gather [hbm4b:s4+s10], $0x10, s3, s10, $0xb8;
	[tilespmem:$0xFB00] =	vst v63  }
0x77: {  	_ = 	snop  }
0x78: {  	[tilespmem:s12], [sflag:$0x2] =	stream.indirect.gather [hbm4b:s4+s10], $0x10, s10, s10, $0xb8;
	[tilespmem:$0xFB00] =	vst v63  }
0x79: {  	s23 =	rddreg [dreg:$0x5]  }
0x7a: {  	[tilespmem:s13], [sflag:$0x3] =	stream.indirect.gather [hbm4b:s4+s10], $0x10, s23, s10, $0xb8;
	[tilespmem:$0xFB00] =	vst v63  }
0x7b: {  	_ =	swait.ge [sflag:s14], $0x800  }
0x7c: {  	[sflag:s14] =	ssyncset.done $0x0  }
0x7d: {  	[sflag:s14] =	ssyncadd.s32 $0xFFFFF800  }
0x7e: {  	[spmem:s2] =	stream.indirect.scatter.add.bf16 [tilespmem:s11], [sflag:$0x5], $0x10, s9, s10, $0xb8;
	[tilespmem:$0xFB00] =	vst v63  }
0x7f: {  	s23 =	rddreg [dreg:$0x6]  }
0x80: {  	[tilespmem:s15], [sflag:$0x4] =	stream.indirect.gather [hbm4b:s4+s10], $0x10, s23, s10, $0xb8;
	[tilespmem:$0xFB00] =	vst v63  }
0x81: {  	_ =	swait.ge [sflag:s16], $0x800  }
0x82: {  	[sflag:s16] =	ssyncset.done $0x0  }
0x83: {  	[sflag:s16] =	ssyncadd.s32 $0xFFFFF800  }
0x84: {  	[spmem:s2] =	stream.indirect.scatter.add.bf16 [tilespmem:s12], [sflag:$0x6], $0x10, s17, s10, $0xb8;
	[tilespmem:$0xFB00] =	vst v63  }
0x85: {  	_ =	swait.ge [sflag:s18], $0x800  }
0x86: {  	[sflag:s18] =	ssyncset.done $0x0  }
0x87: {  	[sflag:s18] =	ssyncadd.s32 $0xFFFFF800  }
0x88: {  	[tilespmem:s11], [sflag:$0x1] =	stream.indirect.gather [hbm4b:s4+s10], $0x10, s19, s10, $0xb8;
	[tilespmem:$0xFB00] =	vst v63  }
0x89: {  	_ =	swait.ge [sflag:s20], $0x800  }
0x8a: {  	[sflag:s20] =	ssyncset.done $0x0  }
0x8b: {  	[sflag:s20] =	ssyncadd.s32 $0xFFFFF800  }
0x8c: {  	[spmem:s2] =	stream.indirect.scatter.add.bf16 [tilespmem:s13], [sflag:$0x7], $0x10, s21, s10, $0xb8;
	[tilespmem:$0xFB00] =	vst v63  }
0x8d: {  	_ =	swait.ge [sflag:s22], $0x800  }
0x8e: {  	[sflag:s22] =	ssyncset.done $0x0  }
0x8f: {  	[sflag:s22] =	ssyncadd.s32 $0xFFFFF800  }
0x90: {  	[tilespmem:s12], [sflag:$0x2] =	stream.indirect.gather [hbm4b:s4+s10], $0x10, s24, s10, $0xb8;
	[tilespmem:$0xFB00] =	vst v63  }
0x91: {  	_ =	swait.ge [sflag:s26], $0x800  }
0x92: {  	[sflag:s26] =	ssyncset.done $0x0  }
0x93: {  	[sflag:s26] =	ssyncadd.s32 $0xFFFFF800  }
0x94: {  	[spmem:s2] =	stream.indirect.scatter.add.bf16 [tilespmem:s15], [sflag:$0x8], $0x10, s28, s10, $0xb8;
	[tilespmem:$0xFB00] =	vst v63  }
0x95: {  	_ =	swait.ge [sflag:s29], $0x800  }
0x96: {  	[sflag:s29] =	ssyncset.done $0x0  }
0x97: {  	[sflag:s29] =	ssyncadd.s32 $0xFFFFF800  }
0x98: {  	[tilespmem:s13], [sflag:$0x3] =	stream.indirect.gather [hbm4b:s4+s10], $0x10, s30, s10, $0xb8;
	[tilespmem:$0xFB00] =	vst v63  }
0x99: {  	_ =	swait.ge [sflag:s14], $0x800  }
0x9a: {  	[sflag:s14] =	ssyncset.done $0x0  }
0x9b: {  	[sflag:s14] =	ssyncadd.s32 $0xFFFFF800  }
0x9c: {  	[spmem:s2] =	stream.indirect.scatter.add.bf16 [tilespmem:s11], [sflag:$0x5], $0x10, s31, s10, $0xb8;
	[tilespmem:$0xFB00] =	vst v63  }
0x9d: {  	_ =	swait.ge [sflag:s16], $0x800  }
0x9e: {  	[sflag:s16] =	ssyncset.done $0x0  }
0x9f: {  	[sflag:s16] =	ssyncadd.s32 $0xFFFFF800  }
0xa0: {  	[spmem:s2] =	stream.indirect.scatter.add.bf16 [tilespmem:s12], [sflag:$0x6], $0x10, s1, s10, $0xb8;
	[tilespmem:$0xFB00] =	vst v63  }
0xa1: {  	_ =	swait.ge [sflag:s20], $0x800  }
0xa2: {  	[sflag:s20] =	ssyncset.done $0x0  }
0xa3: {  	[sflag:s20] =	ssyncadd.s32 $0xFFFFF800  }
0xa4: {  	[spmem:s2] =	stream.indirect.scatter.add.bf16 [tilespmem:s13], [sflag:$0x7], $0x10, s0, s10, $0xb8;
	[tilespmem:$0xFB00] =	vst v63  }
0xa5: {  	_ =	swait.ge [sflag:s6], $0x800  }
0xa6: {  	[sflag:s6] =	ssyncset.done $0x0  }
0xa7: {  	[sflag:s6] =	ssyncadd.s32 $0xFFFFF800  }
0xa8: {  	_ =	swait.ge [sflag:s18], $0x800  }
0xa9: {  	p0 =	sne.s32 s25, $0xBD0;
	[sflag:s18] =	ssyncset.done $0x0  }
.Ltmp2:
0xaa: {  	[sflag:s18] =	ssyncadd.s32 $0xFFFFF800;
	(pc) =	sbr.rel @p0 .LBB2_6-.Ltmp2, $4  }
0xab: {  	_ =	swait.ge [sflag:s22], $0x800  }
0xac: {  	[sflag:s22] =	ssyncset.done $0x0  }
0xad: {  	[sflag:s22] =	ssyncadd.s32 $0xFFFFF800  }
0xae: {  	s25 =	sadd.s32 $0x70, s25;
	_ =	swait.ge [sflag:s29], $0x800  }
0xaf: {  	[sflag:s29] =	ssyncset.done $0x0  }
0xb0: {  	[sflag:s29] =	ssyncadd.s32 $0xFFFFF800  }
0xb1: {  	s7 =	stileid.u32;
	[bflag:$0x0] =	sbarrier.arrive $0xFFFF  }
0xb2: {  	s7 =	sshll.u32 s7, $0x6;
	s23 =	rddreg [dreg:$0x8]  }
0xb3: {  	s7 =	sor.u32 $0x1C09, s7;
	s25 =	rddreg [dreg:$0x9]  }
0xb4: {  	[hbm:s23], [sflag:s7] =	dma.local [spmem:s25], $0x1A00  }
0xb5: {  	_ =	swait.ge [sflag:s8], $0x1A00  }
0xb6: {  	s7 =	rddreg [dreg:$0xa]  }
0xb7: {  	s25 =	rddreg [dreg:$0x7];
	s23 =	sadd.s32 $0x1, s7  }
0xb8: {  	p0 =	sne.s32 s23, s25  }
.Ltmp3:
0xb9: {  	_ = 	snop;
	(pc) =	sbr.rel @p0 .LBB2_1-.Ltmp3, $3  }
0xba: {  	_ =	sdelay $0x1  }
0xbb: {  	[sflag:s8] =	ssyncset.done $0x0  }
0xbc: {  	[sflag:s8] =	ssyncadd.s32 $0xFFFFE600;
	s7 =	simm.s32 $0x2700  }
0xbd: {  	_ =	sfence.sel $0x180000  }
0xbe: {  	[bflag:$0x0] =	sbarrier.arrive $0xFFFF  }
0xbf: {  	_ =	strace $0x9000004A  }
0xc0: {  	s0 =	stileid.u32;
	[bflag:$0x2] =	sbarrier.arrive $0xFFFF  }
0xc1: {  	p0 =	sne.s32 s0, $0x0;
	s0 =	rddreg [dreg:$0x2]  }
0xc2: {  	s0 =	sadd.s32 @!p0 $0x100000, s0  }
0xc3: {  	[sflag:s0] =	ssyncadd.tile.s32 @!p0 $0x1;
	_ =	shalt  }
.Lfunc_end2:
_tile_overlayer_lowered:
.L_overlay_start_2:
0xc4: {  	(tag) =	ssettag $0x2  }
0xc5: {  	s0 =	rddreg [dreg:$0x0];
	s2 =	stileid.u32  }
0xc6: {  	s1 =	rddreg [dreg:$0x1];
	p0 =	sne.s32 s2, $0x0  }
0xc7: {  	s3 =	rddreg [dreg:$0x2];
	[bflag:$0x3] =	sbarrier.arrive $0xFFFF;
	s2 =	simm.s32 @!p0 $0x1C09  }
0xc8: {  	[timem:s3], [sflag:s2] =	dma.local @!p0 [hbm:s0], s1  }
0xc9: {  	s0 =	simm.s32 @!p0 $0x9  }
0xca: {  	_ =	swait.ge @!p0 [sflag:s0], s1  }
0xcb: {  	s1 =	ssub.s32 @!p0 $0x0, s1;
	[sflag:s0] =	ssyncset.done @!p0 $0x0  }
0xcc: {  	[sflag:s0] =	ssyncadd.s32 @!p0 s1  }
0xcd: {  	[bflag:$0x3] =	sbarrier.arrive $0xFFFF  }
0xce: {  	_ =	shalt  }

// kernel: kernel.13.cloned.1.call-start
scs
__scs_entry_jumppad:
0x0: {  	(pc) =	sbr.rel $0x88, $3  }
0x1: {  	(tag) =	ssettag $0x0;
	lr =	simm.s32 $0x1  }
0x2: {  	[smem:$0x3F95] =	sst lr;
	_ =	strace $0xD0000000  }
0x3: {  	_ = 	snop  }
0x4: {  	_ = 	snop  }
0x5: {  	_ = 	snop  }
0x6: {  	_ = 	snop  }
0x7: {  	_ = 	snop  }
__scs_overlays_trampoline_lowered:
0x8: {  	[smem:$0x3FA4] =	sst s0  }
0x9: {  	[smem:$0x3FA5] =	sst s1  }
0xa: {  	[smem:$0x3FA6] =	sst s2  }
0xb: {  	[smem:$0x3FA7] =	sst s3  }
0xc: {  	[smem:$0x3FA8] =	sst s4  }
0xd: {  	[smem:$0x3FA9] =	sst s5  }
0xe: {  	[smem:$0x3FAA] =	sst s6  }
0xf: {  	[smem:$0x3FAB] =	sst s7  }
0x10: {  	[smem:$0x3FAC] =	sst s8  }
0x11: {  	[smem:$0x3FAD] =	sst s9;
	s0 =	simm.s32 @!p0 $0x0  }
0x12: {  	s1 =	sld [smem:$0x3F93];
	s0 =	simm.s32 @p0 $0x1  }
0x13: {  	[smem:$0x3FAE] =	sst s0;
	s0 =	simm.s32 @!p1 $0x0  }
0x14: {  	s2 =	sld [smem:$0x3F92];
	s0 =	simm.s32 @p1 $0x1  }
0x15: {  	[smem:$0x3FAF] =	sst s0;
	s0 =	simm.s32 @!p2 $0x0  }
0x16: {  	s3 =	sld [smem:$0x3FDB];
	s0 =	simm.s32 @p2 $0x1  }
0x17: {  	s4 =	simm.s32 $0x1BF5;
	[smem:$0x3FB1] =	sst s0  }
0x18: {  	s0 =	sld [smem:$0x3F94];
	_ =	swait.ge [sflag:s4], $0x0  }
0x19: {  	s7 =	sld [smem:$0x3F95]  }
0x1a: {  	s8 =	sadd.s32 $0xFFFFE003, lr  }
0x1b: {  	s9 =	sadd.s32 $0xFFFFFEF7, lr;
	s5 =	simm.s32 $0xFFFFFFFF;
	p2 =	slt.u32 s8, $0xFFFFF086  }
0x1c: {  	p1 =	slt.u32 s9, $0xF7A;
	s5 =	simm.s32 @!p2 $0x0  }
0x1d: {  	s5 =	simm.s32 @p1 $0x1;
	p0 =	seq.s32 s7, s2  }
0x1e: {  	s7 =	smul.u32 @!p0 $0xF7A, s2;
	p2 =	seq.s32 @!p0 s5, $0x0  }
0x1f: {  	s9 =	smul.u32 $0xF7A, s1;
	s8 =	simm.s32 @!p0 $0x1BF5;
	p2 =	por !p2, p0  }
0x20: {  	[sflag:s8] =	ssyncset.s32 @!p0 $0xFFFFF086;
	s6 =	sadd.s32 @!p0 s3, s7;
	s7 =	simm.s32 @!p0 $0x108  }
0x21: {  	s3 =	sadd.s32 s3, s9;
	s6 =	sadd.s32 @!p0 $0x88, s6;
	s7 =	simm.s32 @p2 $0x1082  }
0x22: {  	[simem:s7], [sflag:s8] =	dma.local @!p0 [hbm:s6], $0xF7A  }
0x23: {  	s9 =	sor.u32 $0xD0000000, s2;
	s6 =	simm.s32 $0x108;
	_ =	swait.ge @!p0 [sflag:s8], $0x0  }
0x24: {  	s3 =	sadd.s32 $0x88, s3;
	s6 =	simm.s32 @!p1 $0x1082;
	[sflag:s4] =	ssyncset.s32 $0xFFFFF086  }
0x25: {  	[simem:s6], [sflag:s4] =	dma.local [hbm:s3], $0xF7A  }
0x26: {  	[smem:$0x3F95] =	sst s1;
	(tag) =	ssettag s2;
	_ =	strace s9  }
0x27: {  	s1 =	sld [smem:$0x3FA5]  }
0x28: {  	s2 =	sld [smem:$0x3FA6]  }
0x29: {  	s4 =	sld [smem:$0x3FA8]  }
0x2a: {  	p0 =	seq.s32 s5, $0x0;
	s5 =	sld [smem:$0x3FA9]  }
0x2b: {  	s6 =	sld [smem:$0x3FAA]  }
0x2c: {  	s7 =	sld [smem:$0x3FAB]  }
0x2d: {  	s3 =	simm.s32 $0x108;
	s8 =	sld [smem:$0x3FAC]  }
0x2e: {  	s3 =	simm.s32 @!p0 $0x1082;
	s9 =	sld [smem:$0x3FAD]  }
0x2f: {  	lr =	sadd.s32 s0, s3;
	s0 =	sld [smem:$0x3FA4]  }
0x30: {  	s3 =	sld [smem:$0x3FA7]  }
0x31: {  	[smem:$0x3FB0] =	sst s10  }
0x32: {  	s10 =	sld [smem:$0x3FAE];
	_ =	sdelay $0x3  }
0x33: {  	p0 =	seq.s32 s10, $0x1;
	s10 =	sld [smem:$0x3FB0];
	_ =	sdelay $0x3  }
0x34: {  	[smem:$0x3FB0] =	sst s10  }
0x35: {  	s10 =	sld [smem:$0x3FAF];
	_ =	sdelay $0x3  }
0x36: {  	p1 =	seq.s32 s10, $0x1;
	s10 =	sld [smem:$0x3FB0];
	_ =	sdelay $0x3  }
0x37: {  	[smem:$0x3FB0] =	sst s10  }
0x38: {  	s10 =	sld [smem:$0x3FB1]  }
0x39: {  	_ = 	snop;
	(pc) =	sbr.ind lr, $3  }
0x3a: {  	_ = 	snop  }
0x3b: {  	_ = 	snop  }
0x3c: {  	p2 =	seq.s32 s10, $0x1;
	s10 =	sld [smem:$0x3FB0]  }
0x3d: {  	_ =	shalt  }
0x3e: {  	_ =	shalt  }
0x3f: {  	_ =	shalt  }
0x40: {  	_ =	shalt  }
0x41: {  	_ =	shalt  }
0x42: {  	_ =	shalt  }
0x43: {  	_ =	shalt  }
0x44: {  	_ =	shalt  }
0x45: {  	_ =	shalt  }
0x46: {  	_ =	shalt  }
0x47: {  	_ =	shalt  }
0x48: {  	_ =	shalt  }
0x49: {  	_ =	shalt  }
0x4a: {  	_ =	shalt  }
0x4b: {  	_ =	shalt  }
0x4c: {  	_ =	shalt  }
0x4d: {  	_ =	shalt  }
0x4e: {  	_ =	shalt  }
0x4f: {  	_ =	shalt  }
0x50: {  	_ =	shalt  }
0x51: {  	_ =	shalt  }
0x52: {  	_ =	shalt  }
0x53: {  	_ =	shalt  }
0x54: {  	_ =	shalt  }
0x55: {  	_ =	shalt  }
0x56: {  	_ =	shalt  }
0x57: {  	_ =	shalt  }
0x58: {  	_ =	shalt  }
0x59: {  	_ =	shalt  }
0x5a: {  	_ =	shalt  }
0x5b: {  	_ =	shalt  }
0x5c: {  	_ =	shalt  }
0x5d: {  	_ =	shalt  }
0x5e: {  	_ =	shalt  }
0x5f: {  	_ =	shalt  }
0x60: {  	_ =	shalt  }
0x61: {  	_ =	shalt  }
0x62: {  	_ =	shalt  }
0x63: {  	_ =	shalt  }
0x64: {  	_ =	shalt  }
0x65: {  	_ =	shalt  }
0x66: {  	_ =	shalt  }
0x67: {  	_ =	shalt  }
0x68: {  	_ =	shalt  }
0x69: {  	_ =	shalt  }
0x6a: {  	_ =	shalt  }
0x6b: {  	_ =	shalt  }
0x6c: {  	_ =	shalt  }
0x6d: {  	_ =	shalt  }
0x6e: {  	_ =	shalt  }
0x6f: {  	_ =	shalt  }
0x70: {  	_ =	shalt  }
0x71: {  	_ =	shalt  }
0x72: {  	_ =	shalt  }
0x73: {  	_ =	shalt  }
0x74: {  	_ =	shalt  }
0x75: {  	_ =	shalt  }
0x76: {  	_ =	shalt  }
0x77: {  	_ =	shalt  }
0x78: {  	_ =	shalt  }
0x79: {  	_ =	shalt  }
0x7a: {  	_ =	shalt  }
0x7b: {  	_ =	shalt  }
0x7c: {  	_ =	shalt  }
0x7d: {  	_ =	shalt  }
0x7e: {  	_ =	shalt  }
0x7f: {  	_ =	shalt  }
0x80: {  	_ =	shalt  }
0x81: {  	_ =	shalt  }
0x82: {  	_ =	shalt  }
0x83: {  	_ =	shalt  }
0x84: {  	_ =	shalt  }
0x85: {  	_ =	shalt  }
0x86: {  	_ =	shalt  }
0x87: {  	_ =	shalt  }
.Lfunc_end0:
.L_simem_size_0:
called_computation.2_lowered:
.L_overlay_start_0:
0x88: {  	s2 =	sld [smem:$0x3FD9]  }
0x89: {  	s3 =	sld [smem:$0x3FFE];
	_ =	sdelay $0x1  }
0x8a: {  	s1 =	srdreg.scid  }
0x8b: {  	s0 =	sand.u32 $0x1, s1  }
0x8c: {  	s16 =	sshll.u32 s0, $0xA;
	s2 =	sadd.s32 s3, s2  }
0x8d: {  	s2 =	sadd.s32 s2, s16  }
0x8e: {  	[smem:$0x3FBC] =	sst s2  }
0x8f: {  	_ = 	snop  }
0x90: {  	(tm) =	ssettm $0x1  }
0x91: {  	s17 =	sld [smem:$0x3FFB];
	_ =	sdelay $0x3  }
0x92: {  	_ =	strace s17  }
0x93: {  	s2 =	sld [smem:$0x3FFC];
	_ =	sdelay $0x3  }
0x94: {  	_ =	strace s2  }
0x95: {  	s2 =	sld [smem:$0x3FFD];
	_ =	sdelay $0x3  }
0x96: {  	_ =	strace s2  }
0x97: {  	_ =	strace $0x8FFFFFFF  }
0x98: {  	s18 =	sld [smem:$0x3FDB];
	_ =	sdelay $0x1  }
0x99: {  	s19 =	simm.s32 $_scs_section_size  }
0x9a: {  	s4 =	simm.s32 $_size__tile_overlayer_lowered;
	s5 =	simm.s32 $_tile_overlayer_lowered  }
0x9b: {  	s22 =	simm.s32 $0x1BFF;
	s21 =	sshll.u32 s5, $0x1;
	s2 =	sadd.s32 s19, s18  }
0x9c: {  	s6 =	simm.s32 $0x0;
	s20 =	sshll.u32 s4, $0x1;
	s4 =	sadd.s32 s21, s2  }
0x9d: {  	[timem:s6], [sflag:s22] =	dma.local [hbm:s4], s20  }
0x9e: {  	_ =	swait.ge [sflag:s22], s20  }
0x9f: {  	s3 =	ssub.s32 $0x0, s20;
	[sflag:s22] =	ssyncset.done $0x0  }
0xa0: {  	[sflag:s22] =	ssyncadd.s32 s3;
	_ =	sdelay $0x1  }
0xa1: {  	s23 =	simm.s32 $0x1B8B  }
0xa2: {  	_ =	swait.ge [sflag:s23], $0x1  }
0xa3: {  	[sflag:s23] =	ssyncset.done $0x0  }
0xa4: {  	s25 =	simm.s32 $0x1B8E;
	s24 =	sld [smem:$0x3FFE];
	[sflag:s23] =	ssyncadd.s32 $0xFFFFFFFF  }
0xa5: {  	s26 =	simm.s32 $execute0_lowered;
	[smem:$0x3FD2] =	sst s25  }
0xa6: {  	s4 =	sshll.u32 s26, $0x1;
	_ =	strace $0x8000004C;
	[dreg:$0x1] =	wrdreg $0xFFFFFFFF  }
0xa7: {  	s28 =	simm.s32 $_size_execute0_lowered;
	s2 =	sadd.s32 s2, s4;
	[dreg:$0x0] =	wrdreg $0x0  }
0xa8: {  	s4 =	sshll.u32 s28, $0x1;
	[dreg:$0x2] =	wrdreg s2  }
0xa9: {  	[dreg:$0x3] =	wrdreg s4  }
0xaa: {  	[dreg:$0x4] =	wrdreg $0xC0  }
0xab: {  	_ =	task [dreg:s6], $0x5FFFF  }
0xac: {  	[dreg:$0x1] =	wrdreg $0xFFFFFFFF  }
0xad: {  	[dreg:$0x0] =	wrdreg $0x60  }
0xae: {  	[dreg:$0x2] =	wrdreg s24  }
0xaf: {  	[dreg:$0x3] =	wrdreg $0x4F000  }
0xb0: {  	[dreg:$0x4] =	wrdreg $0x9  }
0xb1: {  	_ =	task.clear_ibuf [dreg:s6], $0x5FFFF;
	_ =	strace $0x9000004C  }
0xb2: {  	s29 =	simm.s32 $0x9;
	_ =	strace $0x8000004E  }
0xb3: {  	_ =	swait.ge [sflag:s29], $0x1  }
0xb4: {  	[sflag:s29] =	ssyncadd.s32 $0xFFFFFFFF  }
0xb5: {  	_ =	strace $0x9000004E  }
0xb6: {  	_ =	sfence  }
0xb7: {  	s30 =	sld [smem:$0x0];
	_ =	sdelay $0x2  }
0xb8: {  	s31 =	sshll.u32 s1, $0xD;
	s1 =	sshrl.u32 s1, $0x2  }
0xb9: {  	s3 =	sand.u32 $0x4000, s31;
	s1 =	sadd.s32 s1, s30  }
0xba: {  	s0 =	sor.u32 s3, s0;
	s1 =	sshll.u32 s1, $0x11  }
0xbb: {  	s0 =	sor.u32 s1, s0  }
0xbc: {  	s0 =	sadd.s32 $0x8F2B, s0  }
0xbd: {  	[sflag:s0] =	ssyncadd.remote.s32 $0x1  }
0xbe: {  	_ =	sfence.sel $0xFFFF  }
0xbf: {  	[dreg:$0x0] =	wrdreg $0xFFFFFFFF;
	(pc) =	sbr.abs _section_cstart, $3  }
0xc0: {  	[dreg:$0x1] =	wrdreg $0xFFFFFFFF  }
0xc1: {  	_ =	task.clear_ibuf [dreg:s6], $0x2FFFF;
	_ =	strace $0x9FFFFFFF  }
0xc2: {  	(tm) =	ssettm $0x7FFFFFFF  }
0xc3: {  	_ =	shalt  }
tec
execute0_lowered:
.L_overlay_start_1:
0x0: {  	(tag) =	ssettag $0x1  }
0x1: {  	s0 =	rddreg [dreg:$0x0]  }
0x2: {  	s1 =	srdreg.scid;
	s8 =	stileid.u32  }
0x3: {  	s2 =	rddreg [dreg:$0x1];
	s3 =	simm.s32 $0x0;
	s9 =	simm.s32 $0x380  }
0x4: {  	s10 =	simm.s32 $0x80;
	s24 =	simm.s32 $0x100;
	s11 =	simm.s32 $0x700  }
0x5: {  	s12 =	simm.s32 $0x1700;
	s13 =	simm.s32 $0x2700;
	s14 =	simm.s32 $0x1  }
0x6: {  	s25 =	simm.s32 $0x180;
	s15 =	simm.s32 $0x3700;
	s16 =	simm.s32 $0x2  }
0x7: {  	s17 =	simm.s32 $0x400;
	s18 =	simm.s32 $0x5;
	s28 =	simm.s32 $0x500  }
0x8: {  	s29 =	simm.s32 $0x7;
	s30 =	simm.s32 $0x300;
	s31 =	simm.s32 $0x580  }
0x9: {  	s1 =	sand.u32 $0x1, s1;
	s4 =	sshll.u32 s8, $0x1;
	s7 =	smul.u32 $0x68000, s8  }
0xa: {  	[smem:$0x7FF] =	sst s3;
	s8 =	smul.u32 $0x34000, s8;
	s4 =	sor.u32 s1, s4  }
0xb: {  	_ =	strace $0x8000004D;
	s6 =	smul.u32 $0x34000, s1;
	[dreg:$0x5] =	wrdreg s24  }
0xc: {  	s1 =	ssub.s32 $0x2, s1;
	[dreg:$0x6] =	wrdreg s25;
	s24 =	simm.s32 $0x280  }
0xd: {  	s5 =	smul.u32 $0xC40, s4;
	s4 =	sadd.s32 $0x2400, s0;
	s19 =	sshrl.u32 s1, $0x1  }
0xe: {  	s7 =	sshrl.u32 s7, $0x2;
	s22 =	sshrl.u32 s8, $0x1;
	s23 =	sshrl.u32 s8, $0x4  }
0xf: {  	s8 =	simm.s32 $0x9;
	s1 =	ssub.s32 s1, s19;
	s19 =	simm.s32 $0x200  }
0x10: {  	s5 =	sadd.s32 s5, s0;
	s0 =	sadd.s32 s6, s0;
	s6 =	sadd.s32 s22, s2  }
0x11: {  	s1 =	smax.u32 s1, $0x1;
	s22 =	simm.s32 $0x6;
	s20 =	sadd.s32 $0x4EC00, s5  }
0x12: {  	s21 =	sadd.s32 $0x67400, s5;
	s5 =	sadd.s32 s7, s2;
	s0 =	sadd.s32 $0x7FC00, s0  }
0x13: {  	[dreg:$0x7] =	wrdreg s1;
	s7 =	simm.s32 $0x4700;
	s26 =	sshrl.u32 s6, $0x3  }
0x14: {  	s1 =	simm.s32 $0x600;
	s6 =	simm.s32 $0x8;
	[dreg:$0x3] =	wrdreg s20  }
0x15: {  	[dreg:$0x4] =	wrdreg s21;
	s20 =	simm.s32 $0x3;
	s21 =	simm.s32 $0x480  }
0x16: {  	s0 =	sadd.s32 s23, s0;
	[dreg:$0x9] =	wrdreg s26;
	s26 =	simm.s32 $0x4  }
0x17: {  	v0 =	vimm.bf16 $0.0e+00;
	s23 =	simm.s32 $0x0;
	[dreg:$0x8] =	wrdreg s0;
	s0 =	simm.s32 $0x680  }
.LBB2_1:
0x18: {  	[dreg:$0xa] =	wrdreg s23;
	s25 =	simm.s32 $0x0  }
.LBB2_2:
0x19: {  	p0 =	sne.s32 s25, $0x1F80  }
.Ltmp0:
0x1a: {  	_ = 	snop;
	(pc) =	sbr.rel @p0 .LBB2_2-.Ltmp0, $4  }
0x1b: {  	_ = 	snop  }
0x1c: {  	s23 =	sshra.s32 s25, $0x2  }
0x1d: {  	[tilespmem:s23+$0x4700] =	vst v0  }
0x1e: {  	s25 =	sadd.s32 $0x80, s25;
	[tilespmem:s23+$0x4710] =	vst v0  }
0x1f: {  	s23 =	sadd.s32 $0x0, s5  }
0x20: {  	[spmem:s23] =	stream.linear.scatter [tilespmem:s7], [sflag:$0x9], $0x800, $0x38;
	[tilespmem:$0x1EF00] =	vst v63  }
0x21: {  	s25 =	simm.s32 $0x2000;
	_ =	swait.ge [sflag:s8], $0x800  }
.LBB2_4:
0x22: {  	s23 =	sshra.s32 s25, $0x2;
	[sflag:s8] =	ssyncset.done $0x0;
	p0 =	sne.s32 s25, $0x66000  }
.Ltmp1:
0x23: {  	s23 =	sadd.s32 s23, s5;
	[sflag:s8] =	ssyncadd.s32 $0xFFFFF800;
	(pc) =	sbr.rel @p0 .LBB2_4-.Ltmp1, $3  }
0x24: {  	[spmem:s23] =	stream.linear.scatter [tilespmem:s7], [sflag:$0x9], $0x800, $0x38;
	[tilespmem:$0x1EF00] =	vst v63  }
0x25: {  	s25 =	sadd.s32 $0x2000, s25;
	_ =	sdelay $0x1  }
0x26: {  	_ =	swait.ge [sflag:s8], $0x800  }
0x27: {  	[sflag:s8] =	ssyncset.done $0x0  }
0x28: {  	[sflag:s8] =	ssyncadd.s32 $0xFFFFF800  }
0x29: {  	[bflag:$0x0] =	sbarrier.arrive $0xFFFF  }
0x2a: {  	s23 =	rddreg [dreg:$0x3]  }
0x2b: {  	s23 =	sadd.s32 $0x0, s23  }
0x2c: {  	[tilespmem:s3], [sflag:$0x9] =	stream.linear.gather [hbm4b:s23+s3], $0x380, $0x38;
	[tilespmem:$0x1EF00] =	vst v63  }
0x2d: {  	_ =	swait.ge [sflag:s8], $0x380  }
0x2e: {  	s25 =	rddreg [dreg:$0x4];
	[sflag:s8] =	ssyncset.done $0x0  }
0x2f: {  	[sflag:s8] =	ssyncadd.s32 $0xFFFFFC80;
	s23 =	sadd.s32 $0x0, s25  }
0x30: {  	[tilespmem:s9], [sflag:$0x9] =	stream.linear.gather [hbm4b:s23+s3], $0x380, $0x38;
	[tilespmem:$0x1EF00] =	vst v63  }
0x31: {  	_ =	swait.ge [sflag:s8], $0x380  }
0x32: {  	[sflag:s8] =	ssyncset.done $0x0  }
0x33: {  	[sflag:s8] =	ssyncadd.s32 $0xFFFFFC80  }
0x34: {  	[tilespmem:s11], [sflag:$0x1] =	stream.indirect.gather [hbm4b:s4+s10], $0x20, s3, s10, $0xb8;
	[tilespmem:$0x1EF00] =	vst v63  }
0x35: {  	_ = 	snop  }
0x36: {  	[tilespmem:s12], [sflag:$0x2] =	stream.indirect.gather [hbm4b:s4+s10], $0x20, s10, s10, $0xb8;
	[tilespmem:$0x1EF00] =	vst v63  }
0x37: {  	s7 =	rddreg [dreg:$0x5]  }
0x38: {  	[tilespmem:s13], [sflag:$0x3] =	stream.indirect.gather [hbm4b:s4+s10], $0x20, s7, s10, $0xb8;
	[tilespmem:$0x1EF00] =	vst v63  }
0x39: {  	_ =	swait.ge [sflag:s14], $0x1000  }
0x3a: {  	[sflag:s14] =	ssyncset.done $0x0  }
0x3b: {  	[sflag:s14] =	ssyncadd.s32 $0xFFFFF000  }
0x3c: {  	[spmem:s2] =	stream.indirect.scatter.add.bf16 [tilespmem:s11], [sflag:$0x5], $0x20, s9, s10, $0xb8;
	[tilespmem:$0x1EF00] =	vst v63  }
0x3d: {  	s25 =	rddreg [dreg:$0x6]  }
0x3e: {  	[tilespmem:s15], [sflag:$0x4] =	stream.indirect.gather [hbm4b:s4+s10], $0x20, s25, s10, $0xb8;
	[tilespmem:$0x1EF00] =	vst v63  }
0x3f: {  	_ =	swait.ge [sflag:s16], $0x1000  }
0x40: {  	[sflag:s16] =	ssyncset.done $0x0  }
0x41: {  	[sflag:s16] =	ssyncadd.s32 $0xFFFFF000  }
0x42: {  	[spmem:s2] =	stream.indirect.scatter.add.bf16 [tilespmem:s12], [sflag:$0x6], $0x20, s17, s10, $0xb8;
	[tilespmem:$0x1EF00] =	vst v63  }
0x43: {  	_ =	swait.ge [sflag:s18], $0x1000  }
0x44: {  	[sflag:s18] =	ssyncset.done $0x0  }
0x45: {  	[sflag:s18] =	ssyncadd.s32 $0xFFFFF000  }
0x46: {  	[tilespmem:s11], [sflag:$0x1] =	stream.indirect.gather [hbm4b:s4+s10], $0x20, s19, s10, $0xb8;
	[tilespmem:$0x1EF00] =	vst v63  }
0x47: {  	_ =	swait.ge [sflag:s20], $0x1000  }
0x48: {  	[sflag:s20] =	ssyncset.done $0x0  }
0x49: {  	[sflag:s20] =	ssyncadd.s32 $0xFFFFF000  }
0x4a: {  	[spmem:s2] =	stream.indirect.scatter.add.bf16 [tilespmem:s13], [sflag:$0x7], $0x20, s21, s10, $0xb8;
	[tilespmem:$0x1EF00] =	vst v63  }
0x4b: {  	_ =	swait.ge [sflag:s22], $0x1000  }
0x4c: {  	[sflag:s22] =	ssyncset.done $0x0  }
0x4d: {  	[sflag:s22] =	ssyncadd.s32 $0xFFFFF000  }
0x4e: {  	[tilespmem:s12], [sflag:$0x2] =	stream.indirect.gather [hbm4b:s4+s10], $0x20, s24, s10, $0xb8;
	[tilespmem:$0x1EF00] =	vst v63  }
0x4f: {  	_ =	swait.ge [sflag:s26], $0x1000  }
0x50: {  	[sflag:s26] =	ssyncset.done $0x0  }
0x51: {  	[sflag:s26] =	ssyncadd.s32 $0xFFFFF000  }
0x52: {  	[spmem:s2] =	stream.indirect.scatter.add.bf16 [tilespmem:s15], [sflag:$0x8], $0x20, s28, s10, $0xb8;
	[tilespmem:$0x1EF00] =	vst v63  }
0x53: {  	_ =	swait.ge [sflag:s29], $0x1000  }
0x54: {  	[sflag:s29] =	ssyncset.done $0x0  }
0x55: {  	[sflag:s29] =	ssyncadd.s32 $0xFFFFF000  }
0x56: {  	[tilespmem:s13], [sflag:$0x3] =	stream.indirect.gather [hbm4b:s4+s10], $0x20, s30, s10, $0xb8;
	[tilespmem:$0x1EF00] =	vst v63  }
0x57: {  	_ =	swait.ge [sflag:s14], $0x1000  }
0x58: {  	[sflag:s14] =	ssyncset.done $0x0  }
0x59: {  	[sflag:s14] =	ssyncadd.s32 $0xFFFFF000  }
0x5a: {  	[spmem:s2] =	stream.indirect.scatter.add.bf16 [tilespmem:s11], [sflag:$0x5], $0x20, s31, s10, $0xb8;
	[tilespmem:$0x1EF00] =	vst v63  }
0x5b: {  	_ =	swait.ge [sflag:s16], $0x1000  }
0x5c: {  	[sflag:s16] =	ssyncset.done $0x0  }
0x5d: {  	[sflag:s16] =	ssyncadd.s32 $0xFFFFF000  }
0x5e: {  	[spmem:s2] =	stream.indirect.scatter.add.bf16 [tilespmem:s12], [sflag:$0x6], $0x20, s1, s10, $0xb8;
	[tilespmem:$0x1EF00] =	vst v63  }
0x5f: {  	_ =	swait.ge [sflag:s20], $0x1000  }
0x60: {  	[sflag:s20] =	ssyncset.done $0x0  }
0x61: {  	[sflag:s20] =	ssyncadd.s32 $0xFFFFF000  }
0x62: {  	[spmem:s2] =	stream.indirect.scatter.add.bf16 [tilespmem:s13], [sflag:$0x7], $0x20, s0, s10, $0xb8;
	[tilespmem:$0x1EF00] =	vst v63  }
0x63: {  	_ =	swait.ge [sflag:s6], $0x1000  }
0x64: {  	[sflag:s6] =	ssyncset.done $0x0  }
0x65: {  	[sflag:s6] =	ssyncadd.s32 $0xFFFFF000  }
0x66: {  	_ =	swait.ge [sflag:s18], $0x1000  }
0x67: {  	[sflag:s18] =	ssyncset.done $0x0  }
0x68: {  	[sflag:s18] =	ssyncadd.s32 $0xFFFFF000  }
0x69: {  	_ =	swait.ge [sflag:s22], $0x1000  }
0x6a: {  	[sflag:s22] =	ssyncset.done $0x0  }
0x6b: {  	[sflag:s22] =	ssyncadd.s32 $0xFFFFF000  }
0x6c: {  	s25 =	simm.s32 $0x70;
	_ =	swait.ge [sflag:s29], $0x1000  }
.LBB2_6:
0x6d: {  	s23 =	rddreg [dreg:$0x3];
	s7 =	smov.u32 s25;
	[sflag:s29] =	ssyncset.done $0x0  }
0x6e: {  	s23 =	sadd.s32 s7, s23;
	[sflag:s29] =	ssyncadd.s32 $0xFFFFF000  }
0x6f: {  	[tilespmem:s3], [sflag:$0x9] =	stream.linear.gather [hbm4b:s23+s3], $0x380, $0x38;
	[tilespmem:$0x1EF00] =	vst v63  }
0x70: {  	_ =	swait.ge [sflag:s8], $0x380  }
0x71: {  	s23 =	rddreg [dreg:$0x4];
	[sflag:s8] =	ssyncset.done $0x0  }
0x72: {  	[sflag:s8] =	ssyncadd.s32 $0xFFFFFC80;
	s7 =	sadd.s32 s7, s23  }
0x73: {  	[tilespmem:s9], [sflag:$0x9] =	stream.linear.gather [hbm4b:s7+s3], $0x380, $0x38;
	[tilespmem:$0x1EF00] =	vst v63  }
0x74: {  	_ =	swait.ge [sflag:s8], $0x380  }
0x75: {  	[sflag:s8] =	ssyncset.done $0x0  }
0x76: {  	[sflag:s8] =	ssyncadd.s32 $0xFFFFFC80  }
0x77: {  	[tilespmem:s11], [sflag:$0x1] =	stream.indirect.gather [hbm4b:s4+s10], $0x20, s3, s10, $0xb8;
	[tilespmem:$0x1EF00] =	vst v63  }
0x78: {  	_ = 	snop  }
0x79: {  	[tilespmem:s12], [sflag:$0x2] =	stream.indirect.gather [hbm4b:s4+s10], $0x20, s10, s10, $0xb8;
	[tilespmem:$0x1EF00] =	vst v63  }
0x7a: {  	s23 =	rddreg [dreg:$0x5]  }
0x7b: {  	[tilespmem:s13], [sflag:$0x3] =	stream.indirect.gather [hbm4b:s4+s10], $0x20, s23, s10, $0xb8;
	[tilespmem:$0x1EF00] =	vst v63  }
0x7c: {  	_ =	swait.ge [sflag:s14], $0x1000  }
0x7d: {  	[sflag:s14] =	ssyncset.done $0x0  }
0x7e: {  	[sflag:s14] =	ssyncadd.s32 $0xFFFFF000  }
0x7f: {  	[spmem:s2] =	stream.indirect.scatter.add.bf16 [tilespmem:s11], [sflag:$0x5], $0x20, s9, s10, $0xb8;
	[tilespmem:$0x1EF00] =	vst v63  }
0x80: {  	s23 =	rddreg [dreg:$0x6]  }
0x81: {  	[tilespmem:s15], [sflag:$0x4] =	stream.indirect.gather [hbm4b:s4+s10], $0x20, s23, s10, $0xb8;
	[tilespmem:$0x1EF00] =	vst v63  }
0x82: {  	_ =	swait.ge [sflag:s16], $0x1000  }
0x83: {  	[sflag:s16] =	ssyncset.done $0x0  }
0x84: {  	[sflag:s16] =	ssyncadd.s32 $0xFFFFF000  }
0x85: {  	[spmem:s2] =	stream.indirect.scatter.add.bf16 [tilespmem:s12], [sflag:$0x6], $0x20, s17, s10, $0xb8;
	[tilespmem:$0x1EF00] =	vst v63  }
0x86: {  	_ =	swait.ge [sflag:s18], $0x1000  }
0x87: {  	[sflag:s18] =	ssyncset.done $0x0  }
0x88: {  	[sflag:s18] =	ssyncadd.s32 $0xFFFFF000  }
0x89: {  	[tilespmem:s11], [sflag:$0x1] =	stream.indirect.gather [hbm4b:s4+s10], $0x20, s19, s10, $0xb8;
	[tilespmem:$0x1EF00] =	vst v63  }
0x8a: {  	_ =	swait.ge [sflag:s20], $0x1000  }
0x8b: {  	[sflag:s20] =	ssyncset.done $0x0  }
0x8c: {  	[sflag:s20] =	ssyncadd.s32 $0xFFFFF000  }
0x8d: {  	[spmem:s2] =	stream.indirect.scatter.add.bf16 [tilespmem:s13], [sflag:$0x7], $0x20, s21, s10, $0xb8;
	[tilespmem:$0x1EF00] =	vst v63  }
0x8e: {  	_ =	swait.ge [sflag:s22], $0x1000  }
0x8f: {  	[sflag:s22] =	ssyncset.done $0x0  }
0x90: {  	[sflag:s22] =	ssyncadd.s32 $0xFFFFF000  }
0x91: {  	[tilespmem:s12], [sflag:$0x2] =	stream.indirect.gather [hbm4b:s4+s10], $0x20, s24, s10, $0xb8;
	[tilespmem:$0x1EF00] =	vst v63  }
0x92: {  	_ =	swait.ge [sflag:s26], $0x1000  }
0x93: {  	[sflag:s26] =	ssyncset.done $0x0  }
0x94: {  	[sflag:s26] =	ssyncadd.s32 $0xFFFFF000  }
0x95: {  	[spmem:s2] =	stream.indirect.scatter.add.bf16 [tilespmem:s15], [sflag:$0x8], $0x20, s28, s10, $0xb8;
	[tilespmem:$0x1EF00] =	vst v63  }
0x96: {  	_ =	swait.ge [sflag:s29], $0x1000  }
0x97: {  	[sflag:s29] =	ssyncset.done $0x0  }
0x98: {  	[sflag:s29] =	ssyncadd.s32 $0xFFFFF000  }
0x99: {  	[tilespmem:s13], [sflag:$0x3] =	stream.indirect.gather [hbm4b:s4+s10], $0x20, s30, s10, $0xb8;
	[tilespmem:$0x1EF00] =	vst v63  }
0x9a: {  	_ =	swait.ge [sflag:s14], $0x1000  }
0x9b: {  	[sflag:s14] =	ssyncset.done $0x0  }
0x9c: {  	[sflag:s14] =	ssyncadd.s32 $0xFFFFF000  }
0x9d: {  	[spmem:s2] =	stream.indirect.scatter.add.bf16 [tilespmem:s11], [sflag:$0x5], $0x20, s31, s10, $0xb8;
	[tilespmem:$0x1EF00] =	vst v63  }
0x9e: {  	_ =	swait.ge [sflag:s16], $0x1000  }
0x9f: {  	[sflag:s16] =	ssyncset.done $0x0  }
0xa0: {  	[sflag:s16] =	ssyncadd.s32 $0xFFFFF000  }
0xa1: {  	[spmem:s2] =	stream.indirect.scatter.add.bf16 [tilespmem:s12], [sflag:$0x6], $0x20, s1, s10, $0xb8;
	[tilespmem:$0x1EF00] =	vst v63  }
0xa2: {  	_ =	swait.ge [sflag:s20], $0x1000  }
0xa3: {  	[sflag:s20] =	ssyncset.done $0x0  }
0xa4: {  	[sflag:s20] =	ssyncadd.s32 $0xFFFFF000  }
0xa5: {  	[spmem:s2] =	stream.indirect.scatter.add.bf16 [tilespmem:s13], [sflag:$0x7], $0x20, s0, s10, $0xb8;
	[tilespmem:$0x1EF00] =	vst v63  }
0xa6: {  	_ =	swait.ge [sflag:s6], $0x1000  }
0xa7: {  	[sflag:s6] =	ssyncset.done $0x0  }
0xa8: {  	[sflag:s6] =	ssyncadd.s32 $0xFFFFF000  }
0xa9: {  	_ =	swait.ge [sflag:s18], $0x1000  }
0xaa: {  	p0 =	sne.s32 s25, $0xBD0;
	[sflag:s18] =	ssyncset.done $0x0  }
.Ltmp2:
0xab: {  	[sflag:s18] =	ssyncadd.s32 $0xFFFFF000;
	(pc) =	sbr.rel @p0 .LBB2_6-.Ltmp2, $4  }
0xac: {  	_ =	swait.ge [sflag:s22], $0x1000  }
0xad: {  	[sflag:s22] =	ssyncset.done $0x0  }
0xae: {  	[sflag:s22] =	ssyncadd.s32 $0xFFFFF000  }
0xaf: {  	s25 =	sadd.s32 $0x70, s25;
	_ =	swait.ge [sflag:s29], $0x1000  }
0xb0: {  	[sflag:s29] =	ssyncset.done $0x0  }
0xb1: {  	[sflag:s29] =	ssyncadd.s32 $0xFFFFF000  }
0xb2: {  	s7 =	stileid.u32;
	[bflag:$0x0] =	sbarrier.arrive $0xFFFF  }
0xb3: {  	s7 =	sshll.u32 s7, $0x6;
	s23 =	rddreg [dreg:$0x8]  }
0xb4: {  	s7 =	sor.u32 $0x1C09, s7;
	s25 =	rddreg [dreg:$0x9]  }
0xb5: {  	[hbm:s23], [sflag:s7] =	dma.local [spmem:s25], $0x3400  }
0xb6: {  	_ =	swait.ge [sflag:s8], $0x3400  }
0xb7: {  	s7 =	rddreg [dreg:$0xa]  }
0xb8: {  	s25 =	rddreg [dreg:$0x7];
	s23 =	sadd.s32 $0x1, s7  }
0xb9: {  	p0 =	sne.s32 s23, s25  }
.Ltmp3:
0xba: {  	_ = 	snop;
	(pc) =	sbr.rel @p0 .LBB2_1-.Ltmp3, $3  }
0xbb: {  	_ =	sdelay $0x1  }
0xbc: {  	[sflag:s8] =	ssyncset.done $0x0  }
0xbd: {  	[sflag:s8] =	ssyncadd.s32 $0xFFFFCC00;
	s7 =	simm.s32 $0x4700  }
0xbe: {  	_ =	sfence.sel $0x180000  }
0xbf: {  	[bflag:$0x0] =	sbarrier.arrive $0xFFFF  }
0xc0: {  	_ =	strace $0x9000004D  }
0xc1: {  	s0 =	stileid.u32;
	[bflag:$0x2] =	sbarrier.arrive $0xFFFF  }
0xc2: {  	p0 =	sne.s32 s0, $0x0;
	s0 =	rddreg [dreg:$0x2]  }
0xc3: {  	s0 =	sadd.s32 @!p0 $0x100000, s0  }
0xc4: {  	[sflag:s0] =	ssyncadd.tile.s32 @!p0 $0x1;
	_ =	shalt  }
.Lfunc_end2:
_tile_overlayer_lowered:
.L_overlay_start_2:
0xc5: {  	(tag) =	ssettag $0x2  }
0xc6: {  	s0 =	rddreg [dreg:$0x0];
	s2 =	stileid.u32  }
0xc7: {  	s1 =	rddreg [dreg:$0x1];
	p0 =	sne.s32 s2, $0x0  }
0xc8: {  	s3 =	rddreg [dreg:$0x2];
	[bflag:$0x3] =	sbarrier.arrive $0xFFFF;
	s2 =	simm.s32 @!p0 $0x1C09  }
0xc9: {  	[timem:s3], [sflag:s2] =	dma.local @!p0 [hbm:s0], s1  }
0xca: {  	s0 =	simm.s32 @!p0 $0x9  }
0xcb: {  	_ =	swait.ge @!p0 [sflag:s0], s1  }
0xcc: {  	s1 =	ssub.s32 @!p0 $0x0, s1;
	[sflag:s0] =	ssyncset.done @!p0 $0x0  }
0xcd: {  	[sflag:s0] =	ssyncadd.s32 @!p0 s1  }
0xce: {  	[bflag:$0x3] =	sbarrier.arrive $0xFFFF  }
0xcf: {  	_ =	shalt  }

// kernel: kernel.7.cloned.1.call-start
scs
__scs_entry_jumppad:
0x0: {  	(pc) =	sbr.rel $0x88, $3  }
0x1: {  	(tag) =	ssettag $0x0;
	lr =	simm.s32 $0x1  }
0x2: {  	[smem:$0x3F95] =	sst lr;
	_ =	strace $0xD0000000  }
0x3: {  	_ = 	snop  }
0x4: {  	_ = 	snop  }
0x5: {  	_ = 	snop  }
0x6: {  	_ = 	snop  }
0x7: {  	_ = 	snop  }
__scs_overlays_trampoline_lowered:
0x8: {  	[smem:$0x3FA4] =	sst s0  }
0x9: {  	[smem:$0x3FA5] =	sst s1  }
0xa: {  	[smem:$0x3FA6] =	sst s2  }
0xb: {  	[smem:$0x3FA7] =	sst s3  }
0xc: {  	[smem:$0x3FA8] =	sst s4  }
0xd: {  	[smem:$0x3FA9] =	sst s5  }
0xe: {  	[smem:$0x3FAA] =	sst s6  }
0xf: {  	[smem:$0x3FAB] =	sst s7  }
0x10: {  	[smem:$0x3FAC] =	sst s8  }
0x11: {  	[smem:$0x3FAD] =	sst s9;
	s0 =	simm.s32 @!p0 $0x0  }
0x12: {  	s1 =	sld [smem:$0x3F93];
	s0 =	simm.s32 @p0 $0x1  }
0x13: {  	[smem:$0x3FAE] =	sst s0;
	s0 =	simm.s32 @!p1 $0x0  }
0x14: {  	s2 =	sld [smem:$0x3F92];
	s0 =	simm.s32 @p1 $0x1  }
0x15: {  	[smem:$0x3FAF] =	sst s0;
	s0 =	simm.s32 @!p2 $0x0  }
0x16: {  	s3 =	sld [smem:$0x3FDB];
	s0 =	simm.s32 @p2 $0x1  }
0x17: {  	s4 =	simm.s32 $0x1BF5;
	[smem:$0x3FB1] =	sst s0  }
0x18: {  	s0 =	sld [smem:$0x3F94];
	_ =	swait.ge [sflag:s4], $0x0  }
0x19: {  	s7 =	sld [smem:$0x3F95]  }
0x1a: {  	s8 =	sadd.s32 $0xFFFFE003, lr  }
0x1b: {  	s9 =	sadd.s32 $0xFFFFFEF7, lr;
	s5 =	simm.s32 $0xFFFFFFFF;
	p2 =	slt.u32 s8, $0xFFFFF086  }
0x1c: {  	p1 =	slt.u32 s9, $0xF7A;
	s5 =	simm.s32 @!p2 $0x0  }
0x1d: {  	s5 =	simm.s32 @p1 $0x1;
	p0 =	seq.s32 s7, s2  }
0x1e: {  	s7 =	smul.u32 @!p0 $0xF7A, s2;
	p2 =	seq.s32 @!p0 s5, $0x0  }
0x1f: {  	s9 =	smul.u32 $0xF7A, s1;
	s8 =	simm.s32 @!p0 $0x1BF5;
	p2 =	por !p2, p0  }
0x20: {  	[sflag:s8] =	ssyncset.s32 @!p0 $0xFFFFF086;
	s6 =	sadd.s32 @!p0 s3, s7;
	s7 =	simm.s32 @!p0 $0x108  }
0x21: {  	s3 =	sadd.s32 s3, s9;
	s6 =	sadd.s32 @!p0 $0x88, s6;
	s7 =	simm.s32 @p2 $0x1082  }
0x22: {  	[simem:s7], [sflag:s8] =	dma.local @!p0 [hbm:s6], $0xF7A  }
0x23: {  	s9 =	sor.u32 $0xD0000000, s2;
	s6 =	simm.s32 $0x108;
	_ =	swait.ge @!p0 [sflag:s8], $0x0  }
0x24: {  	s3 =	sadd.s32 $0x88, s3;
	s6 =	simm.s32 @!p1 $0x1082;
	[sflag:s4] =	ssyncset.s32 $0xFFFFF086  }
0x25: {  	[simem:s6], [sflag:s4] =	dma.local [hbm:s3], $0xF7A  }
0x26: {  	[smem:$0x3F95] =	sst s1;
	(tag) =	ssettag s2;
	_ =	strace s9  }
0x27: {  	s1 =	sld [smem:$0x3FA5]  }
0x28: {  	s2 =	sld [smem:$0x3FA6]  }
0x29: {  	s4 =	sld [smem:$0x3FA8]  }
0x2a: {  	p0 =	seq.s32 s5, $0x0;
	s5 =	sld [smem:$0x3FA9]  }
0x2b: {  	s6 =	sld [smem:$0x3FAA]  }
0x2c: {  	s7 =	sld [smem:$0x3FAB]  }
0x2d: {  	s3 =	simm.s32 $0x108;
	s8 =	sld [smem:$0x3FAC]  }
0x2e: {  	s3 =	simm.s32 @!p0 $0x1082;
	s9 =	sld [smem:$0x3FAD]  }
0x2f: {  	lr =	sadd.s32 s0, s3;
	s0 =	sld [smem:$0x3FA4]  }
0x30: {  	s3 =	sld [smem:$0x3FA7]  }
0x31: {  	[smem:$0x3FB0] =	sst s10  }
0x32: {  	s10 =	sld [smem:$0x3FAE];
	_ =	sdelay $0x3  }
0x33: {  	p0 =	seq.s32 s10, $0x1;
	s10 =	sld [smem:$0x3FB0];
	_ =	sdelay $0x3  }
0x34: {  	[smem:$0x3FB0] =	sst s10  }
0x35: {  	s10 =	sld [smem:$0x3FAF];
	_ =	sdelay $0x3  }
0x36: {  	p1 =	seq.s32 s10, $0x1;
	s10 =	sld [smem:$0x3FB0];
	_ =	sdelay $0x3  }
0x37: {  	[smem:$0x3FB0] =	sst s10  }
0x38: {  	s10 =	sld [smem:$0x3FB1]  }
0x39: {  	_ = 	snop;
	(pc) =	sbr.ind lr, $3  }
0x3a: {  	_ = 	snop  }
0x3b: {  	_ = 	snop  }
0x3c: {  	p2 =	seq.s32 s10, $0x1;
	s10 =	sld [smem:$0x3FB0]  }
0x3d: {  	_ =	shalt  }
0x3e: {  	_ =	shalt  }
0x3f: {  	_ =	shalt  }
0x40: {  	_ =	shalt  }
0x41: {  	_ =	shalt  }
0x42: {  	_ =	shalt  }
0x43: {  	_ =	shalt  }
0x44: {  	_ =	shalt  }
0x45: {  	_ =	shalt  }
0x46: {  	_ =	shalt  }
0x47: {  	_ =	shalt  }
0x48: {  	_ =	shalt  }
0x49: {  	_ =	shalt  }
0x4a: {  	_ =	shalt  }
0x4b: {  	_ =	shalt  }
0x4c: {  	_ =	shalt  }
0x4d: {  	_ =	shalt  }
0x4e: {  	_ =	shalt  }
0x4f: {  	_ =	shalt  }
0x50: {  	_ =	shalt  }
0x51: {  	_ =	shalt  }
0x52: {  	_ =	shalt  }
0x53: {  	_ =	shalt  }
0x54: {  	_ =	shalt  }
0x55: {  	_ =	shalt  }
0x56: {  	_ =	shalt  }
0x57: {  	_ =	shalt  }
0x58: {  	_ =	shalt  }
0x59: {  	_ =	shalt  }
0x5a: {  	_ =	shalt  }
0x5b: {  	_ =	shalt  }
0x5c: {  	_ =	shalt  }
0x5d: {  	_ =	shalt  }
0x5e: {  	_ =	shalt  }
0x5f: {  	_ =	shalt  }
0x60: {  	_ =	shalt  }
0x61: {  	_ =	shalt  }
0x62: {  	_ =	shalt  }
0x63: {  	_ =	shalt  }
0x64: {  	_ =	shalt  }
0x65: {  	_ =	shalt  }
0x66: {  	_ =	shalt  }
0x67: {  	_ =	shalt  }
0x68: {  	_ =	shalt  }
0x69: {  	_ =	shalt  }
0x6a: {  	_ =	shalt  }
0x6b: {  	_ =	shalt  }
0x6c: {  	_ =	shalt  }
0x6d: {  	_ =	shalt  }
0x6e: {  	_ =	shalt  }
0x6f: {  	_ =	shalt  }
0x70: {  	_ =	shalt  }
0x71: {  	_ =	shalt  }
0x72: {  	_ =	shalt  }
0x73: {  	_ =	shalt  }
0x74: {  	_ =	shalt  }
0x75: {  	_ =	shalt  }
0x76: {  	_ =	shalt  }
0x77: {  	_ =	shalt  }
0x78: {  	_ =	shalt  }
0x79: {  	_ =	shalt  }
0x7a: {  	_ =	shalt  }
0x7b: {  	_ =	shalt  }
0x7c: {  	_ =	shalt  }
0x7d: {  	_ =	shalt  }
0x7e: {  	_ =	shalt  }
0x7f: {  	_ =	shalt  }
0x80: {  	_ =	shalt  }
0x81: {  	_ =	shalt  }
0x82: {  	_ =	shalt  }
0x83: {  	_ =	shalt  }
0x84: {  	_ =	shalt  }
0x85: {  	_ =	shalt  }
0x86: {  	_ =	shalt  }
0x87: {  	_ =	shalt  }
.Lfunc_end0:
.L_simem_size_0:
called_computation_lowered:
.L_overlay_start_0:
0x88: {  	s2 =	sld [smem:$0x3FD9]  }
0x89: {  	s3 =	sld [smem:$0x3FFE];
	_ =	sdelay $0x1  }
0x8a: {  	s1 =	srdreg.scid  }
0x8b: {  	s0 =	sand.u32 $0x1, s1  }
0x8c: {  	s16 =	sshll.u32 s0, $0xA;
	s2 =	sadd.s32 s3, s2  }
0x8d: {  	s2 =	sadd.s32 s2, s16  }
0x8e: {  	[smem:$0x3FBC] =	sst s2  }
0x8f: {  	_ = 	snop  }
0x90: {  	(tm) =	ssettm $0x1  }
0x91: {  	s17 =	sld [smem:$0x3FFB];
	_ =	sdelay $0x3  }
0x92: {  	_ =	strace s17  }
0x93: {  	s2 =	sld [smem:$0x3FFC];
	_ =	sdelay $0x3  }
0x94: {  	_ =	strace s2  }
0x95: {  	s2 =	sld [smem:$0x3FFD];
	_ =	sdelay $0x3  }
0x96: {  	_ =	strace s2  }
0x97: {  	_ =	strace $0x8FFFFFFF  }
0x98: {  	s18 =	sld [smem:$0x3FDB];
	_ =	sdelay $0x1  }
0x99: {  	s19 =	simm.s32 $_scs_section_size  }
0x9a: {  	s4 =	simm.s32 $_size__tile_overlayer_lowered;
	s5 =	simm.s32 $_tile_overlayer_lowered  }
0x9b: {  	s22 =	simm.s32 $0x1BFF;
	s21 =	sshll.u32 s5, $0x1;
	s2 =	sadd.s32 s19, s18  }
0x9c: {  	s6 =	simm.s32 $0x0;
	s20 =	sshll.u32 s4, $0x1;
	s4 =	sadd.s32 s21, s2  }
0x9d: {  	[timem:s6], [sflag:s22] =	dma.local [hbm:s4], s20  }
0x9e: {  	_ =	swait.ge [sflag:s22], s20  }
0x9f: {  	s3 =	ssub.s32 $0x0, s20;
	[sflag:s22] =	ssyncset.done $0x0  }
0xa0: {  	[sflag:s22] =	ssyncadd.s32 s3;
	_ =	sdelay $0x1  }
0xa1: {  	s23 =	simm.s32 $0x1B8B  }
0xa2: {  	_ =	swait.ge [sflag:s23], $0x1  }
0xa3: {  	[sflag:s23] =	ssyncset.done $0x0  }
0xa4: {  	s25 =	simm.s32 $0x1B8E;
	s24 =	sld [smem:$0x3FFE];
	[sflag:s23] =	ssyncadd.s32 $0xFFFFFFFF  }
0xa5: {  	s26 =	simm.s32 $execute0_lowered;
	[smem:$0x3FD2] =	sst s25  }
0xa6: {  	s4 =	sshll.u32 s26, $0x1;
	_ =	strace $0x80000046;
	[dreg:$0x1] =	wrdreg $0xFFFFFFFF  }
0xa7: {  	s28 =	simm.s32 $_size_execute0_lowered;
	s2 =	sadd.s32 s2, s4;
	[dreg:$0x0] =	wrdreg $0x0  }
0xa8: {  	s4 =	sshll.u32 s28, $0x1;
	[dreg:$0x2] =	wrdreg s2  }
0xa9: {  	[dreg:$0x3] =	wrdreg s4  }
0xaa: {  	[dreg:$0x4] =	wrdreg $0xC0  }
0xab: {  	_ =	task [dreg:s6], $0x5FFFF  }
0xac: {  	[dreg:$0x1] =	wrdreg $0xFFFFFFFF  }
0xad: {  	[dreg:$0x0] =	wrdreg $0x60  }
0xae: {  	[dreg:$0x2] =	wrdreg s24  }
0xaf: {  	[dreg:$0x3] =	wrdreg $0x9  }
0xb0: {  	_ =	task.clear_ibuf [dreg:s6], $0x4FFFF;
	_ =	strace $0x90000046  }
0xb1: {  	s29 =	simm.s32 $0x9;
	_ =	strace $0x80000048  }
0xb2: {  	_ =	swait.ge [sflag:s29], $0x1  }
0xb3: {  	[sflag:s29] =	ssyncadd.s32 $0xFFFFFFFF  }
0xb4: {  	_ =	strace $0x90000048  }
0xb5: {  	_ =	sfence  }
0xb6: {  	s30 =	sld [smem:$0x0];
	_ =	sdelay $0x2  }
0xb7: {  	s31 =	sshll.u32 s1, $0xD;
	s1 =	sshrl.u32 s1, $0x2  }
0xb8: {  	s3 =	sand.u32 $0x4000, s31;
	s1 =	sadd.s32 s1, s30  }
0xb9: {  	s0 =	sor.u32 s3, s0;
	s1 =	sshll.u32 s1, $0x11  }
0xba: {  	s0 =	sor.u32 s1, s0  }
0xbb: {  	s0 =	sadd.s32 $0x8F2B, s0  }
0xbc: {  	[sflag:s0] =	ssyncadd.remote.s32 $0x1  }
0xbd: {  	_ =	sfence.sel $0xFFFF  }
0xbe: {  	[dreg:$0x0] =	wrdreg $0xFFFFFFFF;
	(pc) =	sbr.abs _section_cstart, $3  }
0xbf: {  	[dreg:$0x1] =	wrdreg $0xFFFFFFFF  }
0xc0: {  	_ =	task.clear_ibuf [dreg:s6], $0x2FFFF;
	_ =	strace $0x9FFFFFFF  }
0xc1: {  	(tm) =	ssettm $0x7FFFFFFF  }
tec
execute0_lowered:
.L_overlay_start_1:
0x0: {  	(tag) =	ssettag $0x1  }
0x1: {  	s0 =	srdreg.scid  }
0x2: {  	s2 =	stileid.u32;
	s1 =	rddreg [dreg:$0x0]  }
0x3: {  	s7 =	simm.s32 $0x80;
	s8 =	simm.s32 $0xE80;
	s9 =	simm.s32 $0x100  }
0x4: {  	s10 =	simm.s32 $0x1680;
	s11 =	simm.s32 $0x180;
	s12 =	simm.s32 $0x1E80  }
0x5: {  	s13 =	simm.s32 $0x200;
	s14 =	simm.s32 $0x2680;
	s15 =	simm.s32 $0x280  }
0x6: {  	s16 =	simm.s32 $0x2E80;
	s17 =	simm.s32 $0x300;
	s18 =	simm.s32 $0x3680  }
0x7: {  	s19 =	simm.s32 $0x380;
	s20 =	simm.s32 $0x3E80;
	s21 =	simm.s32 $0x400  }
0x8: {  	s22 =	simm.s32 $0x4680;
	s23 =	simm.s32 $0x480;
	s24 =	simm.s32 $0x4E80  }
0x9: {  	s25 =	simm.s32 $0x500;
	s0 =	sand.u32 $0x1, s0;
	s3 =	sshll.u32 s2, $0x1  }
0xa: {  	p0 =	por $0x0, $0x0;
	s3 =	sor.u32 s0, s3;
	s0 =	ssub.s32 $0x2, s0  }
0xb: {  	s28 =	simm.s32 $0x580;
	s29 =	simm.s32 $0x5E80;
	s26 =	sshrl.u32 s0, $0x1  }
0xc: {  	s30 =	simm.s32 $0x600;
	s31 =	simm.s32 $0x6680;
	s0 =	ssub.s32 s0, s26  }
0xd: {  	s6 =	simm.s32 $0x1;
	s4 =	smul.u32 $0xD0, s3;
	s0 =	smax.u32 s0, $0x1  }
0xe: {  	s2 =	simm.s32 $0x0;
	s3 =	smul.u32 $0xD00, s3;
	p1 =	sne.s32 s0, $0x1  }
.Ltmp0:
0xf: {  	s5 =	sadd.s32 $0x2400, s1;
	s4 =	sadd.s32 s4, s1;
	(pc) =	sbr.rel @!p1 .LBB2_3-.Ltmp0, $4  }
0x10: {  	[smem:$0x7FF] =	sst s2;
	s1 =	sadd.s32 s3, s1;
	s4 =	sadd.s32 $0x33200, s4  }
0x11: {  	_ =	strace $0x80000047;
	s1 =	sadd.s32 $0x34C00, s1;
	[dreg:$0x2] =	wrdreg s4  }
0x12: {  	s26 =	simm.s32 $0x5680;
	s3 =	simm.s32 $0x2;
	[dreg:$0x3] =	wrdreg s1  }
0x13: {  	s4 =	simm.s32 $0x680;
	s1 =	sadd.s32 $0xFFFFFFFF, s0;
	s0 =	rddreg [dreg:$0x2]  }
0x14: {  	[tilespmem:s2], [sflag:$0x2] =	stream.linear.gather [hbm4b:s0+s2], $0x680, $0x38;
	[tilespmem:$0x6E80] =	vst v63  }
0x15: {  	_ =	swait.ge [sflag:s3], $0x680  }
0x16: {  	[sflag:s3] =	ssyncset.done $0x0  }
0x17: {  	[sflag:s3] =	ssyncadd.s32 $0xFFFFF980  }
0x18: {  	[tilespmem:s4], [sflag:$0x1] =	stream.indirect.gather [hbm4b:s5+s7], $0x10, s2, s7, $0xb8;
	[tilespmem:$0x6E80] =	vst v63  }
0x19: {  	_ = 	snop  }
0x1a: {  	[tilespmem:s8], [sflag:$0x1] =	stream.indirect.gather [hbm4b:s5+s7], $0x10, s7, s7, $0xb8;
	[tilespmem:$0x6E80] =	vst v63  }
0x1b: {  	_ = 	snop  }
0x1c: {  	[tilespmem:s10], [sflag:$0x1] =	stream.indirect.gather [hbm4b:s5+s7], $0x10, s9, s7, $0xb8;
	[tilespmem:$0x6E80] =	vst v63  }
0x1d: {  	_ = 	snop  }
0x1e: {  	[tilespmem:s12], [sflag:$0x1] =	stream.indirect.gather [hbm4b:s5+s7], $0x10, s11, s7, $0xb8;
	[tilespmem:$0x6E80] =	vst v63  }
0x1f: {  	_ = 	snop  }
0x20: {  	[tilespmem:s14], [sflag:$0x1] =	stream.indirect.gather [hbm4b:s5+s7], $0x10, s13, s7, $0xb8;
	[tilespmem:$0x6E80] =	vst v63  }
0x21: {  	_ = 	snop  }
0x22: {  	[tilespmem:s16], [sflag:$0x1] =	stream.indirect.gather [hbm4b:s5+s7], $0x10, s15, s7, $0xb8;
	[tilespmem:$0x6E80] =	vst v63  }
0x23: {  	_ = 	snop  }
0x24: {  	[tilespmem:s18], [sflag:$0x1] =	stream.indirect.gather [hbm4b:s5+s7], $0x10, s17, s7, $0xb8;
	[tilespmem:$0x6E80] =	vst v63  }
0x25: {  	_ = 	snop  }
0x26: {  	[tilespmem:s20], [sflag:$0x1] =	stream.indirect.gather [hbm4b:s5+s7], $0x10, s19, s7, $0xb8;
	[tilespmem:$0x6E80] =	vst v63  }
0x27: {  	_ = 	snop  }
0x28: {  	[tilespmem:s22], [sflag:$0x1] =	stream.indirect.gather [hbm4b:s5+s7], $0x10, s21, s7, $0xb8;
	[tilespmem:$0x6E80] =	vst v63  }
0x29: {  	_ = 	snop  }
0x2a: {  	[tilespmem:s24], [sflag:$0x1] =	stream.indirect.gather [hbm4b:s5+s7], $0x10, s23, s7, $0xb8;
	[tilespmem:$0x6E80] =	vst v63  }
0x2b: {  	_ = 	snop  }
0x2c: {  	[tilespmem:s26], [sflag:$0x1] =	stream.indirect.gather [hbm4b:s5+s7], $0x10, s25, s7, $0xb8;
	[tilespmem:$0x6E80] =	vst v63  }
0x2d: {  	_ = 	snop  }
0x2e: {  	[tilespmem:s29], [sflag:$0x1] =	stream.indirect.gather [hbm4b:s5+s7], $0x10, s28, s7, $0xb8;
	[tilespmem:$0x6E80] =	vst v63  }
0x2f: {  	_ = 	snop  }
0x30: {  	[tilespmem:s31], [sflag:$0x1] =	stream.indirect.gather [hbm4b:s5+s7], $0x10, s30, s7, $0xb8;
	[tilespmem:$0x6E80] =	vst v63  }
0x31: {  	_ =	swait.ge [sflag:s6], $0x800  }
0x32: {  	[sflag:s6] =	ssyncset.done $0x0  }
0x33: {  	[sflag:s6] =	ssyncadd.s32 $0xFFFFF800  }
0x34: {  	_ =	swait.ge [sflag:s6], $0x800  }
0x35: {  	[sflag:s6] =	ssyncset.done $0x0  }
0x36: {  	[sflag:s6] =	ssyncadd.s32 $0xFFFFF800  }
0x37: {  	_ =	swait.ge [sflag:s6], $0x800  }
0x38: {  	[sflag:s6] =	ssyncset.done $0x0  }
0x39: {  	[sflag:s6] =	ssyncadd.s32 $0xFFFFF800  }
0x3a: {  	_ =	swait.ge [sflag:s6], $0x800  }
0x3b: {  	[sflag:s6] =	ssyncset.done $0x0  }
0x3c: {  	[sflag:s6] =	ssyncadd.s32 $0xFFFFF800  }
0x3d: {  	_ =	swait.ge [sflag:s6], $0x800  }
0x3e: {  	[sflag:s6] =	ssyncset.done $0x0  }
0x3f: {  	[sflag:s6] =	ssyncadd.s32 $0xFFFFF800  }
0x40: {  	_ =	swait.ge [sflag:s6], $0x800  }
0x41: {  	[sflag:s6] =	ssyncset.done $0x0  }
0x42: {  	[sflag:s6] =	ssyncadd.s32 $0xFFFFF800  }
0x43: {  	_ =	swait.ge [sflag:s6], $0x800  }
0x44: {  	[sflag:s6] =	ssyncset.done $0x0  }
0x45: {  	[sflag:s6] =	ssyncadd.s32 $0xFFFFF800  }
0x46: {  	_ =	swait.ge [sflag:s6], $0x800  }
0x47: {  	[sflag:s6] =	ssyncset.done $0x0  }
0x48: {  	[sflag:s6] =	ssyncadd.s32 $0xFFFFF800  }
0x49: {  	_ =	swait.ge [sflag:s6], $0x800  }
0x4a: {  	[sflag:s6] =	ssyncset.done $0x0  }
0x4b: {  	[sflag:s6] =	ssyncadd.s32 $0xFFFFF800  }
0x4c: {  	_ =	swait.ge [sflag:s6], $0x800  }
0x4d: {  	[sflag:s6] =	ssyncset.done $0x0  }
0x4e: {  	[sflag:s6] =	ssyncadd.s32 $0xFFFFF800  }
0x4f: {  	_ =	swait.ge [sflag:s6], $0x800  }
0x50: {  	[sflag:s6] =	ssyncset.done $0x0  }
0x51: {  	[sflag:s6] =	ssyncadd.s32 $0xFFFFF800  }
0x52: {  	_ =	swait.ge [sflag:s6], $0x800  }
0x53: {  	[sflag:s6] =	ssyncset.done $0x0  }
0x54: {  	[sflag:s6] =	ssyncadd.s32 $0xFFFFF800  }
0x55: {  	p1 =	sne.s32 s1, $0x1;
	_ =	swait.ge [sflag:s6], $0x800  }
.Ltmp1:
0x56: {  	[sflag:s6] =	ssyncset.done $0x0;
	(pc) =	sbr.rel @!p1 .LBB2_3-.Ltmp1, $4  }
0x57: {  	s0 =	rddreg [dreg:$0x3];
	[sflag:s6] =	ssyncadd.s32 $0xFFFFF800  }
0x58: {  	[hbm4b:s0+s2] =	stream.linear.scatter [tilespmem:s4], [sflag:$0x2], $0x6800, $0x38;
	[tilespmem:$0x6E80] =	vst v63  }
0x59: {  	s1 =	sadd.s32 $0xFFFFFFFF, s1;
	_ =	swait.ge [sflag:s3], $0x6800  }
0x5a: {  	p0 =	por $0x1, $0x1;
	s0 =	rddreg [dreg:$0x2];
	[sflag:s3] =	ssyncset.done $0x0  }
.LBB2_2:
0x5b: {  	[sflag:s3] =	ssyncadd.s32 $0xFFFF9800  }
0x5c: {  	[tilespmem:s2], [sflag:$0x2] =	stream.linear.gather [hbm4b:s0+s2], $0x680, $0x38;
	[tilespmem:$0x6E80] =	vst v63  }
0x5d: {  	_ =	swait.ge [sflag:s3], $0x680  }
0x5e: {  	[sflag:s3] =	ssyncset.done $0x0  }
0x5f: {  	[sflag:s3] =	ssyncadd.s32 $0xFFFFF980  }
0x60: {  	[tilespmem:s4], [sflag:$0x1] =	stream.indirect.gather [hbm4b:s5+s7], $0x10, s2, s7, $0xb8;
	[tilespmem:$0x6E80] =	vst v63  }
0x61: {  	_ = 	snop  }
0x62: {  	[tilespmem:s8], [sflag:$0x1] =	stream.indirect.gather [hbm4b:s5+s7], $0x10, s7, s7, $0xb8;
	[tilespmem:$0x6E80] =	vst v63  }
0x63: {  	_ = 	snop  }
0x64: {  	[tilespmem:s10], [sflag:$0x1] =	stream.indirect.gather [hbm4b:s5+s7], $0x10, s9, s7, $0xb8;
	[tilespmem:$0x6E80] =	vst v63  }
0x65: {  	_ = 	snop  }
0x66: {  	[tilespmem:s12], [sflag:$0x1] =	stream.indirect.gather [hbm4b:s5+s7], $0x10, s11, s7, $0xb8;
	[tilespmem:$0x6E80] =	vst v63  }
0x67: {  	_ = 	snop  }
0x68: {  	[tilespmem:s14], [sflag:$0x1] =	stream.indirect.gather [hbm4b:s5+s7], $0x10, s13, s7, $0xb8;
	[tilespmem:$0x6E80] =	vst v63  }
0x69: {  	_ = 	snop  }
0x6a: {  	[tilespmem:s16], [sflag:$0x1] =	stream.indirect.gather [hbm4b:s5+s7], $0x10, s15, s7, $0xb8;
	[tilespmem:$0x6E80] =	vst v63  }
0x6b: {  	_ = 	snop  }
0x6c: {  	[tilespmem:s18], [sflag:$0x1] =	stream.indirect.gather [hbm4b:s5+s7], $0x10, s17, s7, $0xb8;
	[tilespmem:$0x6E80] =	vst v63  }
0x6d: {  	_ = 	snop  }
0x6e: {  	[tilespmem:s20], [sflag:$0x1] =	stream.indirect.gather [hbm4b:s5+s7], $0x10, s19, s7, $0xb8;
	[tilespmem:$0x6E80] =	vst v63  }
0x6f: {  	_ = 	snop  }
0x70: {  	[tilespmem:s22], [sflag:$0x1] =	stream.indirect.gather [hbm4b:s5+s7], $0x10, s21, s7, $0xb8;
	[tilespmem:$0x6E80] =	vst v63  }
0x71: {  	_ = 	snop  }
0x72: {  	[tilespmem:s24], [sflag:$0x1] =	stream.indirect.gather [hbm4b:s5+s7], $0x10, s23, s7, $0xb8;
	[tilespmem:$0x6E80] =	vst v63  }
0x73: {  	_ = 	snop  }
0x74: {  	[tilespmem:s26], [sflag:$0x1] =	stream.indirect.gather [hbm4b:s5+s7], $0x10, s25, s7, $0xb8;
	[tilespmem:$0x6E80] =	vst v63  }
0x75: {  	_ = 	snop  }
0x76: {  	[tilespmem:s29], [sflag:$0x1] =	stream.indirect.gather [hbm4b:s5+s7], $0x10, s28, s7, $0xb8;
	[tilespmem:$0x6E80] =	vst v63  }
0x77: {  	_ = 	snop  }
0x78: {  	[tilespmem:s31], [sflag:$0x1] =	stream.indirect.gather [hbm4b:s5+s7], $0x10, s30, s7, $0xb8;
	[tilespmem:$0x6E80] =	vst v63  }
0x79: {  	_ =	swait.ge [sflag:s6], $0x800  }
0x7a: {  	[sflag:s6] =	ssyncset.done $0x0  }
0x7b: {  	[sflag:s6] =	ssyncadd.s32 $0xFFFFF800  }
0x7c: {  	_ =	swait.ge [sflag:s6], $0x800  }
0x7d: {  	[sflag:s6] =	ssyncset.done $0x0  }
0x7e: {  	[sflag:s6] =	ssyncadd.s32 $0xFFFFF800  }
0x7f: {  	_ =	swait.ge [sflag:s6], $0x800  }
0x80: {  	[sflag:s6] =	ssyncset.done $0x0  }
0x81: {  	[sflag:s6] =	ssyncadd.s32 $0xFFFFF800  }
0x82: {  	_ =	swait.ge [sflag:s6], $0x800  }
0x83: {  	[sflag:s6] =	ssyncset.done $0x0  }
0x84: {  	[sflag:s6] =	ssyncadd.s32 $0xFFFFF800  }
0x85: {  	_ =	swait.ge [sflag:s6], $0x800  }
0x86: {  	[sflag:s6] =	ssyncset.done $0x0  }
0x87: {  	[sflag:s6] =	ssyncadd.s32 $0xFFFFF800  }
0x88: {  	_ =	swait.ge [sflag:s6], $0x800  }
0x89: {  	[sflag:s6] =	ssyncset.done $0x0  }
0x8a: {  	[sflag:s6] =	ssyncadd.s32 $0xFFFFF800  }
0x8b: {  	_ =	swait.ge [sflag:s6], $0x800  }
0x8c: {  	[sflag:s6] =	ssyncset.done $0x0  }
0x8d: {  	[sflag:s6] =	ssyncadd.s32 $0xFFFFF800  }
0x8e: {  	_ =	swait.ge [sflag:s6], $0x800  }
0x8f: {  	[sflag:s6] =	ssyncset.done $0x0  }
0x90: {  	[sflag:s6] =	ssyncadd.s32 $0xFFFFF800  }
0x91: {  	_ =	swait.ge [sflag:s6], $0x800  }
0x92: {  	[sflag:s6] =	ssyncset.done $0x0  }
0x93: {  	[sflag:s6] =	ssyncadd.s32 $0xFFFFF800  }
0x94: {  	_ =	swait.ge [sflag:s6], $0x800  }
0x95: {  	[sflag:s6] =	ssyncset.done $0x0  }
0x96: {  	[sflag:s6] =	ssyncadd.s32 $0xFFFFF800  }
0x97: {  	_ =	swait.ge [sflag:s6], $0x800  }
0x98: {  	[sflag:s6] =	ssyncset.done $0x0  }
0x99: {  	[sflag:s6] =	ssyncadd.s32 $0xFFFFF800  }
0x9a: {  	_ =	swait.ge [sflag:s6], $0x800  }
0x9b: {  	[sflag:s6] =	ssyncset.done $0x0  }
0x9c: {  	[sflag:s6] =	ssyncadd.s32 $0xFFFFF800  }
0x9d: {  	p1 =	sne.s32 s1, $0x1;
	_ =	swait.ge [sflag:s6], $0x800  }
.Ltmp2:
0x9e: {  	[sflag:s6] =	ssyncset.done $0x0;
	(pc) =	sbr.rel @p1 .LBB2_2-.Ltmp2, $4  }
0x9f: {  	s0 =	rddreg [dreg:$0x3];
	[sflag:s6] =	ssyncadd.s32 $0xFFFFF800  }
0xa0: {  	[hbm4b:s0+s2] =	stream.linear.scatter [tilespmem:s4], [sflag:$0x2], $0x6800, $0x38;
	[tilespmem:$0x6E80] =	vst v63  }
0xa1: {  	_ =	swait.ge [sflag:s3], $0x6800  }
0xa2: {  	s1 =	sadd.s32 $0xFFFFFFFF, s1;
	s0 =	rddreg [dreg:$0x2];
	[sflag:s3] =	ssyncset.done $0x0  }
.LBB2_3:
0xa3: {  	[sflag:s3] =	ssyncadd.s32 @p0 $0xFFFF9800  }
0xa4: {  	[tilespmem:s2], [sflag:$0x2] =	stream.linear.gather [hbm4b:s0+s2], $0x680, $0x38;
	[tilespmem:$0x6E80] =	vst v63  }
0xa5: {  	_ =	swait.ge [sflag:s3], $0x680  }
0xa6: {  	[sflag:s3] =	ssyncset.done $0x0  }
0xa7: {  	[sflag:s3] =	ssyncadd.s32 $0xFFFFF980  }
0xa8: {  	[tilespmem:s4], [sflag:$0x1] =	stream.indirect.gather [hbm4b:s5+s7], $0x10, s2, s7, $0xb8;
	[tilespmem:$0x6E80] =	vst v63  }
0xa9: {  	_ = 	snop  }
0xaa: {  	[tilespmem:s8], [sflag:$0x1] =	stream.indirect.gather [hbm4b:s5+s7], $0x10, s7, s7, $0xb8;
	[tilespmem:$0x6E80] =	vst v63  }
0xab: {  	_ = 	snop  }
0xac: {  	[tilespmem:s10], [sflag:$0x1] =	stream.indirect.gather [hbm4b:s5+s7], $0x10, s9, s7, $0xb8;
	[tilespmem:$0x6E80] =	vst v63  }
0xad: {  	_ = 	snop  }
0xae: {  	[tilespmem:s12], [sflag:$0x1] =	stream.indirect.gather [hbm4b:s5+s7], $0x10, s11, s7, $0xb8;
	[tilespmem:$0x6E80] =	vst v63  }
0xaf: {  	_ = 	snop  }
0xb0: {  	[tilespmem:s14], [sflag:$0x1] =	stream.indirect.gather [hbm4b:s5+s7], $0x10, s13, s7, $0xb8;
	[tilespmem:$0x6E80] =	vst v63  }
0xb1: {  	_ = 	snop  }
0xb2: {  	[tilespmem:s16], [sflag:$0x1] =	stream.indirect.gather [hbm4b:s5+s7], $0x10, s15, s7, $0xb8;
	[tilespmem:$0x6E80] =	vst v63  }
0xb3: {  	_ = 	snop  }
0xb4: {  	[tilespmem:s18], [sflag:$0x1] =	stream.indirect.gather [hbm4b:s5+s7], $0x10, s17, s7, $0xb8;
	[tilespmem:$0x6E80] =	vst v63  }
0xb5: {  	_ = 	snop  }
0xb6: {  	[tilespmem:s20], [sflag:$0x1] =	stream.indirect.gather [hbm4b:s5+s7], $0x10, s19, s7, $0xb8;
	[tilespmem:$0x6E80] =	vst v63  }
0xb7: {  	_ = 	snop  }
0xb8: {  	[tilespmem:s22], [sflag:$0x1] =	stream.indirect.gather [hbm4b:s5+s7], $0x10, s21, s7, $0xb8;
	[tilespmem:$0x6E80] =	vst v63  }
0xb9: {  	_ = 	snop  }
0xba: {  	[tilespmem:s24], [sflag:$0x1] =	stream.indirect.gather [hbm4b:s5+s7], $0x10, s23, s7, $0xb8;
	[tilespmem:$0x6E80] =	vst v63  }
0xbb: {  	_ = 	snop  }
0xbc: {  	[tilespmem:s26], [sflag:$0x1] =	stream.indirect.gather [hbm4b:s5+s7], $0x10, s25, s7, $0xb8;
	[tilespmem:$0x6E80] =	vst v63  }
0xbd: {  	_ = 	snop  }
0xbe: {  	[tilespmem:s29], [sflag:$0x1] =	stream.indirect.gather [hbm4b:s5+s7], $0x10, s28, s7, $0xb8;
	[tilespmem:$0x6E80] =	vst v63  }
0xbf: {  	_ = 	snop  }
0xc0: {  	[tilespmem:s31], [sflag:$0x1] =	stream.indirect.gather [hbm4b:s5+s7], $0x10, s30, s7, $0xb8;
	[tilespmem:$0x6E80] =	vst v63  }
0xc1: {  	_ =	swait.ge [sflag:s6], $0x800  }
0xc2: {  	[sflag:s6] =	ssyncset.done $0x0  }
0xc3: {  	[sflag:s6] =	ssyncadd.s32 $0xFFFFF800  }
0xc4: {  	_ =	swait.ge [sflag:s6], $0x800  }
0xc5: {  	[sflag:s6] =	ssyncset.done $0x0  }
0xc6: {  	[sflag:s6] =	ssyncadd.s32 $0xFFFFF800  }
0xc7: {  	_ =	swait.ge [sflag:s6], $0x800  }
0xc8: {  	[sflag:s6] =	ssyncset.done $0x0  }
0xc9: {  	[sflag:s6] =	ssyncadd.s32 $0xFFFFF800  }
0xca: {  	_ =	swait.ge [sflag:s6], $0x800  }
0xcb: {  	[sflag:s6] =	ssyncset.done $0x0  }
0xcc: {  	[sflag:s6] =	ssyncadd.s32 $0xFFFFF800  }
0xcd: {  	_ =	swait.ge [sflag:s6], $0x800  }
0xce: {  	[sflag:s6] =	ssyncset.done $0x0  }
0xcf: {  	[sflag:s6] =	ssyncadd.s32 $0xFFFFF800  }
0xd0: {  	_ =	swait.ge [sflag:s6], $0x800  }
0xd1: {  	[sflag:s6] =	ssyncset.done $0x0  }
0xd2: {  	[sflag:s6] =	ssyncadd.s32 $0xFFFFF800  }
0xd3: {  	_ =	swait.ge [sflag:s6], $0x800  }
0xd4: {  	[sflag:s6] =	ssyncset.done $0x0  }
0xd5: {  	[sflag:s6] =	ssyncadd.s32 $0xFFFFF800  }
0xd6: {  	_ =	swait.ge [sflag:s6], $0x800  }
0xd7: {  	[sflag:s6] =	ssyncset.done $0x0  }
0xd8: {  	[sflag:s6] =	ssyncadd.s32 $0xFFFFF800  }
0xd9: {  	_ =	swait.ge [sflag:s6], $0x800  }
0xda: {  	[sflag:s6] =	ssyncset.done $0x0  }
0xdb: {  	[sflag:s6] =	ssyncadd.s32 $0xFFFFF800  }
0xdc: {  	_ =	swait.ge [sflag:s6], $0x800  }
0xdd: {  	[sflag:s6] =	ssyncset.done $0x0  }
0xde: {  	[sflag:s6] =	ssyncadd.s32 $0xFFFFF800  }
0xdf: {  	_ =	swait.ge [sflag:s6], $0x800  }
0xe0: {  	[sflag:s6] =	ssyncset.done $0x0  }
0xe1: {  	[sflag:s6] =	ssyncadd.s32 $0xFFFFF800  }
0xe2: {  	_ =	swait.ge [sflag:s6], $0x800  }
0xe3: {  	[sflag:s6] =	ssyncset.done $0x0  }
0xe4: {  	[sflag:s6] =	ssyncadd.s32 $0xFFFFF800  }
0xe5: {  	_ =	swait.ge [sflag:s6], $0x800  }
0xe6: {  	[sflag:s6] =	ssyncset.done $0x0  }
0xe7: {  	s30 =	rddreg [dreg:$0x3];
	[sflag:s6] =	ssyncadd.s32 $0xFFFFF800  }
0xe8: {  	[hbm4b:s30+s2] =	stream.linear.scatter [tilespmem:s4], [sflag:$0x2], $0x6800, $0x38;
	[tilespmem:$0x6E80] =	vst v63  }
0xe9: {  	_ =	swait.ge [sflag:s3], $0x6800  }
0xea: {  	[sflag:s3] =	ssyncset.done $0x0  }
0xeb: {  	[sflag:s3] =	ssyncadd.s32 $0xFFFF9800  }
0xec: {  	_ =	sfence.sel $0x180000  }
0xed: {  	[bflag:$0x0] =	sbarrier.arrive $0xFFFF  }
0xee: {  	_ =	strace $0x90000047  }
0xef: {  	s31 =	stileid.u32;
	[bflag:$0x2] =	sbarrier.arrive $0xFFFF  }
0xf0: {  	p0 =	sne.s32 s31, $0x0;
	s0 =	rddreg [dreg:$0x1]  }
0xf1: {  	s0 =	sadd.s32 @!p0 $0x100000, s0  }
0xf2: {  	[sflag:s0] =	ssyncadd.tile.s32 @!p0 $0x1;
	_ =	shalt  }
.Lfunc_end2:
_tile_overlayer_lowered:
.L_overlay_start_2:
0xf3: {  	(tag) =	ssettag $0x2  }
0xf4: {  	s0 =	rddreg [dreg:$0x0];
	s2 =	stileid.u32  }
0xf5: {  	s1 =	rddreg [dreg:$0x1];
	p0 =	sne.s32 s2, $0x0  }
0xf6: {  	s3 =	rddreg [dreg:$0x2];
	[bflag:$0x3] =	sbarrier.arrive $0xFFFF;
	s2 =	simm.s32 @!p0 $0x1C02  }
0xf7: {  	[timem:s3], [sflag:s2] =	dma.local @!p0 [hbm:s0], s1  }
0xf8: {  	s0 =	simm.s32 @!p0 $0x2  }
0xf9: {  	_ =	swait.ge @!p0 [sflag:s0], s1  }
0xfa: {  	s1 =	ssub.s32 @!p0 $0x0, s1;
	[sflag:s0] =	ssyncset.done @!p0 $0x0  }
0xfb: {  	[sflag:s0] =	ssyncadd.s32 @!p0 s1  }
0xfc: {  	[bflag:$0x3] =	sbarrier.arrive $0xFFFF  }
0xfd: {  	_ =	shalt  }

</sc_bundles>
